<compile_context>
chip_gen: v7x
topology: tpu7x:2x2x1
jax: 0.10.2.dev20260603
libtpu: 0.0.44.dev20260713+nightly
codegen_flags: <defaults>
</compile_context>

<pallas_src>
import functools

import jax
import jax.numpy as jnp
from jax import lax
from jax.experimental import pallas as pl
from jax.experimental.pallas import tpu as pltpu
from jax.experimental.pallas import tpu_sc as plsc

_B, _S, _D, _H, _HEADS, _VOCAB = 64, 128, 512, 1024, 8, 30000
_DH = _H // _HEADS
_BB = 8

_NC, _NS = 2, 16
_NW = _NC * _NS
_ROWS = _B * _S
_RPW = _ROWS // _NW
_CHUNK = 128


def _emb_gather(idx, table):
  mesh = plsc.VectorSubcoreMesh(core_axis_name="c", subcore_axis_name="s")

  @functools.partial(
      pl.kernel, mesh=mesh,
      out_type=jax.ShapeDtypeStruct((_ROWS, _D), jnp.float32),
      scratch_types=[
          pltpu.VMEM((_CHUNK,), jnp.int32),
          pltpu.VMEM((_CHUNK, _D), jnp.float32),
          pltpu.SemaphoreType.DMA,
      ],
  )
  def gather_kernel(idx_hbm, table_hbm, out_hbm, idx_v, rows_v, sem):
    wid = lax.axis_index("s") * _NC + lax.axis_index("c")
    base = wid * _RPW
    for c in range(_RPW // _CHUNK):
      off = base + c * _CHUNK
      pltpu.sync_copy(idx_hbm.at[pl.ds(off, _CHUNK)], idx_v)
      pltpu.async_copy(table_hbm.at[idx_v], rows_v, sem).wait()
      pltpu.sync_copy(rows_v, out_hbm.at[pl.ds(off, _CHUNK)])

  return gather_kernel(idx, table)


def _lrelu(x):
  return jnp.where(x >= 0.0, x, 0.2 * x)


def _elu(x):
  return jnp.where(x > 0.0, x, jnp.exp(jnp.where(x > 0.0, 0.0, x)) - 1.0)



_BF = jnp.bfloat16

assert _BB == _HEADS and _S == _DH


def _tc_body(x_ref, a1_ref, a2_ref, a3_ref, sw1_ref, cw1_ref, gw1_ref,
             sb1_ref, sw2_ref,
             sb2_ref, cb1_ref, cw2_ref, cb2_ref, gw2_ref, asrct_ref, adst_ref,
             expand_ref, blk_ref,
             a2src_ref, a2dst_ref, outw_ref, outb_ref, o_ref):
  xx = x_ref[...].reshape(_BB * _S, _D).astype(_BF)
  ts_all = jnp.dot(xx, sw1_ref[...],
                   preferred_element_type=jnp.float32).astype(_BF)
  tc_all = jnp.dot(xx, cw1_ref[...],
                   preferred_element_type=jnp.float32).astype(_BF)
  hg_all = jnp.dot(xx, gw1_ref[...],
                   preferred_element_type=jnp.float32).astype(_BF)

  a1_all = a1_ref[...]
  a2_all = a2_ref[...]
  a1n_all = (a1_all / (jnp.sum(a1_all, axis=-1, keepdims=True) + 1.0)
             ).astype(_BF)
  a2n_all = (a2_all / (jnp.sum(a2_all, axis=-1, keepdims=True) + 1.0)
             ).astype(_BF)

  hs_l, hc_l, h1_l = [], [], []
  for i in range(_BB):
    a3 = a3_ref[i]
    a1n = a1n_all[i]
    a2n = a2n_all[i]
    hs = jnp.maximum(
        jnp.dot(a1n, ts_all[i * _S:(i + 1) * _S],
                preferred_element_type=jnp.float32)
        + sb1_ref[...], 0.0)
    hc = jnp.maximum(
        jnp.dot(a2n, tc_all[i * _S:(i + 1) * _S],
                preferred_element_type=jnp.float32)
        + cb1_ref[...], 0.0)
    hg = hg_all[i * _S:(i + 1) * _S]
    m3 = a3 > 0.0
    es_all = jnp.dot(hg, asrct_ref[...],
                     preferred_element_type=jnp.float32)
    edt_all = lax.dot_general(adst_ref[...], hg,
                              (((1,), (1,)), ((), ())),
                              preferred_element_type=jnp.float32)
    es_big = jnp.dot(es_all, expand_ref[...],
                     preferred_element_type=jnp.float32)
    ed_flat = edt_all.reshape(1, _H)
    m3big = jnp.concatenate([m3] * _HEADS, axis=1)
    p_big = jnp.where(m3big, jnp.exp(_lrelu(es_big + ed_flat)), 0.0)
    s_blk = jnp.dot(p_big, blk_ref[...],
                    preferred_element_type=jnp.float32)
    pb = p_big.astype(_BF)
    parts = []
    for hd in range(_HEADS):
      agg = jnp.dot(pb[:, hd * _DH:(hd + 1) * _DH],
                    hg[:, hd * _DH:(hd + 1) * _DH],
                    preferred_element_type=jnp.float32)
      parts.append(agg / s_blk[:, hd:hd + 1])
    h1 = _elu(jnp.concatenate(parts, axis=1))
    hs_l.append(hs.astype(_BF))
    hc_l.append(hc.astype(_BF))
    h1_l.append(h1.astype(_BF))

  t2s = jnp.dot(jnp.concatenate(hs_l, axis=0), sw2_ref[...],
                preferred_element_type=jnp.float32).astype(_BF)
  t2c = jnp.dot(jnp.concatenate(hc_l, axis=0), cw2_ref[...],
                preferred_element_type=jnp.float32).astype(_BF)
  h2_all = jnp.dot(jnp.concatenate(h1_l, axis=0), gw2_ref[...],
                   preferred_element_type=jnp.float32)
  h2b_all = h2_all.astype(_BF)
  es2_all = jnp.dot(h2b_all, a2src_ref[...],
                    preferred_element_type=jnp.float32)
  ed2t_all = lax.dot_general(a2dst_ref[...], h2b_all,
                             (((1,), (1,)), ((), ())),
                             preferred_element_type=jnp.float32)

  m_all = a3_ref[...].reshape(_BB * _S, _S) > 0.0
  ed2_rows = ed2t_all.reshape(_BB, _S)
  e2_big = es2_all + jnp.dot(blk_ref[...], ed2_rows,
                             preferred_element_type=jnp.float32)
  p2 = jnp.where(m_all, jnp.exp(_lrelu(e2_big)), 0.0)
  s2 = jnp.sum(p2, axis=-1, keepdims=True)
  p2b = p2.astype(_BF)

  syn_l, com_l, sem_l = [], [], []
  for i in range(_BB):
    syn_l.append(jnp.maximum(
        jnp.dot(a1n_all[i], t2s[i * _S:(i + 1) * _S],
                preferred_element_type=jnp.float32)
        + sb2_ref[...], 0.0))
    com_l.append(jnp.maximum(
        jnp.dot(a2n_all[i], t2c[i * _S:(i + 1) * _S],
                preferred_element_type=jnp.float32)
        + cb2_ref[...], 0.0))
    sem_l.append(_elu(
        jnp.dot(p2b[i * _S:(i + 1) * _S], h2b_all[i * _S:(i + 1) * _S],
                preferred_element_type=jnp.float32)
        / s2[i * _S:(i + 1) * _S]))
  g_all = jnp.concatenate([
      jnp.concatenate(syn_l, axis=0),
      jnp.concatenate(com_l, axis=0),
      jnp.concatenate(sem_l, axis=0)], axis=1)
  o_all = (jnp.dot(g_all, outw_ref[...], preferred_element_type=jnp.float32)
           + outb_ref[...])
  o_ref[...] = o_all.reshape(_BB, _S, 3)


def _tc_specs():
  def blk(b):
    return (b, 0, 0)

  def whole(b):
    return (0, 0)

  in_specs = [
      pl.BlockSpec((_BB, _S, _D), blk),
      pl.BlockSpec((_BB, _S, _S), blk),
      pl.BlockSpec((_BB, _S, _S), blk),
      pl.BlockSpec((_BB, _S, _S), blk),
      pl.BlockSpec((_D, _H), whole),
      pl.BlockSpec((_D, _H), whole),
      pl.BlockSpec((_D, _H), whole),
      pl.BlockSpec((1, _H), whole),
      pl.BlockSpec((_H, _D), whole),
      pl.BlockSpec((1, _D), whole),
      pl.BlockSpec((1, _H), whole),
      pl.BlockSpec((_H, _D), whole),
      pl.BlockSpec((1, _D), whole),
      pl.BlockSpec((_H, _D), whole),
      pl.BlockSpec((_H, _HEADS), whole),
      pl.BlockSpec((_HEADS, _H), whole),
      pl.BlockSpec((_HEADS, _H), whole),
      pl.BlockSpec((_H, _HEADS), whole),
      pl.BlockSpec((_D, 1), whole),
      pl.BlockSpec((1, _D), whole),
      pl.BlockSpec((3 * _D, 3), whole),
      pl.BlockSpec((1, 3), whole),
  ]
  return dict(
      grid=(_B // _BB,),
      in_specs=in_specs,
      out_specs=pl.BlockSpec((_BB, _S, 3), blk),
      out_shape=jax.ShapeDtypeStruct((_B, _S, 3), jnp.float32),
  )


def kernel(inputs, adj1, adj2, adj3, emb_table, syn_W1, syn_b1, syn_W2,
           syn_b2, com_W1, com_b1, com_W2, com_b2, gat_W1, gat_a_src,
           gat_a_dst, gat_W2, gat_a2_src, gat_a2_dst, out_W, out_b):
  idx = inputs.reshape(-1).astype(jnp.int32)
  x = _emb_gather(idx, emb_table).reshape(_B, _S, _D)
  w1g = jnp.transpose(gat_W1, (1, 0, 2)).reshape(_D, _H)
  head_eye = jnp.eye(_HEADS, dtype=jnp.float32)
  asrc_mat = jnp.einsum('he,hk->hek', gat_a_src, head_eye).reshape(_H, _HEADS)
  adst_big = jnp.einsum('he,hk->hke', gat_a_dst, head_eye).reshape(_HEADS, _H)
  return pl.pallas_call(
      _tc_body,
      compiler_params=pltpu.CompilerParams(
          dimension_semantics=("arbitrary",)),
      **_tc_specs(),
  )(x, adj1, adj2, adj3,
    syn_W1.astype(_BF), com_W1.astype(_BF), w1g.astype(_BF),
    syn_b1.reshape(1, _H), syn_W2.astype(_BF), syn_b2.reshape(1, _D),
    com_b1.reshape(1, _H), com_W2.astype(_BF), com_b2.reshape(1, _D),
    gat_W2.astype(_BF), asrc_mat.astype(_BF), adst_big.astype(_BF),
    jnp.repeat(head_eye, _DH, axis=1),
    jnp.repeat(head_eye, _DH, axis=0),
    gat_a2_src.reshape(_D, 1).astype(_BF),
    gat_a2_dst.reshape(1, _D).astype(_BF),
    out_W, out_b.reshape(1, 3))

# --- scband reference (transcript-rebuilt; emitter-appended) ---
"""Pipeline reference for scband-sskmodel-56727928046118 (READ-ONLY COPY).

The authoritative reference and input builder live on the scoring server;
editing this copy changes nothing except your own understanding.
"""

import jax, jax.numpy as jnp
import numpy as np

B, S, D, H, HEADS, VOCAB = 64, 128, 512, 1024, 8, 30000
DH = H // HEADS

def setup_inputs(seed: int = 0):
    key = jax.random.key(seed)
    ks = jax.random.split(key, 24)
    inp = {}
    inp['inputs'] = jax.random.randint(ks[0], (B, S), 0, VOCAB)
    inp['adj1'] = jax.random.uniform(ks[1], (B, S, S), dtype=jnp.float32)
    inp['adj2'] = jax.random.uniform(ks[2], (B, S, S), dtype=jnp.float32)
    inp['adj3'] = jax.random.uniform(ks[3], (B, S, S), dtype=jnp.float32)
    inp['emb_table'] = jax.random.normal(ks[4], (VOCAB, D), dtype=jnp.float32) * 0.02
    inp['syn_W1'] = jax.random.normal(ks[5], (D, H), dtype=jnp.float32) / np.sqrt(D)
    inp['syn_b1'] = jnp.zeros((H,), dtype=jnp.float32)
    inp['syn_W2'] = jax.random.normal(ks[6], (H, D), dtype=jnp.float32) / np.sqrt(H)
    inp['syn_b2'] = jnp.zeros((D,), dtype=jnp.float32)
    inp['com_W1'] = jax.random.normal(ks[7], (D, H), dtype=jnp.float32) / np.sqrt(D)
    inp['com_b1'] = jnp.zeros((H,), dtype=jnp.float32)
    inp['com_W2'] = jax.random.normal(ks[8], (H, D), dtype=jnp.float32) / np.sqrt(H)
    inp['com_b2'] = jnp.zeros((D,), dtype=jnp.float32)
    inp['gat_W1'] = jax.random.normal(ks[9], (HEADS, D, DH), dtype=jnp.float32) / np.sqrt(D)
    inp['gat_a_src'] = jax.random.normal(ks[10], (HEADS, DH), dtype=jnp.float32) * 0.1
    inp['gat_a_dst'] = jax.random.normal(ks[11], (HEADS, DH), dtype=jnp.float32) * 0.1
    inp['gat_W2'] = jax.random.normal(ks[12], (H, D), dtype=jnp.float32) / np.sqrt(H)
    inp['gat_a2_src'] = jax.random.normal(ks[13], (D,), dtype=jnp.float32) * 0.1
    inp['gat_a2_dst'] = jax.random.normal(ks[14], (D,), dtype=jnp.float32) * 0.1
    inp['out_W'] = jax.random.normal(ks[15], (3 * D, 3), dtype=jnp.float32) / np.sqrt(3 * D)
    inp['out_b'] = jnp.zeros((3,), dtype=jnp.float32)
    return inp

def _gcn(x, adj, W1, b1, W2, b2):
    deg = jnp.sum(adj, axis=-1, keepdims=True) + 1.0
    h = jax.nn.relu(jnp.matmul(adj, jnp.matmul(x, W1)) / deg + b1)
    return jax.nn.relu(jnp.matmul(adj, jnp.matmul(h, W2)) / deg + b2)

def _gat(x, adj, W1, a_src, a_dst, W2, a2_src, a2_dst, alpha=0.2):
    h = jnp.einsum('bsd,hde->bhse', x, W1)
    es = jnp.einsum('bhse,he->bhs', h, a_src)
    ed = jnp.einsum('bhse,he->bhs', h, a_dst)
    e = jax.nn.leaky_relu(es[:, :, :, None] + ed[:, :, None, :], alpha)
    mask = (adj > 0.0)[:, None, :, :]
    att = jax.nn.softmax(jnp.where(mask, e, -1e9), axis=-1)
    agg = jnp.matmul(att, h)
    h1 = jax.nn.elu(jnp.transpose(agg, (0, 2, 1, 3)).reshape(agg.shape[0], agg.shape[2], -1))
    h2 = jnp.matmul(h1, W2)
    es2 = jnp.matmul(h2, a2_src)
    ed2 = jnp.matmul(h2, a2_dst)
    e2 = jax.nn.leaky_relu(es2[:, :, None] + ed2[:, None, :], alpha)
    att2 = jax.nn.softmax(jnp.where(adj > 0.0, e2, -1e9), axis=-1)
    return jax.nn.elu(jnp.matmul(att2, h2))

def reference(inputs, adj1, adj2, adj3, emb_table, syn_W1, syn_b1, syn_W2, syn_b2, com_W1, com_b1, com_W2, com_b2, gat_W1, gat_a_src, gat_a_dst, gat_W2, gat_a2_src, gat_a2_dst, out_W, out_b):
    x = jnp.take(emb_table, inputs, axis=0)
    syn = _gcn(x, adj1, syn_W1, syn_b1, syn_W2, syn_b2)
    com = _gcn(x, adj2, com_W1, com_b1, com_W2, com_b2)
    sem = _gat(x, adj3, gat_W1, gat_a_src, gat_a_dst, gat_W2, gat_a2_src, gat_a2_dst)
    g = jnp.concatenate((syn, com, sem), axis=-1)
    return jnp.matmul(g, out_W) + out_b

if __name__ == "__main__":
    import jax
    _d = setup_inputs()
    print(jax.jit(kernel)(*tuple(_d.values())))

</pallas_src>

<mosaic_0001>
#map = affine_map<(d0, d1) -> (0)>
#map1 = affine_map<(d0, d1) -> (0, 0)>
module attributes {stable_mosaic.version = 14 : i64} {
  func.func @gather_kernel(%arg0: i32, %arg1: i32, %arg2: memref<8192xi32, #tpu.memory_space<hbm>>, %arg3: memref<30000x512xf32, #tpu.memory_space<hbm>>, %arg4: memref<8192x512xf32, #tpu.memory_space<hbm>>, %arg5: memref<128xi32, #tpu.memory_space<vmem>>, %arg6: memref<128x512xf32, #tpu.memory_space<vmem>>, %arg7: memref<!tpu.dma_semaphore, #tpu.memory_space<semaphore_mem>>) attributes {dimension_semantics = [#tpu.dimension_semantics<core_parallel>, #tpu.dimension_semantics<subcore_parallel>], iteration_bounds = array<i64: 2, 16>, scalar_prefetch = 0 : i64, scratch_operands = 3 : i64, tpu.core_type = #tpu.core_type<sc_vector_subcore>, window_params = [{transform_indices = #map}, {transform_indices = #map1}, {transform_indices = #map1}]} {
    %mul3A = arith.constant 2 : i32
    %mul3A_0 = arith.muli %arg1, %mul3A : i32
    %add3A = arith.addi %mul3A_0, %arg0 : i32
    %mul3A_1 = arith.constant 256 : i32
    %mul3A_2 = arith.muli %add3A, %mul3A_1 : i32
    %add3A_3 = arith.constant 0 : i32
    %add3A_4 = arith.addi %mul3A_2, %add3A_3 : i32
    "tpu.region"() ({
      %run_scoped3A = tpu.sem_alloc : memref<!tpu.dma_semaphore, #tpu.memory_space<semaphore_mem>>
      %dma_start3A_17 = tpu.memref_slice %arg2[%add3A_4] : memref<8192xi32, #tpu.memory_space<hbm>> -> memref<128xi32, #tpu.memory_space<hbm>>
      %dma_start3A_18 = tpu.memref_slice %arg2[%add3A_4] : memref<8192xi32, #tpu.memory_space<hbm>> -> memref<128xi32, #tpu.memory_space<hbm>>
      tpu.enqueue_dma source(%dma_start3A_18 : memref<128xi32, #tpu.memory_space<hbm>>) target(%arg5 : memref<128xi32, #tpu.memory_space<vmem>>) target_semaphore(%run_scoped3A : memref<!tpu.dma_semaphore, #tpu.memory_space<semaphore_mem>>)
      %dma_wait3A_19 = tpu.memref_slice %arg2[%add3A_4] : memref<8192xi32, #tpu.memory_space<hbm>> -> memref<128xi32, #tpu.memory_space<hbm>>
      %dma_wait3A_20 = tpu.memref_slice %arg2[%add3A_4] : memref<8192xi32, #tpu.memory_space<hbm>> -> memref<128xi32, #tpu.memory_space<hbm>>
      tpu.wait_dma2 semaphore(%run_scoped3A : memref<!tpu.dma_semaphore, #tpu.memory_space<semaphore_mem>>) src(%dma_wait3A_20 : memref<128xi32, #tpu.memory_space<hbm>>) dst(%arg5 : memref<128xi32, #tpu.memory_space<vmem>>)
      tpu.yield
    }) : () -> ()
    %dma_start3A = arith.constant 0 : i32
    %dma_start3A_5 = arith.constant 0 : i32
    %dma_start3A_6 = tpu.memref_slice %arg3[%dma_start3A, %dma_start3A_5] : memref<30000x512xf32, #tpu.memory_space<hbm>> -> memref<30000x512xf32, #tpu.memory_space<hbm>>
    tpu.enqueue_indirect_dma source(%dma_start3A_6 : memref<30000x512xf32, #tpu.memory_space<hbm>>) target(%arg6 : memref<128x512xf32, #tpu.memory_space<vmem>>) offsets(%arg5 : memref<128xi32, #tpu.memory_space<vmem>>) semaphore(%arg7 : memref<!tpu.dma_semaphore, #tpu.memory_space<semaphore_mem>>)
    %dma_wait3A = arith.constant 0 : i32
    %dma_wait3A_7 = arith.constant 0 : i32
    %dma_wait3A_8 = tpu.memref_slice %arg3[%dma_wait3A, %dma_wait3A_7] : memref<30000x512xf32, #tpu.memory_space<hbm>> -> memref<30000x512xf32, #tpu.memory_space<hbm>>
    tpu.wait_indirect_dma semaphore(%arg7 : memref<!tpu.dma_semaphore, #tpu.memory_space<semaphore_mem>>) src(%dma_wait3A_8 : memref<30000x512xf32, #tpu.memory_space<hbm>>) dst(%arg6 : memref<128x512xf32, #tpu.memory_space<vmem>>)
    "tpu.region"() ({
      %run_scoped3A = tpu.sem_alloc : memref<!tpu.dma_semaphore, #tpu.memory_space<semaphore_mem>>
      %dma_start3A_17 = arith.constant 0 : i32
      %dma_start3A_18 = tpu.memref_slice %arg4[%add3A_4, %dma_start3A_17] : memref<8192x512xf32, #tpu.memory_space<hbm>> -> memref<128x512xf32, #tpu.memory_space<hbm>>
      %dma_start3A_19 = arith.constant 0 : i32
      %dma_start3A_20 = tpu.memref_slice %arg4[%add3A_4, %dma_start3A_19] : memref<8192x512xf32, #tpu.memory_space<hbm>> -> memref<128x512xf32, #tpu.memory_space<hbm>>
      tpu.enqueue_dma source(%arg6 : memref<128x512xf32, #tpu.memory_space<vmem>>) target(%dma_start3A_20 : memref<128x512xf32, #tpu.memory_space<hbm>>) target_semaphore(%run_scoped3A : memref<!tpu.dma_semaphore, #tpu.memory_space<semaphore_mem>>)
      %dma_wait3A_21 = arith.constant 0 : i32
      %dma_wait3A_22 = tpu.memref_slice %arg4[%add3A_4, %dma_wait3A_21] : memref<8192x512xf32, #tpu.memory_space<hbm>> -> memref<128x512xf32, #tpu.memory_space<hbm>>
      %dma_wait3A_23 = arith.constant 0 : i32
      %dma_wait3A_24 = tpu.memref_slice %arg4[%add3A_4, %dma_wait3A_23] : memref<8192x512xf32, #tpu.memory_space<hbm>> -> memref<128x512xf32, #tpu.memory_space<hbm>>
      tpu.wait_dma2 semaphore(%run_scoped3A : memref<!tpu.dma_semaphore, #tpu.memory_space<semaphore_mem>>) src(%arg6 : memref<128x512xf32, #tpu.memory_space<vmem>>) dst(%dma_wait3A_24 : memref<128x512xf32, #tpu.memory_space<hbm>>)
      tpu.yield
    }) : () -> ()
    %add3A_9 = arith.constant 128 : i32
    %add3A_10 = arith.addi %mul3A_2, %add3A_9 : i32
    "tpu.region"() ({
      %run_scoped3A = tpu.sem_alloc : memref<!tpu.dma_semaphore, #tpu.memory_space<semaphore_mem>>
      %dma_start3A_17 = tpu.memref_slice %arg2[%add3A_10] : memref<8192xi32, #tpu.memory_space<hbm>> -> memref<128xi32, #tpu.memory_space<hbm>>
      %dma_start3A_18 = tpu.memref_slice %arg2[%add3A_10] : memref<8192xi32, #tpu.memory_space<hbm>> -> memref<128xi32, #tpu.memory_space<hbm>>
      tpu.enqueue_dma source(%dma_start3A_18 : memref<128xi32, #tpu.memory_space<hbm>>) target(%arg5 : memref<128xi32, #tpu.memory_space<vmem>>) target_semaphore(%run_scoped3A : memref<!tpu.dma_semaphore, #tpu.memory_space<semaphore_mem>>)
      %dma_wait3A_19 = tpu.memref_slice %arg2[%add3A_10] : memref<8192xi32, #tpu.memory_space<hbm>> -> memref<128xi32, #tpu.memory_space<hbm>>
      %dma_wait3A_20 = tpu.memref_slice %arg2[%add3A_10] : memref<8192xi32, #tpu.memory_space<hbm>> -> memref<128xi32, #tpu.memory_space<hbm>>
      tpu.wait_dma2 semaphore(%run_scoped3A : memref<!tpu.dma_semaphore, #tpu.memory_space<semaphore_mem>>) src(%dma_wait3A_20 : memref<128xi32, #tpu.memory_space<hbm>>) dst(%arg5 : memref<128xi32, #tpu.memory_space<vmem>>)
      tpu.yield
    }) : () -> ()
    %dma_start3A_11 = arith.constant 0 : i32
    %dma_start3A_12 = arith.constant 0 : i32
    %dma_start3A_13 = tpu.memref_slice %arg3[%dma_start3A_11, %dma_start3A_12] : memref<30000x512xf32, #tpu.memory_space<hbm>> -> memref<30000x512xf32, #tpu.memory_space<hbm>>
    tpu.enqueue_indirect_dma source(%dma_start3A_13 : memref<30000x512xf32, #tpu.memory_space<hbm>>) target(%arg6 : memref<128x512xf32, #tpu.memory_space<vmem>>) offsets(%arg5 : memref<128xi32, #tpu.memory_space<vmem>>) semaphore(%arg7 : memref<!tpu.dma_semaphore, #tpu.memory_space<semaphore_mem>>)
    %dma_wait3A_14 = arith.constant 0 : i32
    %dma_wait3A_15 = arith.constant 0 : i32
    %dma_wait3A_16 = tpu.memref_slice %arg3[%dma_wait3A_14, %dma_wait3A_15] : memref<30000x512xf32, #tpu.memory_space<hbm>> -> memref<30000x512xf32, #tpu.memory_space<hbm>>
    tpu.wait_indirect_dma semaphore(%arg7 : memref<!tpu.dma_semaphore, #tpu.memory_space<semaphore_mem>>) src(%dma_wait3A_16 : memref<30000x512xf32, #tpu.memory_space<hbm>>) dst(%arg6 : memref<128x512xf32, #tpu.memory_space<vmem>>)
    "tpu.region"() ({
      %run_scoped3A = tpu.sem_alloc : memref<!tpu.dma_semaphore, #tpu.memory_space<semaphore_mem>>
      %dma_start3A_17 = arith.constant 0 : i32
      %dma_start3A_18 = tpu.memref_slice %arg4[%add3A_10, %dma_start3A_17] : memref<8192x512xf32, #tpu.memory_space<hbm>> -> memref<128x512xf32, #tpu.memory_space<hbm>>
      %dma_start3A_19 = arith.constant 0 : i32
      %dma_start3A_20 = tpu.memref_slice %arg4[%add3A_10, %dma_start3A_19] : memref<8192x512xf32, #tpu.memory_space<hbm>> -> memref<128x512xf32, #tpu.memory_space<hbm>>
      tpu.enqueue_dma source(%arg6 : memref<128x512xf32, #tpu.memory_space<vmem>>) target(%dma_start3A_20 : memref<128x512xf32, #tpu.memory_space<hbm>>) target_semaphore(%run_scoped3A : memref<!tpu.dma_semaphore, #tpu.memory_space<semaphore_mem>>)
      %dma_wait3A_21 = arith.constant 0 : i32
      %dma_wait3A_22 = tpu.memref_slice %arg4[%add3A_10, %dma_wait3A_21] : memref<8192x512xf32, #tpu.memory_space<hbm>> -> memref<128x512xf32, #tpu.memory_space<hbm>>
      %dma_wait3A_23 = arith.constant 0 : i32
      %dma_wait3A_24 = tpu.memref_slice %arg4[%add3A_10, %dma_wait3A_23] : memref<8192x512xf32, #tpu.memory_space<hbm>> -> memref<128x512xf32, #tpu.memory_space<hbm>>
      tpu.wait_dma2 semaphore(%run_scoped3A : memref<!tpu.dma_semaphore, #tpu.memory_space<semaphore_mem>>) src(%arg6 : memref<128x512xf32, #tpu.memory_space<vmem>>) dst(%dma_wait3A_24 : memref<128x512xf32, #tpu.memory_space<hbm>>)
      tpu.yield
    }) : () -> ()
    return
  }
}

module attributes {stable_mosaic.version = 14 : i64} {
  func.func @_tc_body(%arg0: i32, %arg1: memref<8x128x512xf32, #tpu.memory_space<vmem>>, %arg2: memref<8x128x128xf32, #tpu.memory_space<vmem>>, %arg3: memref<8x128x128xf32, #tpu.memory_space<vmem>>, %arg4: memref<8x128x128xf32, #tpu.memory_space<vmem>>, %arg5: memref<512x1024xbf16, #tpu.memory_space<vmem>>, %arg6: memref<512x1024xbf16, #tpu.memory_space<vmem>>, %arg7: memref<512x1024xbf16, #tpu.memory_space<vmem>>, %arg8: memref<1x1024xf32, #tpu.memory_space<vmem>>, %arg9: memref<1024x512xbf16, #tpu.memory_space<vmem>>, %arg10: memref<1x512xf32, #tpu.memory_space<vmem>>, %arg11: memref<1x1024xf32, #tpu.memory_space<vmem>>, %arg12: memref<1024x512xbf16, #tpu.memory_space<vmem>>, %arg13: memref<1x512xf32, #tpu.memory_space<vmem>>, %arg14: memref<1024x512xbf16, #tpu.memory_space<vmem>>, %arg15: memref<1024x8xbf16, #tpu.memory_space<vmem>>, %arg16: memref<8x1024xbf16, #tpu.memory_space<vmem>>, %arg17: memref<8x1024xf32, #tpu.memory_space<vmem>>, %arg18: memref<1024x8xf32, #tpu.memory_space<vmem>>, %arg19: memref<512x1xbf16, #tpu.memory_space<vmem>>, %arg20: memref<1x512xbf16, #tpu.memory_space<vmem>>, %arg21: memref<1536x3xf32, #tpu.memory_space<vmem>>, %arg22: memref<1x3xf32, #tpu.memory_space<vmem>>, %arg23: memref<8x128x3xf32, #tpu.memory_space<vmem>>) attributes {dimension_semantics = [#tpu.dimension_semantics<arbitrary>], iteration_bounds = array<i64: 8>, scalar_prefetch = 0 : i64, scratch_operands = 0 : i64, tpu.core_type = #tpu.core_type<tc>, window_params = [{transform_indices = @transform_0, window_bounds = array<i64: 8, 128, 512>}, {transform_indices = @transform_1, window_bounds = array<i64: 8, 128, 128>}, {transform_indices = @transform_2, window_bounds = array<i64: 8, 128, 128>}, {transform_indices = @transform_3, window_bounds = array<i64: 8, 128, 128>}, {pipeline_mode = #tpu.pipeline_mode<synchronous>, transform_indices = @transform_4, window_bounds = array<i64: 512, 1024>}, {pipeline_mode = #tpu.pipeline_mode<synchronous>, transform_indices = @transform_5, window_bounds = array<i64: 512, 1024>}, {pipeline_mode = #tpu.pipeline_mode<synchronous>, transform_indices = @transform_6, window_bounds = array<i64: 512, 1024>}, {pipeline_mode = #tpu.pipeline_mode<synchronous>, transform_indices = @transform_7, window_bounds = array<i64: 1, 1024>}, {pipeline_mode = #tpu.pipeline_mode<synchronous>, transform_indices = @transform_8, window_bounds = array<i64: 1024, 512>}, {pipeline_mode = #tpu.pipeline_mode<synchronous>, transform_indices = @transform_9, window_bounds = array<i64: 1, 512>}, {pipeline_mode = #tpu.pipeline_mode<synchronous>, transform_indices = @transform_10, window_bounds = array<i64: 1, 1024>}, {pipeline_mode = #tpu.pipeline_mode<synchronous>, transform_indices = @transform_11, window_bounds = array<i64: 1024, 512>}, {pipeline_mode = #tpu.pipeline_mode<synchronous>, transform_indices = @transform_12, window_bounds = array<i64: 1, 512>}, {pipeline_mode = #tpu.pipeline_mode<synchronous>, transform_indices = @transform_13, window_bounds = array<i64: 1024, 512>}, {pipeline_mode = #tpu.pipeline_mode<synchronous>, transform_indices = @transform_14, window_bounds = array<i64: 1024, 8>}, {pipeline_mode = #tpu.pipeline_mode<synchronous>, transform_indices = @transform_15, window_bounds = array<i64: 8, 1024>}, {pipeline_mode = #tpu.pipeline_mode<synchronous>, transform_indices = @transform_16, window_bounds = array<i64: 8, 1024>}, {pipeline_mode = #tpu.pipeline_mode<synchronous>, transform_indices = @transform_17, window_bounds = array<i64: 1024, 8>}, {pipeline_mode = #tpu.pipeline_mode<synchronous>, transform_indices = @transform_18, window_bounds = array<i64: 512, 1>}, {pipeline_mode = #tpu.pipeline_mode<synchronous>, transform_indices = @transform_19, window_bounds = array<i64: 1, 512>}, {pipeline_mode = #tpu.pipeline_mode<synchronous>, transform_indices = @transform_20, window_bounds = array<i64: 1536, 3>}, {pipeline_mode = #tpu.pipeline_mode<synchronous>, transform_indices = @transform_21, window_bounds = array<i64: 1, 3>}, {transform_indices = @transform_22, window_bounds = array<i64: 8, 128, 3>}]} {
    %get3A = arith.constant 0 : index
    %get3A_0 = arith.constant 0 : index
    %get3A_1 = arith.constant 0 : index
    %get3A_2 = vector.load %arg1[%get3A, %get3A_0, %get3A_1] : memref<8x128x512xf32, #tpu.memory_space<vmem>>, vector<8x128x512xf32>
    %reshape3A = vector.shape_cast %get3A_2 : vector<8x128x512xf32> to vector<1024x512xf32>
    %convert_element_type3A = arith.truncf %reshape3A : vector<1024x512xf32> to vector<1024x512xbf16>
    %get3A_3 = arith.constant 0 : index
    %get3A_4 = arith.constant 0 : index
    %get3A_5 = vector.load %arg5[%get3A_3, %get3A_4] : memref<512x1024xbf16, #tpu.memory_space<vmem>>, vector<512x1024xbf16>
    %dot_general3A = arith.constant dense<0.000000e+00> : vector<1024x1024xf32>
    %dot_general3A_6 = tpu.matmul %convert_element_type3A, %get3A_5, %dot_general3A {dimension_numbers = #tpu.dot_dimension_numbers<[1], [0], [0], [1], [0, 0, 1, 1], [], []>, transpose_lhs_hint = false} : vector<1024x512xbf16>, vector<512x1024xbf16>, vector<1024x1024xf32> -> vector<1024x1024xf32>
    %convert_element_type3A_7 = arith.truncf %dot_general3A_6 : vector<1024x1024xf32> to vector<1024x1024xbf16>
    %get3A_8 = arith.constant 0 : index
    %get3A_9 = arith.constant 0 : index
    %get3A_10 = vector.load %arg6[%get3A_8, %get3A_9] : memref<512x1024xbf16, #tpu.memory_space<vmem>>, vector<512x1024xbf16>
    %dot_general3A_11 = arith.constant dense<0.000000e+00> : vector<1024x1024xf32>
    %dot_general3A_12 = tpu.matmul %convert_element_type3A, %get3A_10, %dot_general3A_11 {dimension_numbers = #tpu.dot_dimension_numbers<[1], [0], [0], [1], [0, 0, 1, 1], [], []>, transpose_lhs_hint = false} : vector<1024x512xbf16>, vector<512x1024xbf16>, vector<1024x1024xf32> -> vector<1024x1024xf32>
    %convert_element_type3A_13 = arith.truncf %dot_general3A_12 : vector<1024x1024xf32> to vector<1024x1024xbf16>
    %get3A_14 = arith.constant 0 : index
    %get3A_15 = arith.constant 0 : index
    %get3A_16 = vector.load %arg7[%get3A_14, %get3A_15] : memref<512x1024xbf16, #tpu.memory_space<vmem>>, vector<512x1024xbf16>
    %dot_general3A_17 = arith.constant dense<0.000000e+00> : vector<1024x1024xf32>
    %dot_general3A_18 = tpu.matmul %convert_element_type3A, %get3A_16, %dot_general3A_17 {dimension_numbers = #tpu.dot_dimension_numbers<[1], [0], [0], [1], [0, 0, 1, 1], [], []>, transpose_lhs_hint = false} : vector<1024x512xbf16>, vector<512x1024xbf16>, vector<1024x1024xf32> -> vector<1024x1024xf32>
    %convert_element_type3A_19 = arith.truncf %dot_general3A_18 : vector<1024x1024xf32> to vector<1024x1024xbf16>
    %get3A_20 = arith.constant 0 : index
    %get3A_21 = arith.constant 0 : index
    %get3A_22 = arith.constant 0 : index
    %get3A_23 = vector.load %arg2[%get3A_20, %get3A_21, %get3A_22] : memref<8x128x128xf32, #tpu.memory_space<vmem>>, vector<8x128x128xf32>
    %get3A_24 = arith.constant 0 : index
    %get3A_25 = arith.constant 0 : index
    %get3A_26 = arith.constant 0 : index
    %get3A_27 = vector.load %arg3[%get3A_24, %get3A_25, %get3A_26] : memref<8x128x128xf32, #tpu.memory_space<vmem>>, vector<8x128x128xf32>
    %reduce_sum3A = arith.constant dense<0.000000e+00> : vector<8x128xf32>
    %reduce_sum3A_28 = vector.multi_reduction <add>, %get3A_23, %reduce_sum3A [2] : vector<8x128x128xf32> to vector<8x128xf32>
    %broadcast_in_dim3A = vector.shape_cast %reduce_sum3A_28 : vector<8x128xf32> to vector<8x128x1xf32>
    %add3A = arith.constant 1.000000e+00 : f32
    %add3A_29 = vector.broadcast %add3A : f32 to vector<8x128x1xf32>
    %add3A_30 = arith.addf %broadcast_in_dim3A, %add3A_29 : vector<8x128x1xf32>
    %div3A = vector.broadcast %add3A_30 : vector<8x128x1xf32> to vector<8x128x128xf32>
    %div3A_31 = arith.divf %get3A_23, %div3A : vector<8x128x128xf32>
    %convert_element_type3A_32 = arith.truncf %div3A_31 : vector<8x128x128xf32> to vector<8x128x128xbf16>
    %reduce_sum3A_33 = arith.constant dense<0.000000e+00> : vector<8x128xf32>
    %reduce_sum3A_34 = vector.multi_reduction <add>, %get3A_27, %reduce_sum3A_33 [2] : vector<8x128x128xf32> to vector<8x128xf32>
    %broadcast_in_dim3A_35 = vector.shape_cast %reduce_sum3A_34 : vector<8x128xf32> to vector<8x128x1xf32>
    %add3A_36 = arith.constant 1.000000e+00 : f32
    %add3A_37 = vector.broadcast %add3A_36 : f32 to vector<8x128x1xf32>
    %add3A_38 = arith.addf %broadcast_in_dim3A_35, %add3A_37 : vector<8x128x1xf32>
    %div3A_39 = vector.broadcast %add3A_38 : vector<8x128x1xf32> to vector<8x128x128xf32>
    %div3A_40 = arith.divf %get3A_27, %div3A_39 : vector<8x128x128xf32>
    %convert_element_type3A_41 = arith.truncf %div3A_40 : vector<8x128x128xf32> to vector<8x128x128xbf16>
    %get3A_42 = arith.constant 0 : index
    %get3A_43 = arith.constant 0 : index
    %get3A_44 = arith.constant 0 : index
    %get3A_45 = vector.load %arg4[%get3A_42, %get3A_43, %get3A_44] : memref<8x128x128xf32, #tpu.memory_space<vmem>>, vector<1x128x128xf32>
    %get3A_46 = vector.shape_cast %get3A_45 : vector<1x128x128xf32> to vector<128x128xf32>
    %slice3A = vector.extract_strided_slice %convert_element_type3A_32 {offsets = [0, 0, 0], sizes = [1, 128, 128], strides = [1, 1, 1]} : vector<8x128x128xbf16> to vector<1x128x128xbf16>
    %squeeze3A = vector.shape_cast %slice3A : vector<1x128x128xbf16> to vector<128x128xbf16>
    %slice3A_47 = vector.extract_strided_slice %convert_element_type3A_41 {offsets = [0, 0, 0], sizes = [1, 128, 128], strides = [1, 1, 1]} : vector<8x128x128xbf16> to vector<1x128x128xbf16>
    %squeeze3A_48 = vector.shape_cast %slice3A_47 : vector<1x128x128xbf16> to vector<128x128xbf16>
    %slice3A_49 = vector.extract_strided_slice %convert_element_type3A_7 {offsets = [0, 0], sizes = [128, 1024], strides = [1, 1]} : vector<1024x1024xbf16> to vector<128x1024xbf16>
    %dot_general3A_50 = arith.constant dense<0.000000e+00> : vector<128x1024xf32>
    %dot_general3A_51 = tpu.matmul %squeeze3A, %slice3A_49, %dot_general3A_50 {dimension_numbers = #tpu.dot_dimension_numbers<[1], [0], [0], [1], [0, 0, 1, 1], [], []>, transpose_lhs_hint = false} : vector<128x128xbf16>, vector<128x1024xbf16>, vector<128x1024xf32> -> vector<128x1024xf32>
    %get3A_52 = arith.constant 0 : index
    %get3A_53 = arith.constant 0 : index
    %get3A_54 = vector.load %arg8[%get3A_52, %get3A_53] : memref<1x1024xf32, #tpu.memory_space<vmem>>, vector<1x1024xf32>
    %add3A_55 = vector.broadcast %get3A_54 : vector<1x1024xf32> to vector<128x1024xf32>
    %add3A_56 = arith.addf %dot_general3A_51, %add3A_55 : vector<128x1024xf32>
    %max3A = arith.constant 0.000000e+00 : f32
    %max3A_57 = vector.broadcast %max3A : f32 to vector<128x1024xf32>
    %max3A_58 = arith.maximumf %add3A_56, %max3A_57 : vector<128x1024xf32>
    %slice3A_59 = vector.extract_strided_slice %convert_element_type3A_13 {offsets = [0, 0], sizes = [128, 1024], strides = [1, 1]} : vector<1024x1024xbf16> to vector<128x1024xbf16>
    %dot_general3A_60 = arith.constant dense<0.000000e+00> : vector<128x1024xf32>
    %dot_general3A_61 = tpu.matmul %squeeze3A_48, %slice3A_59, %dot_general3A_60 {dimension_numbers = #tpu.dot_dimension_numbers<[1], [0], [0], [1], [0, 0, 1, 1], [], []>, transpose_lhs_hint = false} : vector<128x128xbf16>, vector<128x1024xbf16>, vector<128x1024xf32> -> vector<128x1024xf32>
    %get3A_62 = arith.constant 0 : index
    %get3A_63 = arith.constant 0 : index
    %get3A_64 = vector.load %arg11[%get3A_62, %get3A_63] : memref<1x1024xf32, #tpu.memory_space<vmem>>, vector<1x1024xf32>
    %add3A_65 = vector.broadcast %get3A_64 : vector<1x1024xf32> to vector<128x1024xf32>
    %add3A_66 = arith.addf %dot_general3A_61, %add3A_65 : vector<128x1024xf32>
    %max3A_67 = arith.constant 0.000000e+00 : f32
    %max3A_68 = vector.broadcast %max3A_67 : f32 to vector<128x1024xf32>
    %max3A_69 = arith.maximumf %add3A_66, %max3A_68 : vector<128x1024xf32>
    %slice3A_70 = vector.extract_strided_slice %convert_element_type3A_19 {offsets = [0, 0], sizes = [128, 1024], strides = [1, 1]} : vector<1024x1024xbf16> to vector<128x1024xbf16>
    %gt3A = arith.constant 0.000000e+00 : f32
    %gt3A_71 = vector.broadcast %gt3A : f32 to vector<128x128xf32>
    %gt3A_72 = arith.cmpf ogt, %get3A_46, %gt3A_71 : vector<128x128xf32>
    %get3A_73 = arith.constant 0 : index
    %get3A_74 = arith.constant 0 : index
    %get3A_75 = vector.load %arg15[%get3A_73, %get3A_74] : memref<1024x8xbf16, #tpu.memory_space<vmem>>, vector<1024x8xbf16>
    %dot_general3A_76 = arith.constant dense<0.000000e+00> : vector<128x8xf32>
    %dot_general3A_77 = tpu.matmul %slice3A_70, %get3A_75, %dot_general3A_76 {dimension_numbers = #tpu.dot_dimension_numbers<[1], [0], [0], [1], [0, 0, 1, 1], [], []>, transpose_lhs_hint = false} : vector<128x1024xbf16>, vector<1024x8xbf16>, vector<128x8xf32> -> vector<128x8xf32>
    %get3A_78 = arith.constant 0 : index
    %get3A_79 = arith.constant 0 : index
    %get3A_80 = vector.load %arg16[%get3A_78, %get3A_79] : memref<8x1024xbf16, #tpu.memory_space<vmem>>, vector<8x1024xbf16>
    %dot_general3A_81 = arith.constant dense<0.000000e+00> : vector<8x128xf32>
    %dot_general3A_82 = tpu.matmul %get3A_80, %slice3A_70, %dot_general3A_81 {dimension_numbers = #tpu.dot_dimension_numbers<[1], [1], [0], [0], [0, 0, 1, 0], [], []>, transpose_lhs_hint = false} : vector<8x1024xbf16>, vector<128x1024xbf16>, vector<8x128xf32> -> vector<8x128xf32>
    %get3A_83 = arith.constant 0 : index
    %get3A_84 = arith.constant 0 : index
    %get3A_85 = vector.load %arg17[%get3A_83, %get3A_84] : memref<8x1024xf32, #tpu.memory_space<vmem>>, vector<8x1024xf32>
    %dot_general3A_86 = arith.constant dense<0.000000e+00> : vector<128x1024xf32>
    %dot_general3A_87 = tpu.matmul %dot_general3A_77, %get3A_85, %dot_general3A_86 {dimension_numbers = #tpu.dot_dimension_numbers<[1], [0], [0], [1], [0, 0, 1, 1], [], []>, transpose_lhs_hint = false} : vector<128x8xf32>, vector<8x1024xf32>, vector<128x1024xf32> -> vector<128x1024xf32>
    %reshape3A_88 = vector.shape_cast %dot_general3A_82 : vector<8x128xf32> to vector<1x1024xf32>
    %concatenate3A = tpu.concatenate %gt3A_72, %gt3A_72, %gt3A_72, %gt3A_72, %gt3A_72, %gt3A_72, %gt3A_72, %gt3A_72 in 1 : vector<128x128xi1>, vector<128x128xi1>, vector<128x128xi1>, vector<128x128xi1>, vector<128x128xi1>, vector<128x128xi1>, vector<128x128xi1>, vector<128x128xi1> -> vector<128x1024xi1>
    %add3A_89 = vector.broadcast %reshape3A_88 : vector<1x1024xf32> to vector<128x1024xf32>
    %add3A_90 = arith.addf %dot_general3A_87, %add3A_89 : vector<128x1024xf32>
    %ge3A = arith.constant 0.000000e+00 : f32
    %ge3A_91 = vector.broadcast %ge3A : f32 to vector<128x1024xf32>
    %ge3A_92 = arith.cmpf oge, %add3A_90, %ge3A_91 : vector<128x1024xf32>
    %mul3A = arith.constant 2.000000e-01 : f32
    %mul3A_93 = vector.broadcast %mul3A : f32 to vector<128x1024xf32>
    %mul3A_94 = arith.mulf %mul3A_93, %add3A_90 : vector<128x1024xf32>
    %select_n3A = arith.select %ge3A_92, %add3A_90, %mul3A_94 : vector<128x1024xi1>, vector<128x1024xf32>
    %exp3A = math.exp %select_n3A : vector<128x1024xf32>
    %jit3A = arith.constant 0.000000e+00 : f32
    %broadcast_in_dim3A_95 = vector.broadcast %jit3A : f32 to vector<128x1024xf32>
    %select_n3A_96 = arith.select %concatenate3A, %exp3A, %broadcast_in_dim3A_95 : vector<128x1024xi1>, vector<128x1024xf32>
    %get3A_97 = arith.constant 0 : index
    %get3A_98 = arith.constant 0 : index
    %get3A_99 = vector.load %arg18[%get3A_97, %get3A_98] : memref<1024x8xf32, #tpu.memory_space<vmem>>, vector<1024x8xf32>
    %dot_general3A_100 = arith.constant dense<0.000000e+00> : vector<128x8xf32>
    %dot_general3A_101 = tpu.matmul %select_n3A_96, %get3A_99, %dot_general3A_100 {dimension_numbers = #tpu.dot_dimension_numbers<[1], [0], [0], [1], [0, 0, 1, 1], [], []>, transpose_lhs_hint = false} : vector<128x1024xf32>, vector<1024x8xf32>, vector<128x8xf32> -> vector<128x8xf32>
    %convert_element_type3A_102 = arith.truncf %select_n3A_96 : vector<128x1024xf32> to vector<128x1024xbf16>
    %slice3A_103 = vector.extract_strided_slice %convert_element_type3A_102 {offsets = [0, 0], sizes = [128, 128], strides = [1, 1]} : vector<128x1024xbf16> to vector<128x128xbf16>
    %slice3A_104 = vector.extract_strided_slice %slice3A_70 {offsets = [0, 0], sizes = [128, 128], strides = [1, 1]} : vector<128x1024xbf16> to vector<128x128xbf16>
    %dot_general3A_105 = arith.constant dense<0.000000e+00> : vector<128x128xf32>
    %dot_general3A_106 = tpu.matmul %slice3A_103, %slice3A_104, %dot_general3A_105 {dimension_numbers = #tpu.dot_dimension_numbers<[1], [0], [0], [1], [0, 0, 1, 1], [], []>, transpose_lhs_hint = false} : vector<128x128xbf16>, vector<128x128xbf16>, vector<128x128xf32> -> vector<128x128xf32>
    %slice3A_107 = vector.extract_strided_slice %dot_general3A_101 {offsets = [0, 0], sizes = [128, 1], strides = [1, 1]} : vector<128x8xf32> to vector<128x1xf32>
    %div3A_108 = vector.broadcast %slice3A_107 : vector<128x1xf32> to vector<128x128xf32>
    %div3A_109 = arith.divf %dot_general3A_106, %div3A_108 : vector<128x128xf32>
    %slice3A_110 = vector.extract_strided_slice %convert_element_type3A_102 {offsets = [0, 128], sizes = [128, 128], strides = [1, 1]} : vector<128x1024xbf16> to vector<128x128xbf16>
    %slice3A_111 = vector.extract_strided_slice %slice3A_70 {offsets = [0, 128], sizes = [128, 128], strides = [1, 1]} : vector<128x1024xbf16> to vector<128x128xbf16>
    %dot_general3A_112 = arith.constant dense<0.000000e+00> : vector<128x128xf32>
    %dot_general3A_113 = tpu.matmul %slice3A_110, %slice3A_111, %dot_general3A_112 {dimension_numbers = #tpu.dot_dimension_numbers<[1], [0], [0], [1], [0, 0, 1, 1], [], []>, transpose_lhs_hint = false} : vector<128x128xbf16>, vector<128x128xbf16>, vector<128x128xf32> -> vector<128x128xf32>
    %slice3A_114 = vector.extract_strided_slice %dot_general3A_101 {offsets = [0, 1], sizes = [128, 1], strides = [1, 1]} : vector<128x8xf32> to vector<128x1xf32>
    %div3A_115 = vector.broadcast %slice3A_114 : vector<128x1xf32> to vector<128x128xf32>
    %div3A_116 = arith.divf %dot_general3A_113, %div3A_115 : vector<128x128xf32>
    %slice3A_117 = vector.extract_strided_slice %convert_element_type3A_102 {offsets = [0, 256], sizes = [128, 128], strides = [1, 1]} : vector<128x1024xbf16> to vector<128x128xbf16>
    %slice3A_118 = vector.extract_strided_slice %slice3A_70 {offsets = [0, 256], sizes = [128, 128], strides = [1, 1]} : vector<128x1024xbf16> to vector<128x128xbf16>
    %dot_general3A_119 = arith.constant dense<0.000000e+00> : vector<128x128xf32>
    %dot_general3A_120 = tpu.matmul %slice3A_117, %slice3A_118, %dot_general3A_119 {dimension_numbers = #tpu.dot_dimension_numbers<[1], [0], [0], [1], [0, 0, 1, 1], [], []>, transpose_lhs_hint = false} : vector<128x128xbf16>, vector<128x128xbf16>, vector<128x128xf32> -> vector<128x128xf32>
    %slice3A_121 = vector.extract_strided_slice %dot_general3A_101 {offsets = [0, 2], sizes = [128, 1], strides = [1, 1]} : vector<128x8xf32> to vector<128x1xf32>
    %div3A_122 = vector.broadcast %slice3A_121 : vector<128x1xf32> to vector<128x128xf32>
    %div3A_123 = arith.divf %dot_general3A_120, %div3A_122 : vector<128x128xf32>
    %slice3A_124 = vector.extract_strided_slice %convert_element_type3A_102 {offsets = [0, 384], sizes = [128, 128], strides = [1, 1]} : vector<128x1024xbf16> to vector<128x128xbf16>
    %slice3A_125 = vector.extract_strided_slice %slice3A_70 {offsets = [0, 384], sizes = [128, 128], strides = [1, 1]} : vector<128x1024xbf16> to vector<128x128xbf16>
    %dot_general3A_126 = arith.constant dense<0.000000e+00> : vector<128x128xf32>
    %dot_general3A_127 = tpu.matmul %slice3A_124, %slice3A_125, %dot_general3A_126 {dimension_numbers = #tpu.dot_dimension_numbers<[1], [0], [0], [1], [0, 0, 1, 1], [], []>, transpose_lhs_hint = false} : vector<128x128xbf16>, vector<128x128xbf16>, vector<128x128xf32> -> vector<128x128xf32>
    %slice3A_128 = vector.extract_strided_slice %dot_general3A_101 {offsets = [0, 3], sizes = [128, 1], strides = [1, 1]} : vector<128x8xf32> to vector<128x1xf32>
    %div3A_129 = vector.broadcast %slice3A_128 : vector<128x1xf32> to vector<128x128xf32>
    %div3A_130 = arith.divf %dot_general3A_127, %div3A_129 : vector<128x128xf32>
    %slice3A_131 = vector.extract_strided_slice %convert_element_type3A_102 {offsets = [0, 512], sizes = [128, 128], strides = [1, 1]} : vector<128x1024xbf16> to vector<128x128xbf16>
    %slice3A_132 = vector.extract_strided_slice %slice3A_70 {offsets = [0, 512], sizes = [128, 128], strides = [1, 1]} : vector<128x1024xbf16> to vector<128x128xbf16>
    %dot_general3A_133 = arith.constant dense<0.000000e+00> : vector<128x128xf32>
    %dot_general3A_134 = tpu.matmul %slice3A_131, %slice3A_132, %dot_general3A_133 {dimension_numbers = #tpu.dot_dimension_numbers<[1], [0], [0], [1], [0, 0, 1, 1], [], []>, transpose_lhs_hint = false} : vector<128x128xbf16>, vector<128x128xbf16>, vector<128x128xf32> -> vector<128x128xf32>
    %slice3A_135 = vector.extract_strided_slice %dot_general3A_101 {offsets = [0, 4], sizes = [128, 1], strides = [1, 1]} : vector<128x8xf32> to vector<128x1xf32>
    %div3A_136 = vector.broadcast %slice3A_135 : vector<128x1xf32> to vector<128x128xf32>
    %div3A_137 = arith.divf %dot_general3A_134, %div3A_136 : vector<128x128xf32>
    %slice3A_138 = vector.extract_strided_slice %convert_element_type3A_102 {offsets = [0, 640], sizes = [128, 128], strides = [1, 1]} : vector<128x1024xbf16> to vector<128x128xbf16>
    %slice3A_139 = vector.extract_strided_slice %slice3A_70 {offsets = [0, 640], sizes = [128, 128], strides = [1, 1]} : vector<128x1024xbf16> to vector<128x128xbf16>
    %dot_general3A_140 = arith.constant dense<0.000000e+00> : vector<128x128xf32>
    %dot_general3A_141 = tpu.matmul %slice3A_138, %slice3A_139, %dot_general3A_140 {dimension_numbers = #tpu.dot_dimension_numbers<[1], [0], [0], [1], [0, 0, 1, 1], [], []>, transpose_lhs_hint = false} : vector<128x128xbf16>, vector<128x128xbf16>, vector<128x128xf32> -> vector<128x128xf32>
    %slice3A_142 = vector.extract_strided_slice %dot_general3A_101 {offsets = [0, 5], sizes = [128, 1], strides = [1, 1]} : vector<128x8xf32> to vector<128x1xf32>
    %div3A_143 = vector.broadcast %slice3A_142 : vector<128x1xf32> to vector<128x128xf32>
    %div3A_144 = arith.divf %dot_general3A_141, %div3A_143 : vector<128x128xf32>
    %slice3A_145 = vector.extract_strided_slice %convert_element_type3A_102 {offsets = [0, 768], sizes = [128, 128], strides = [1, 1]} : vector<128x1024xbf16> to vector<128x128xbf16>
    %slice3A_146 = vector.extract_strided_slice %slice3A_70 {offsets = [0, 768], sizes = [128, 128], strides = [1, 1]} : vector<128x1024xbf16> to vector<128x128xbf16>
    %dot_general3A_147 = arith.constant dense<0.000000e+00> : vector<128x128xf32>
    %dot_general3A_148 = tpu.matmul %slice3A_145, %slice3A_146, %dot_general3A_147 {dimension_numbers = #tpu.dot_dimension_numbers<[1], [0], [0], [1], [0, 0, 1, 1], [], []>, transpose_lhs_hint = false} : vector<128x128xbf16>, vector<128x128xbf16>, vector<128x128xf32> -> vector<128x128xf32>
    %slice3A_149 = vector.extract_strided_slice %dot_general3A_101 {offsets = [0, 6], sizes = [128, 1], strides = [1, 1]} : vector<128x8xf32> to vector<128x1xf32>
    %div3A_150 = vector.broadcast %slice3A_149 : vector<128x1xf32> to vector<128x128xf32>
    %div3A_151 = arith.divf %dot_general3A_148, %div3A_150 : vector<128x128xf32>
    %slice3A_152 = vector.extract_strided_slice %convert_element_type3A_102 {offsets = [0, 896], sizes = [128, 128], strides = [1, 1]} : vector<128x1024xbf16> to vector<128x128xbf16>
    %slice3A_153 = vector.extract_strided_slice %slice3A_70 {offsets = [0, 896], sizes = [128, 128], strides = [1, 1]} : vector<128x1024xbf16> to vector<128x128xbf16>
    %dot_general3A_154 = arith.constant dense<0.000000e+00> : vector<128x128xf32>
    %dot_general3A_155 = tpu.matmul %slice3A_152, %slice3A_153, %dot_general3A_154 {dimension_numbers = #tpu.dot_dimension_numbers<[1], [0], [0], [1], [0, 0, 1, 1], [], []>, transpose_lhs_hint = false} : vector<128x128xbf16>, vector<128x128xbf16>, vector<128x128xf32> -> vector<128x128xf32>
    %slice3A_156 = vector.extract_strided_slice %dot_general3A_101 {offsets = [0, 7], sizes = [128, 1], strides = [1, 1]} : vector<128x8xf32> to vector<128x1xf32>
    %div3A_157 = vector.broadcast %slice3A_156 : vector<128x1xf32> to vector<128x128xf32>
    %div3A_158 = arith.divf %dot_general3A_155, %div3A_157 : vector<128x128xf32>
    %concatenate3A_159 = tpu.concatenate %div3A_109, %div3A_116, %div3A_123, %div3A_130, %div3A_137, %div3A_144, %div3A_151, %div3A_158 in 1 : vector<128x128xf32>, vector<128x128xf32>, vector<128x128xf32>, vector<128x128xf32>, vector<128x128xf32>, vector<128x128xf32>, vector<128x128xf32>, vector<128x128xf32> -> vector<128x1024xf32>
    %gt3A_160 = arith.constant 0.000000e+00 : f32
    %gt3A_161 = vector.broadcast %gt3A_160 : f32 to vector<128x1024xf32>
    %gt3A_162 = arith.cmpf ogt, %concatenate3A_159, %gt3A_161 : vector<128x1024xf32>
    %gt3A_163 = arith.constant 0.000000e+00 : f32
    %gt3A_164 = vector.broadcast %gt3A_163 : f32 to vector<128x1024xf32>
    %gt3A_165 = arith.cmpf ogt, %concatenate3A_159, %gt3A_164 : vector<128x1024xf32>
    %jit3A_166 = arith.constant 0.000000e+00 : f32
    %broadcast_in_dim3A_167 = vector.broadcast %jit3A_166 : f32 to vector<128x1024xf32>
    %select_n3A_168 = arith.select %gt3A_165, %broadcast_in_dim3A_167, %concatenate3A_159 : vector<128x1024xi1>, vector<128x1024xf32>
    %exp3A_169 = math.exp %select_n3A_168 : vector<128x1024xf32>
    %sub3A = arith.constant 1.000000e+00 : f32
    %sub3A_170 = vector.broadcast %sub3A : f32 to vector<128x1024xf32>
    %sub3A_171 = arith.subf %exp3A_169, %sub3A_170 : vector<128x1024xf32>
    %select_n3A_172 = arith.select %gt3A_162, %concatenate3A_159, %sub3A_171 : vector<128x1024xi1>, vector<128x1024xf32>
    %convert_element_type3A_173 = arith.truncf %max3A_58 : vector<128x1024xf32> to vector<128x1024xbf16>
    %convert_element_type3A_174 = arith.truncf %max3A_69 : vector<128x1024xf32> to vector<128x1024xbf16>
    %convert_element_type3A_175 = arith.truncf %select_n3A_172 : vector<128x1024xf32> to vector<128x1024xbf16>
    %get3A_176 = arith.constant 1 : index
    %get3A_177 = arith.constant 0 : index
    %get3A_178 = arith.constant 0 : index
    %get3A_179 = vector.load %arg4[%get3A_176, %get3A_177, %get3A_178] : memref<8x128x128xf32, #tpu.memory_space<vmem>>, vector<1x128x128xf32>
    %get3A_180 = vector.shape_cast %get3A_179 : vector<1x128x128xf32> to vector<128x128xf32>
    %slice3A_181 = vector.extract_strided_slice %convert_element_type3A_32 {offsets = [1, 0, 0], sizes = [1, 128, 128], strides = [1, 1, 1]} : vector<8x128x128xbf16> to vector<1x128x128xbf16>
    %squeeze3A_182 = vector.shape_cast %slice3A_181 : vector<1x128x128xbf16> to vector<128x128xbf16>
    %slice3A_183 = vector.extract_strided_slice %convert_element_type3A_41 {offsets = [1, 0, 0], sizes = [1, 128, 128], strides = [1, 1, 1]} : vector<8x128x128xbf16> to vector<1x128x128xbf16>
    %squeeze3A_184 = vector.shape_cast %slice3A_183 : vector<1x128x128xbf16> to vector<128x128xbf16>
    %slice3A_185 = vector.extract_strided_slice %convert_element_type3A_7 {offsets = [128, 0], sizes = [128, 1024], strides = [1, 1]} : vector<1024x1024xbf16> to vector<128x1024xbf16>
    %dot_general3A_186 = arith.constant dense<0.000000e+00> : vector<128x1024xf32>
    %dot_general3A_187 = tpu.matmul %squeeze3A_182, %slice3A_185, %dot_general3A_186 {dimension_numbers = #tpu.dot_dimension_numbers<[1], [0], [0], [1], [0, 0, 1, 1], [], []>, transpose_lhs_hint = false} : vector<128x128xbf16>, vector<128x1024xbf16>, vector<128x1024xf32> -> vector<128x1024xf32>
    %get3A_188 = arith.constant 0 : index
    %get3A_189 = arith.constant 0 : index
    %get3A_190 = vector.load %arg8[%get3A_188, %get3A_189] : memref<1x1024xf32, #tpu.memory_space<vmem>>, vector<1x1024xf32>
    %add3A_191 = vector.broadcast %get3A_190 : vector<1x1024xf32> to vector<128x1024xf32>
    %add3A_192 = arith.addf %dot_general3A_187, %add3A_191 : vector<128x1024xf32>
    %max3A_193 = arith.constant 0.000000e+00 : f32
    %max3A_194 = vector.broadcast %max3A_193 : f32 to vector<128x1024xf32>
    %max3A_195 = arith.maximumf %add3A_192, %max3A_194 : vector<128x1024xf32>
    %slice3A_196 = vector.extract_strided_slice %convert_element_type3A_13 {offsets = [128, 0], sizes = [128, 1024], strides = [1, 1]} : vector<1024x1024xbf16> to vector<128x1024xbf16>
    %dot_general3A_197 = arith.constant dense<0.000000e+00> : vector<128x1024xf32>
    %dot_general3A_198 = tpu.matmul %squeeze3A_184, %slice3A_196, %dot_general3A_197 {dimension_numbers = #tpu.dot_dimension_numbers<[1], [0], [0], [1], [0, 0, 1, 1], [], []>, transpose_lhs_hint = false} : vector<128x128xbf16>, vector<128x1024xbf16>, vector<128x1024xf32> -> vector<128x1024xf32>
    %get3A_199 = arith.constant 0 : index
    %get3A_200 = arith.constant 0 : index
    %get3A_201 = vector.load %arg11[%get3A_199, %get3A_200] : memref<1x1024xf32, #tpu.memory_space<vmem>>, vector<1x1024xf32>
    %add3A_202 = vector.broadcast %get3A_201 : vector<1x1024xf32> to vector<128x1024xf32>
    %add3A_203 = arith.addf %dot_general3A_198, %add3A_202 : vector<128x1024xf32>
    %max3A_204 = arith.constant 0.000000e+00 : f32
    %max3A_205 = vector.broadcast %max3A_204 : f32 to vector<128x1024xf32>
    %max3A_206 = arith.maximumf %add3A_203, %max3A_205 : vector<128x1024xf32>
    %slice3A_207 = vector.extract_strided_slice %convert_element_type3A_19 {offsets = [128, 0], sizes = [128, 1024], strides = [1, 1]} : vector<1024x1024xbf16> to vector<128x1024xbf16>
    %gt3A_208 = arith.constant 0.000000e+00 : f32
    %gt3A_209 = vector.broadcast %gt3A_208 : f32 to vector<128x128xf32>
    %gt3A_210 = arith.cmpf ogt, %get3A_180, %gt3A_209 : vector<128x128xf32>
    %get3A_211 = arith.constant 0 : index
    %get3A_212 = arith.constant 0 : index
    %get3A_213 = vector.load %arg15[%get3A_211, %get3A_212] : memref<1024x8xbf16, #tpu.memory_space<vmem>>, vector<1024x8xbf16>
    %dot_general3A_214 = arith.constant dense<0.000000e+00> : vector<128x8xf32>
    %dot_general3A_215 = tpu.matmul %slice3A_207, %get3A_213, %dot_general3A_214 {dimension_numbers = #tpu.dot_dimension_numbers<[1], [0], [0], [1], [0, 0, 1, 1], [], []>, transpose_lhs_hint = false} : vector<128x1024xbf16>, vector<1024x8xbf16>, vector<128x8xf32> -> vector<128x8xf32>
    %get3A_216 = arith.constant 0 : index
    %get3A_217 = arith.constant 0 : index
    %get3A_218 = vector.load %arg16[%get3A_216, %get3A_217] : memref<8x1024xbf16, #tpu.memory_space<vmem>>, vector<8x1024xbf16>
    %dot_general3A_219 = arith.constant dense<0.000000e+00> : vector<8x128xf32>
    %dot_general3A_220 = tpu.matmul %get3A_218, %slice3A_207, %dot_general3A_219 {dimension_numbers = #tpu.dot_dimension_numbers<[1], [1], [0], [0], [0, 0, 1, 0], [], []>, transpose_lhs_hint = false} : vector<8x1024xbf16>, vector<128x1024xbf16>, vector<8x128xf32> -> vector<8x128xf32>
    %get3A_221 = arith.constant 0 : index
    %get3A_222 = arith.constant 0 : index
    %get3A_223 = vector.load %arg17[%get3A_221, %get3A_222] : memref<8x1024xf32, #tpu.memory_space<vmem>>, vector<8x1024xf32>
    %dot_general3A_224 = arith.constant dense<0.000000e+00> : vector<128x1024xf32>
    %dot_general3A_225 = tpu.matmul %dot_general3A_215, %get3A_223, %dot_general3A_224 {dimension_numbers = #tpu.dot_dimension_numbers<[1], [0], [0], [1], [0, 0, 1, 1], [], []>, transpose_lhs_hint = false} : vector<128x8xf32>, vector<8x1024xf32>, vector<128x1024xf32> -> vector<128x1024xf32>
    %reshape3A_226 = vector.shape_cast %dot_general3A_220 : vector<8x128xf32> to vector<1x1024xf32>
    %concatenate3A_227 = tpu.concatenate %gt3A_210, %gt3A_210, %gt3A_210, %gt3A_210, %gt3A_210, %gt3A_210, %gt3A_210, %gt3A_210 in 1 : vector<128x128xi1>, vector<128x128xi1>, vector<128x128xi1>, vector<128x128xi1>, vector<128x128xi1>, vector<128x128xi1>, vector<128x128xi1>, vector<128x128xi1> -> vector<128x1024xi1>
    %add3A_228 = vector.broadcast %reshape3A_226 : vector<1x1024xf32> to vector<128x1024xf32>
    %add3A_229 = arith.addf %dot_general3A_225, %add3A_228 : vector<128x1024xf32>
    %ge3A_230 = arith.constant 0.000000e+00 : f32
    %ge3A_231 = vector.broadcast %ge3A_230 : f32 to vector<128x1024xf32>
    %ge3A_232 = arith.cmpf oge, %add3A_229, %ge3A_231 : vector<128x1024xf32>
    %mul3A_233 = arith.constant 2.000000e-01 : f32
    %mul3A_234 = vector.broadcast %mul3A_233 : f32 to vector<128x1024xf32>
    %mul3A_235 = arith.mulf %mul3A_234, %add3A_229 : vector<128x1024xf32>
    %select_n3A_236 = arith.select %ge3A_232, %add3A_229, %mul3A_235 : vector<128x1024xi1>, vector<128x1024xf32>
    %exp3A_237 = math.exp %select_n3A_236 : vector<128x1024xf32>
    %jit3A_238 = arith.constant 0.000000e+00 : f32
    %broadcast_in_dim3A_239 = vector.broadcast %jit3A_238 : f32 to vector<128x1024xf32>
    %select_n3A_240 = arith.select %concatenate3A_227, %exp3A_237, %broadcast_in_dim3A_239 : vector<128x1024xi1>, vector<128x1024xf32>
    %get3A_241 = arith.constant 0 : index
    %get3A_242 = arith.constant 0 : index
    %get3A_243 = vector.load %arg18[%get3A_241, %get3A_242] : memref<1024x8xf32, #tpu.memory_space<vmem>>, vector<1024x8xf32>
    %dot_general3A_244 = arith.constant dense<0.000000e+00> : vector<128x8xf32>
    %dot_general3A_245 = tpu.matmul %select_n3A_240, %get3A_243, %dot_general3A_244 {dimension_numbers = #tpu.dot_dimension_numbers<[1], [0], [0], [1], [0, 0, 1, 1], [], []>, transpose_lhs_hint = false} : vector<128x1024xf32>, vector<1024x8xf32>, vector<128x8xf32> -> vector<128x8xf32>
    %convert_element_type3A_246 = arith.truncf %select_n3A_240 : vector<128x1024xf32> to vector<128x1024xbf16>
    %slice3A_247 = vector.extract_strided_slice %convert_element_type3A_246 {offsets = [0, 0], sizes = [128, 128], strides = [1, 1]} : vector<128x1024xbf16> to vector<128x128xbf16>
    %slice3A_248 = vector.extract_strided_slice %slice3A_207 {offsets = [0, 0], sizes = [128, 128], strides = [1, 1]} : vector<128x1024xbf16> to vector<128x128xbf16>
    %dot_general3A_249 = arith.constant dense<0.000000e+00> : vector<128x128xf32>
    %dot_general3A_250 = tpu.matmul %slice3A_247, %slice3A_248, %dot_general3A_249 {dimension_numbers = #tpu.dot_dimension_numbers<[1], [0], [0], [1], [0, 0, 1, 1], [], []>, transpose_lhs_hint = false} : vector<128x128xbf16>, vector<128x128xbf16>, vector<128x128xf32> -> vector<128x128xf32>
    %slice3A_251 = vector.extract_strided_slice %dot_general3A_245 {offsets = [0, 0], sizes = [128, 1], strides = [1, 1]} : vector<128x8xf32> to vector<128x1xf32>
    %div3A_252 = vector.broadcast %slice3A_251 : vector<128x1xf32> to vector<128x128xf32>
    %div3A_253 = arith.divf %dot_general3A_250, %div3A_252 : vector<128x128xf32>
    %slice3A_254 = vector.extract_strided_slice %convert_element_type3A_246 {offsets = [0, 128], sizes = [128, 128], strides = [1, 1]} : vector<128x1024xbf16> to vector<128x128xbf16>
    %slice3A_255 = vector.extract_strided_slice %slice3A_207 {offsets = [0, 128], sizes = [128, 128], strides = [1, 1]} : vector<128x1024xbf16> to vector<128x128xbf16>
    %dot_general3A_256 = arith.constant dense<0.000000e+00> : vector<128x128xf32>
    %dot_general3A_257 = tpu.matmul %slice3A_254, %slice3A_255, %dot_general3A_256 {dimension_numbers = #tpu.dot_dimension_numbers<[1], [0], [0], [1], [0, 0, 1, 1], [], []>, transpose_lhs_hint = false} : vector<128x128xbf16>, vector<128x128xbf16>, vector<128x128xf32> -> vector<128x128xf32>
    %slice3A_258 = vector.extract_strided_slice %dot_general3A_245 {offsets = [0, 1], sizes = [128, 1], strides = [1, 1]} : vector<128x8xf32> to vector<128x1xf32>
    %div3A_259 = vector.broadcast %slice3A_258 : vector<128x1xf32> to vector<128x128xf32>
    %div3A_260 = arith.divf %dot_general3A_257, %div3A_259 : vector<128x128xf32>
    %slice3A_261 = vector.extract_strided_slice %convert_element_type3A_246 {offsets = [0, 256], sizes = [128, 128], strides = [1, 1]} : vector<128x1024xbf16> to vector<128x128xbf16>
    %slice3A_262 = vector.extract_strided_slice %slice3A_207 {offsets = [0, 256], sizes = [128, 128], strides = [1, 1]} : vector<128x1024xbf16> to vector<128x128xbf16>
    %dot_general3A_263 = arith.constant dense<0.000000e+00> : vector<128x128xf32>
    %dot_general3A_264 = tpu.matmul %slice3A_261, %slice3A_262, %dot_general3A_263 {dimension_numbers = #tpu.dot_dimension_numbers<[1], [0], [0], [1], [0, 0, 1, 1], [], []>, transpose_lhs_hint = false} : vector<128x128xbf16>, vector<128x128xbf16>, vector<128x128xf32> -> vector<128x128xf32>
    %slice3A_265 = vector.extract_strided_slice %dot_general3A_245 {offsets = [0, 2], sizes = [128, 1], strides = [1, 1]} : vector<128x8xf32> to vector<128x1xf32>
    %div3A_266 = vector.broadcast %slice3A_265 : vector<128x1xf32> to vector<128x128xf32>
    %div3A_267 = arith.divf %dot_general3A_264, %div3A_266 : vector<128x128xf32>
    %slice3A_268 = vector.extract_strided_slice %convert_element_type3A_246 {offsets = [0, 384], sizes = [128, 128], strides = [1, 1]} : vector<128x1024xbf16> to vector<128x128xbf16>
    %slice3A_269 = vector.extract_strided_slice %slice3A_207 {offsets = [0, 384], sizes = [128, 128], strides = [1, 1]} : vector<128x1024xbf16> to vector<128x128xbf16>
    %dot_general3A_270 = arith.constant dense<0.000000e+00> : vector<128x128xf32>
    %dot_general3A_271 = tpu.matmul %slice3A_268, %slice3A_269, %dot_general3A_270 {dimension_numbers = #tpu.dot_dimension_numbers<[1], [0], [0], [1], [0, 0, 1, 1], [], []>, transpose_lhs_hint = false} : vector<128x128xbf16>, vector<128x128xbf16>, vector<128x128xf32> -> vector<128x128xf32>
    %slice3A_272 = vector.extract_strided_slice %dot_general3A_245 {offsets = [0, 3], sizes = [128, 1], strides = [1, 1]} : vector<128x8xf32> to vector<128x1xf32>
    %div3A_273 = vector.broadcast %slice3A_272 : vector<128x1xf32> to vector<128x128xf32>
    %div3A_274 = arith.divf %dot_general3A_271, %div3A_273 : vector<128x128xf32>
    %slice3A_275 = vector.extract_strided_slice %convert_element_type3A_246 {offsets = [0, 512], sizes = [128, 128], strides = [1, 1]} : vector<128x1024xbf16> to vector<128x128xbf16>
    %slice3A_276 = vector.extract_strided_slice %slice3A_207 {offsets = [0, 512], sizes = [128, 128], strides = [1, 1]} : vector<128x1024xbf16> to vector<128x128xbf16>
    %dot_general3A_277 = arith.constant dense<0.000000e+00> : vector<128x128xf32>
    %dot_general3A_278 = tpu.matmul %slice3A_275, %slice3A_276, %dot_general3A_277 {dimension_numbers = #tpu.dot_dimension_numbers<[1], [0], [0], [1], [0, 0, 1, 1], [], []>, transpose_lhs_hint = false} : vector<128x128xbf16>, vector<128x128xbf16>, vector<128x128xf32> -> vector<128x128xf32>
    %slice3A_279 = vector.extract_strided_slice %dot_general3A_245 {offsets = [0, 4], sizes = [128, 1], strides = [1, 1]} : vector<128x8xf32> to vector<128x1xf32>
    %div3A_280 = vector.broadcast %slice3A_279 : vector<128x1xf32> to vector<128x128xf32>
    %div3A_281 = arith.divf %dot_general3A_278, %div3A_280 : vector<128x128xf32>
    %slice3A_282 = vector.extract_strided_slice %convert_element_type3A_246 {offsets = [0, 640], sizes = [128, 128], strides = [1, 1]} : vector<128x1024xbf16> to vector<128x128xbf16>
    %slice3A_283 = vector.extract_strided_slice %slice3A_207 {offsets = [0, 640], sizes = [128, 128], strides = [1, 1]} : vector<128x1024xbf16> to vector<128x128xbf16>
    %dot_general3A_284 = arith.constant dense<0.000000e+00> : vector<128x128xf32>
    %dot_general3A_285 = tpu.matmul %slice3A_282, %slice3A_283, %dot_general3A_284 {dimension_numbers = #tpu.dot_dimension_numbers<[1], [0], [0], [1], [0, 0, 1, 1], [], []>, transpose_lhs_hint = false} : vector<128x128xbf16>, vector<128x128xbf16>, vector<128x128xf32> -> vector<128x128xf32>
    %slice3A_286 = vector.extract_strided_slice %dot_general3A_245 {offsets = [0, 5], sizes = [128, 1], strides = [1, 1]} : vector<128x8xf32> to vector<128x1xf32>
    %div3A_287 = vector.broadcast %slice3A_286 : vector<128x1xf32> to vector<128x128xf32>
    %div3A_288 = arith.divf %dot_general3A_285, %div3A_287 : vector<128x128xf32>
    %slice3A_289 = vector.extract_strided_slice %convert_element_type3A_246 {offsets = [0, 768], sizes = [128, 128], strides = [1, 1]} : vector<128x1024xbf16> to vector<128x128xbf16>
    %slice3A_290 = vector.extract_strided_slice %slice3A_207 {offsets = [0, 768], sizes = [128, 128], strides = [1, 1]} : vector<128x1024xbf16> to vector<128x128xbf16>
    %dot_general3A_291 = arith.constant dense<0.000000e+00> : vector<128x128xf32>
    %dot_general3A_292 = tpu.matmul %slice3A_289, %slice3A_290, %dot_general3A_291 {dimension_numbers = #tpu.dot_dimension_numbers<[1], [0], [0], [1], [0, 0, 1, 1], [], []>, transpose_lhs_hint = false} : vector<128x128xbf16>, vector<128x128xbf16>, vector<128x128xf32> -> vector<128x128xf32>
    %slice3A_293 = vector.extract_strided_slice %dot_general3A_245 {offsets = [0, 6], sizes = [128, 1], strides = [1, 1]} : vector<128x8xf32> to vector<128x1xf32>
    %div3A_294 = vector.broadcast %slice3A_293 : vector<128x1xf32> to vector<128x128xf32>
    %div3A_295 = arith.divf %dot_general3A_292, %div3A_294 : vector<128x128xf32>
    %slice3A_296 = vector.extract_strided_slice %convert_element_type3A_246 {offsets = [0, 896], sizes = [128, 128], strides = [1, 1]} : vector<128x1024xbf16> to vector<128x128xbf16>
    %slice3A_297 = vector.extract_strided_slice %slice3A_207 {offsets = [0, 896], sizes = [128, 128], strides = [1, 1]} : vector<128x1024xbf16> to vector<128x128xbf16>
    %dot_general3A_298 = arith.constant dense<0.000000e+00> : vector<128x128xf32>
    %dot_general3A_299 = tpu.matmul %slice3A_296, %slice3A_297, %dot_general3A_298 {dimension_numbers = #tpu.dot_dimension_numbers<[1], [0], [0], [1], [0, 0, 1, 1], [], []>, transpose_lhs_hint = false} : vector<128x128xbf16>, vector<128x128xbf16>, vector<128x128xf32> -> vector<128x128xf32>
    %slice3A_300 = vector.extract_strided_slice %dot_general3A_245 {offsets = [0, 7], sizes = [128, 1], strides = [1, 1]} : vector<128x8xf32> to vector<128x1xf32>
    %div3A_301 = vector.broadcast %slice3A_300 : vector<128x1xf32> to vector<128x128xf32>
    %div3A_302 = arith.divf %dot_general3A_299, %div3A_301 : vector<128x128xf32>
    %concatenate3A_303 = tpu.concatenate %div3A_253, %div3A_260, %div3A_267, %div3A_274, %div3A_281, %div3A_288, %div3A_295, %div3A_302 in 1 : vector<128x128xf32>, vector<128x128xf32>, vector<128x128xf32>, vector<128x128xf32>, vector<128x128xf32>, vector<128x128xf32>, vector<128x128xf32>, vector<128x128xf32> -> vector<128x1024xf32>
    %gt3A_304 = arith.constant 0.000000e+00 : f32
    %gt3A_305 = vector.broadcast %gt3A_304 : f32 to vector<128x1024xf32>
    %gt3A_306 = arith.cmpf ogt, %concatenate3A_303, %gt3A_305 : vector<128x1024xf32>
    %gt3A_307 = arith.constant 0.000000e+00 : f32
    %gt3A_308 = vector.broadcast %gt3A_307 : f32 to vector<128x1024xf32>
    %gt3A_309 = arith.cmpf ogt, %concatenate3A_303, %gt3A_308 : vector<128x1024xf32>
    %jit3A_310 = arith.constant 0.000000e+00 : f32
    %broadcast_in_dim3A_311 = vector.broadcast %jit3A_310 : f32 to vector<128x1024xf32>
    %select_n3A_312 = arith.select %gt3A_309, %broadcast_in_dim3A_311, %concatenate3A_303 : vector<128x1024xi1>, vector<128x1024xf32>
    %exp3A_313 = math.exp %select_n3A_312 : vector<128x1024xf32>
    %sub3A_314 = arith.constant 1.000000e+00 : f32
    %sub3A_315 = vector.broadcast %sub3A_314 : f32 to vector<128x1024xf32>
    %sub3A_316 = arith.subf %exp3A_313, %sub3A_315 : vector<128x1024xf32>
    %select_n3A_317 = arith.select %gt3A_306, %concatenate3A_303, %sub3A_316 : vector<128x1024xi1>, vector<128x1024xf32>
    %convert_element_type3A_318 = arith.truncf %max3A_195 : vector<128x1024xf32> to vector<128x1024xbf16>
    %convert_element_type3A_319 = arith.truncf %max3A_206 : vector<128x1024xf32> to vector<128x1024xbf16>
    %convert_element_type3A_320 = arith.truncf %select_n3A_317 : vector<128x1024xf32> to vector<128x1024xbf16>
    %get3A_321 = arith.constant 2 : index
    %get3A_322 = arith.constant 0 : index
    %get3A_323 = arith.constant 0 : index
    %get3A_324 = vector.load %arg4[%get3A_321, %get3A_322, %get3A_323] : memref<8x128x128xf32, #tpu.memory_space<vmem>>, vector<1x128x128xf32>
    %get3A_325 = vector.shape_cast %get3A_324 : vector<1x128x128xf32> to vector<128x128xf32>
    %slice3A_326 = vector.extract_strided_slice %convert_element_type3A_32 {offsets = [2, 0, 0], sizes = [1, 128, 128], strides = [1, 1, 1]} : vector<8x128x128xbf16> to vector<1x128x128xbf16>
    %squeeze3A_327 = vector.shape_cast %slice3A_326 : vector<1x128x128xbf16> to vector<128x128xbf16>
    %slice3A_328 = vector.extract_strided_slice %convert_element_type3A_41 {offsets = [2, 0, 0], sizes = [1, 128, 128], strides = [1, 1, 1]} : vector<8x128x128xbf16> to vector<1x128x128xbf16>
    %squeeze3A_329 = vector.shape_cast %slice3A_328 : vector<1x128x128xbf16> to vector<128x128xbf16>
    %slice3A_330 = vector.extract_strided_slice %convert_element_type3A_7 {offsets = [256, 0], sizes = [128, 1024], strides = [1, 1]} : vector<1024x1024xbf16> to vector<128x1024xbf16>
    %dot_general3A_331 = arith.constant dense<0.000000e+00> : vector<128x1024xf32>
    %dot_general3A_332 = tpu.matmul %squeeze3A_327, %slice3A_330, %dot_general3A_331 {dimension_numbers = #tpu.dot_dimension_numbers<[1], [0], [0], [1], [0, 0, 1, 1], [], []>, transpose_lhs_hint = false} : vector<128x128xbf16>, vector<128x1024xbf16>, vector<128x1024xf32> -> vector<128x1024xf32>
    %get3A_333 = arith.constant 0 : index
    %get3A_334 = arith.constant 0 : index
    %get3A_335 = vector.load %arg8[%get3A_333, %get3A_334] : memref<1x1024xf32, #tpu.memory_space<vmem>>, vector<1x1024xf32>
    %add3A_336 = vector.broadcast %get3A_335 : vector<1x1024xf32> to vector<128x1024xf32>
    %add3A_337 = arith.addf %dot_general3A_332, %add3A_336 : vector<128x1024xf32>
    %max3A_338 = arith.constant 0.000000e+00 : f32
    %max3A_339 = vector.broadcast %max3A_338 : f32 to vector<128x1024xf32>
    %max3A_340 = arith.maximumf %add3A_337, %max3A_339 : vector<128x1024xf32>
    %slice3A_341 = vector.extract_strided_slice %convert_element_type3A_13 {offsets = [256, 0], sizes = [128, 1024], strides = [1, 1]} : vector<1024x1024xbf16> to vector<128x1024xbf16>
    %dot_general3A_342 = arith.constant dense<0.000000e+00> : vector<128x1024xf32>
    %dot_general3A_343 = tpu.matmul %squeeze3A_329, %slice3A_341, %dot_general3A_342 {dimension_numbers = #tpu.dot_dimension_numbers<[1], [0], [0], [1], [0, 0, 1, 1], [], []>, transpose_lhs_hint = false} : vector<128x128xbf16>, vector<128x1024xbf16>, vector<128x1024xf32> -> vector<128x1024xf32>
    %get3A_344 = arith.constant 0 : index
    %get3A_345 = arith.constant 0 : index
    %get3A_346 = vector.load %arg11[%get3A_344, %get3A_345] : memref<1x1024xf32, #tpu.memory_space<vmem>>, vector<1x1024xf32>
    %add3A_347 = vector.broadcast %get3A_346 : vector<1x1024xf32> to vector<128x1024xf32>
    %add3A_348 = arith.addf %dot_general3A_343, %add3A_347 : vector<128x1024xf32>
    %max3A_349 = arith.constant 0.000000e+00 : f32
    %max3A_350 = vector.broadcast %max3A_349 : f32 to vector<128x1024xf32>
    %max3A_351 = arith.maximumf %add3A_348, %max3A_350 : vector<128x1024xf32>
    %slice3A_352 = vector.extract_strided_slice %convert_element_type3A_19 {offsets = [256, 0], sizes = [128, 1024], strides = [1, 1]} : vector<1024x1024xbf16> to vector<128x1024xbf16>
    %gt3A_353 = arith.constant 0.000000e+00 : f32
    %gt3A_354 = vector.broadcast %gt3A_353 : f32 to vector<128x128xf32>
    %gt3A_355 = arith.cmpf ogt, %get3A_325, %gt3A_354 : vector<128x128xf32>
    %get3A_356 = arith.constant 0 : index
    %get3A_357 = arith.constant 0 : index
    %get3A_358 = vector.load %arg15[%get3A_356, %get3A_357] : memref<1024x8xbf16, #tpu.memory_space<vmem>>, vector<1024x8xbf16>
    %dot_general3A_359 = arith.constant dense<0.000000e+00> : vector<128x8xf32>
    %dot_general3A_360 = tpu.matmul %slice3A_352, %get3A_358, %dot_general3A_359 {dimension_numbers = #tpu.dot_dimension_numbers<[1], [0], [0], [1], [0, 0, 1, 1], [], []>, transpose_lhs_hint = false} : vector<128x1024xbf16>, vector<1024x8xbf16>, vector<128x8xf32> -> vector<128x8xf32>
    %get3A_361 = arith.constant 0 : index
    %get3A_362 = arith.constant 0 : index
    %get3A_363 = vector.load %arg16[%get3A_361, %get3A_362] : memref<8x1024xbf16, #tpu.memory_space<vmem>>, vector<8x1024xbf16>
    %dot_general3A_364 = arith.constant dense<0.000000e+00> : vector<8x128xf32>
    %dot_general3A_365 = tpu.matmul %get3A_363, %slice3A_352, %dot_general3A_364 {dimension_numbers = #tpu.dot_dimension_numbers<[1], [1], [0], [0], [0, 0, 1, 0], [], []>, transpose_lhs_hint = false} : vector<8x1024xbf16>, vector<128x1024xbf16>, vector<8x128xf32> -> vector<8x128xf32>
    %get3A_366 = arith.constant 0 : index
    %get3A_367 = arith.constant 0 : index
    %get3A_368 = vector.load %arg17[%get3A_366, %get3A_367] : memref<8x1024xf32, #tpu.memory_space<vmem>>, vector<8x1024xf32>
    %dot_general3A_369 = arith.constant dense<0.000000e+00> : vector<128x1024xf32>
    %dot_general3A_370 = tpu.matmul %dot_general3A_360, %get3A_368, %dot_general3A_369 {dimension_numbers = #tpu.dot_dimension_numbers<[1], [0], [0], [1], [0, 0, 1, 1], [], []>, transpose_lhs_hint = false} : vector<128x8xf32>, vector<8x1024xf32>, vector<128x1024xf32> -> vector<128x1024xf32>
    %reshape3A_371 = vector.shape_cast %dot_general3A_365 : vector<8x128xf32> to vector<1x1024xf32>
    %concatenate3A_372 = tpu.concatenate %gt3A_355, %gt3A_355, %gt3A_355, %gt3A_355, %gt3A_355, %gt3A_355, %gt3A_355, %gt3A_355 in 1 : vector<128x128xi1>, vector<128x128xi1>, vector<128x128xi1>, vector<128x128xi1>, vector<128x128xi1>, vector<128x128xi1>, vector<128x128xi1>, vector<128x128xi1> -> vector<128x1024xi1>
    %add3A_373 = vector.broadcast %reshape3A_371 : vector<1x1024xf32> to vector<128x1024xf32>
    %add3A_374 = arith.addf %dot_general3A_370, %add3A_373 : vector<128x1024xf32>
    %ge3A_375 = arith.constant 0.000000e+00 : f32
    %ge3A_376 = vector.broadcast %ge3A_375 : f32 to vector<128x1024xf32>
    %ge3A_377 = arith.cmpf oge, %add3A_374, %ge3A_376 : vector<128x1024xf32>
    %mul3A_378 = arith.constant 2.000000e-01 : f32
    %mul3A_379 = vector.broadcast %mul3A_378 : f32 to vector<128x1024xf32>
    %mul3A_380 = arith.mulf %mul3A_379, %add3A_374 : vector<128x1024xf32>
    %select_n3A_381 = arith.select %ge3A_377, %add3A_374, %mul3A_380 : vector<128x1024xi1>, vector<128x1024xf32>
    %exp3A_382 = math.exp %select_n3A_381 : vector<128x1024xf32>
    %jit3A_383 = arith.constant 0.000000e+00 : f32
    %broadcast_in_dim3A_384 = vector.broadcast %jit3A_383 : f32 to vector<128x1024xf32>
    %select_n3A_385 = arith.select %concatenate3A_372, %exp3A_382, %broadcast_in_dim3A_384 : vector<128x1024xi1>, vector<128x1024xf32>
    %get3A_386 = arith.constant 0 : index
    %get3A_387 = arith.constant 0 : index
    %get3A_388 = vector.load %arg18[%get3A_386, %get3A_387] : memref<1024x8xf32, #tpu.memory_space<vmem>>, vector<1024x8xf32>
    %dot_general3A_389 = arith.constant dense<0.000000e+00> : vector<128x8xf32>
    %dot_general3A_390 = tpu.matmul %select_n3A_385, %get3A_388, %dot_general3A_389 {dimension_numbers = #tpu.dot_dimension_numbers<[1], [0], [0], [1], [0, 0, 1, 1], [], []>, transpose_lhs_hint = false} : vector<128x1024xf32>, vector<1024x8xf32>, vector<128x8xf32> -> vector<128x8xf32>
    %convert_element_type3A_391 = arith.truncf %select_n3A_385 : vector<128x1024xf32> to vector<128x1024xbf16>
    %slice3A_392 = vector.extract_strided_slice %convert_element_type3A_391 {offsets = [0, 0], sizes = [128, 128], strides = [1, 1]} : vector<128x1024xbf16> to vector<128x128xbf16>
    %slice3A_393 = vector.extract_strided_slice %slice3A_352 {offsets = [0, 0], sizes = [128, 128], strides = [1, 1]} : vector<128x1024xbf16> to vector<128x128xbf16>
    %dot_general3A_394 = arith.constant dense<0.000000e+00> : vector<128x128xf32>
    %dot_general3A_395 = tpu.matmul %slice3A_392, %slice3A_393, %dot_general3A_394 {dimension_numbers = #tpu.dot_dimension_numbers<[1], [0], [0], [1], [0, 0, 1, 1], [], []>, transpose_lhs_hint = false} : vector<128x128xbf16>, vector<128x128xbf16>, vector<128x128xf32> -> vector<128x128xf32>
    %slice3A_396 = vector.extract_strided_slice %dot_general3A_390 {offsets = [0, 0], sizes = [128, 1], strides = [1, 1]} : vector<128x8xf32> to vector<128x1xf32>
    %div3A_397 = vector.broadcast %slice3A_396 : vector<128x1xf32> to vector<128x128xf32>
    %div3A_398 = arith.divf %dot_general3A_395, %div3A_397 : vector<128x128xf32>
    %slice3A_399 = vector.extract_strided_slice %convert_element_type3A_391 {offsets = [0, 128], sizes = [128, 128], strides = [1, 1]} : vector<128x1024xbf16> to vector<128x128xbf16>
    %slice3A_400 = vector.extract_strided_slice %slice3A_352 {offsets = [0, 128], sizes = [128, 128], strides = [1, 1]} : vector<128x1024xbf16> to vector<128x128xbf16>
    %dot_general3A_401 = arith.constant dense<0.000000e+00> : vector<128x128xf32>
    %dot_general3A_402 = tpu.matmul %slice3A_399, %slice3A_400, %dot_general3A_401 {dimension_numbers = #tpu.dot_dimension_numbers<[1], [0], [0], [1], [0, 0, 1, 1], [], []>, transpose_lhs_hint = false} : vector<128x128xbf16>, vector<128x128xbf16>, vector<128x128xf32> -> vector<128x128xf32>
    %slice3A_403 = vector.extract_strided_slice %dot_general3A_390 {offsets = [0, 1], sizes = [128, 1], strides = [1, 1]} : vector<128x8xf32> to vector<128x1xf32>
    %div3A_404 = vector.broadcast %slice3A_403 : vector<128x1xf32> to vector<128x128xf32>
    %div3A_405 = arith.divf %dot_general3A_402, %div3A_404 : vector<128x128xf32>
    %slice3A_406 = vector.extract_strided_slice %convert_element_type3A_391 {offsets = [0, 256], sizes = [128, 128], strides = [1, 1]} : vector<128x1024xbf16> to vector<128x128xbf16>
    %slice3A_407 = vector.extract_strided_slice %slice3A_352 {offsets = [0, 256], sizes = [128, 128], strides = [1, 1]} : vector<128x1024xbf16> to vector<128x128xbf16>
    %dot_general3A_408 = arith.constant dense<0.000000e+00> : vector<128x128xf32>
    %dot_general3A_409 = tpu.matmul %slice3A_406, %slice3A_407, %dot_general3A_408 {dimension_numbers = #tpu.dot_dimension_numbers<[1], [0], [0], [1], [0, 0, 1, 1], [], []>, transpose_lhs_hint = false} : vector<128x128xbf16>, vector<128x128xbf16>, vector<128x128xf32> -> vector<128x128xf32>
    %slice3A_410 = vector.extract_strided_slice %dot_general3A_390 {offsets = [0, 2], sizes = [128, 1], strides = [1, 1]} : vector<128x8xf32> to vector<128x1xf32>
    %div3A_411 = vector.broadcast %slice3A_410 : vector<128x1xf32> to vector<128x128xf32>
    %div3A_412 = arith.divf %dot_general3A_409, %div3A_411 : vector<128x128xf32>
    %slice3A_413 = vector.extract_strided_slice %convert_element_type3A_391 {offsets = [0, 384], sizes = [128, 128], strides = [1, 1]} : vector<128x1024xbf16> to vector<128x128xbf16>
    %slice3A_414 = vector.extract_strided_slice %slice3A_352 {offsets = [0, 384], sizes = [128, 128], strides = [1, 1]} : vector<128x1024xbf16> to vector<128x128xbf16>
    %dot_general3A_415 = arith.constant dense<0.000000e+00> : vector<128x128xf32>
    %dot_general3A_416 = tpu.matmul %slice3A_413, %slice3A_414, %dot_general3A_415 {dimension_numbers = #tpu.dot_dimension_numbers<[1], [0], [0], [1], [0, 0, 1, 1], [], []>, transpose_lhs_hint = false} : vector<128x128xbf16>, vector<128x128xbf16>, vector<128x128xf32> -> vector<128x128xf32>
    %slice3A_417 = vector.extract_strided_slice %dot_general3A_390 {offsets = [0, 3], sizes = [128, 1], strides = [1, 1]} : vector<128x8xf32> to vector<128x1xf32>
    %div3A_418 = vector.broadcast %slice3A_417 : vector<128x1xf32> to vector<128x128xf32>
    %div3A_419 = arith.divf %dot_general3A_416, %div3A_418 : vector<128x128xf32>
    %slice3A_420 = vector.extract_strided_slice %convert_element_type3A_391 {offsets = [0, 512], sizes = [128, 128], strides = [1, 1]} : vector<128x1024xbf16> to vector<128x128xbf16>
    %slice3A_421 = vector.extract_strided_slice %slice3A_352 {offsets = [0, 512], sizes = [128, 128], strides = [1, 1]} : vector<128x1024xbf16> to vector<128x128xbf16>
    %dot_general3A_422 = arith.constant dense<0.000000e+00> : vector<128x128xf32>
    %dot_general3A_423 = tpu.matmul %slice3A_420, %slice3A_421, %dot_general3A_422 {dimension_numbers = #tpu.dot_dimension_numbers<[1], [0], [0], [1], [0, 0, 1, 1], [], []>, transpose_lhs_hint = false} : vector<128x128xbf16>, vector<128x128xbf16>, vector<128x128xf32> -> vector<128x128xf32>
    %slice3A_424 = vector.extract_strided_slice %dot_general3A_390 {offsets = [0, 4], sizes = [128, 1], strides = [1, 1]} : vector<128x8xf32> to vector<128x1xf32>
    %div3A_425 = vector.broadcast %slice3A_424 : vector<128x1xf32> to vector<128x128xf32>
    %div3A_426 = arith.divf %dot_general3A_423, %div3A_425 : vector<128x128xf32>
    %slice3A_427 = vector.extract_strided_slice %convert_element_type3A_391 {offsets = [0, 640], sizes = [128, 128], strides = [1, 1]} : vector<128x1024xbf16> to vector<128x128xbf16>
    %slice3A_428 = vector.extract_strided_slice %slice3A_352 {offsets = [0, 640], sizes = [128, 128], strides = [1, 1]} : vector<128x1024xbf16> to vector<128x128xbf16>
    %dot_general3A_429 = arith.constant dense<0.000000e+00> : vector<128x128xf32>
    %dot_general3A_430 = tpu.matmul %slice3A_427, %slice3A_428, %dot_general3A_429 {dimension_numbers = #tpu.dot_dimension_numbers<[1], [0], [0], [1], [0, 0, 1, 1], [], []>, transpose_lhs_hint = false} : vector<128x128xbf16>, vector<128x128xbf16>, vector<128x128xf32> -> vector<128x128xf32>
    %slice3A_431 = vector.extract_strided_slice %dot_general3A_390 {offsets = [0, 5], sizes = [128, 1], strides = [1, 1]} : vector<128x8xf32> to vector<128x1xf32>
    %div3A_432 = vector.broadcast %slice3A_431 : vector<128x1xf32> to vector<128x128xf32>
    %div3A_433 = arith.divf %dot_general3A_430, %div3A_432 : vector<128x128xf32>
    %slice3A_434 = vector.extract_strided_slice %convert_element_type3A_391 {offsets = [0, 768], sizes = [128, 128], strides = [1, 1]} : vector<128x1024xbf16> to vector<128x128xbf16>
    %slice3A_435 = vector.extract_strided_slice %slice3A_352 {offsets = [0, 768], sizes = [128, 128], strides = [1, 1]} : vector<128x1024xbf16> to vector<128x128xbf16>
    %dot_general3A_436 = arith.constant dense<0.000000e+00> : vector<128x128xf32>
    %dot_general3A_437 = tpu.matmul %slice3A_434, %slice3A_435, %dot_general3A_436 {dimension_numbers = #tpu.dot_dimension_numbers<[1], [0], [0], [1], [0, 0, 1, 1], [], []>, transpose_lhs_hint = false} : vector<128x128xbf16>, vector<128x128xbf16>, vector<128x128xf32> -> vector<128x128xf32>
    %slice3A_438 = vector.extract_strided_slice %dot_general3A_390 {offsets = [0, 6], sizes = [128, 1], strides = [1, 1]} : vector<128x8xf32> to vector<128x1xf32>
    %div3A_439 = vector.broadcast %slice3A_438 : vector<128x1xf32> to vector<128x128xf32>
    %div3A_440 = arith.divf %dot_general3A_437, %div3A_439 : vector<128x128xf32>
    %slice3A_441 = vector.extract_strided_slice %convert_element_type3A_391 {offsets = [0, 896], sizes = [128, 128], strides = [1, 1]} : vector<128x1024xbf16> to vector<128x128xbf16>
    %slice3A_442 = vector.extract_strided_slice %slice3A_352 {offsets = [0, 896], sizes = [128, 128], strides = [1, 1]} : vector<128x1024xbf16> to vector<128x128xbf16>
    %dot_general3A_443 = arith.constant dense<0.000000e+00> : vector<128x128xf32>
    %dot_general3A_444 = tpu.matmul %slice3A_441, %slice3A_442, %dot_general3A_443 {dimension_numbers = #tpu.dot_dimension_numbers<[1], [0], [0], [1], [0, 0, 1, 1], [], []>, transpose_lhs_hint = false} : vector<128x128xbf16>, vector<128x128xbf16>, vector<128x128xf32> -> vector<128x128xf32>
    %slice3A_445 = vector.extract_strided_slice %dot_general3A_390 {offsets = [0, 7], sizes = [128, 1], strides = [1, 1]} : vector<128x8xf32> to vector<128x1xf32>
    %div3A_446 = vector.broadcast %slice3A_445 : vector<128x1xf32> to vector<128x128xf32>
    %div3A_447 = arith.divf %dot_general3A_444, %div3A_446 : vector<128x128xf32>
    %concatenate3A_448 = tpu.concatenate %div3A_398, %div3A_405, %div3A_412, %div3A_419, %div3A_426, %div3A_433, %div3A_440, %div3A_447 in 1 : vector<128x128xf32>, vector<128x128xf32>, vector<128x128xf32>, vector<128x128xf32>, vector<128x128xf32>, vector<128x128xf32>, vector<128x128xf32>, vector<128x128xf32> -> vector<128x1024xf32>
    %gt3A_449 = arith.constant 0.000000e+00 : f32
    %gt3A_450 = vector.broadcast %gt3A_449 : f32 to vector<128x1024xf32>
    %gt3A_451 = arith.cmpf ogt, %concatenate3A_448, %gt3A_450 : vector<128x1024xf32>
    %gt3A_452 = arith.constant 0.000000e+00 : f32
    %gt3A_453 = vector.broadcast %gt3A_452 : f32 to vector<128x1024xf32>
    %gt3A_454 = arith.cmpf ogt, %concatenate3A_448, %gt3A_453 : vector<128x1024xf32>
    %jit3A_455 = arith.constant 0.000000e+00 : f32
    %broadcast_in_dim3A_456 = vector.broadcast %jit3A_455 : f32 to vector<128x1024xf32>
    %select_n3A_457 = arith.select %gt3A_454, %broadcast_in_dim3A_456, %concatenate3A_448 : vector<128x1024xi1>, vector<128x1024xf32>
    %exp3A_458 = math.exp %select_n3A_457 : vector<128x1024xf32>
    %sub3A_459 = arith.constant 1.000000e+00 : f32
    %sub3A_460 = vector.broadcast %sub3A_459 : f32 to vector<128x1024xf32>
    %sub3A_461 = arith.subf %exp3A_458, %sub3A_460 : vector<128x1024xf32>
    %select_n3A_462 = arith.select %gt3A_451, %concatenate3A_448, %sub3A_461 : vector<128x1024xi1>, vector<128x1024xf32>
    %convert_element_type3A_463 = arith.truncf %max3A_340 : vector<128x1024xf32> to vector<128x1024xbf16>
    %convert_element_type3A_464 = arith.truncf %max3A_351 : vector<128x1024xf32> to vector<128x1024xbf16>
    %convert_element_type3A_465 = arith.truncf %select_n3A_462 : vector<128x1024xf32> to vector<128x1024xbf16>
    %get3A_466 = arith.constant 3 : index
    %get3A_467 = arith.constant 0 : index
    %get3A_468 = arith.constant 0 : index
    %get3A_469 = vector.load %arg4[%get3A_466, %get3A_467, %get3A_468] : memref<8x128x128xf32, #tpu.memory_space<vmem>>, vector<1x128x128xf32>
    %get3A_470 = vector.shape_cast %get3A_469 : vector<1x128x128xf32> to vector<128x128xf32>
    %slice3A_471 = vector.extract_strided_slice %convert_element_type3A_32 {offsets = [3, 0, 0], sizes = [1, 128, 128], strides = [1, 1, 1]} : vector<8x128x128xbf16> to vector<1x128x128xbf16>
    %squeeze3A_472 = vector.shape_cast %slice3A_471 : vector<1x128x128xbf16> to vector<128x128xbf16>
    %slice3A_473 = vector.extract_strided_slice %convert_element_type3A_41 {offsets = [3, 0, 0], sizes = [1, 128, 128], strides = [1, 1, 1]} : vector<8x128x128xbf16> to vector<1x128x128xbf16>
    %squeeze3A_474 = vector.shape_cast %slice3A_473 : vector<1x128x128xbf16> to vector<128x128xbf16>
    %slice3A_475 = vector.extract_strided_slice %convert_element_type3A_7 {offsets = [384, 0], sizes = [128, 1024], strides = [1, 1]} : vector<1024x1024xbf16> to vector<128x1024xbf16>
    %dot_general3A_476 = arith.constant dense<0.000000e+00> : vector<128x1024xf32>
    %dot_general3A_477 = tpu.matmul %squeeze3A_472, %slice3A_475, %dot_general3A_476 {dimension_numbers = #tpu.dot_dimension_numbers<[1], [0], [0], [1], [0, 0, 1, 1], [], []>, transpose_lhs_hint = false} : vector<128x128xbf16>, vector<128x1024xbf16>, vector<128x1024xf32> -> vector<128x1024xf32>
    %get3A_478 = arith.constant 0 : index
    %get3A_479 = arith.constant 0 : index
    %get3A_480 = vector.load %arg8[%get3A_478, %get3A_479] : memref<1x1024xf32, #tpu.memory_space<vmem>>, vector<1x1024xf32>
    %add3A_481 = vector.broadcast %get3A_480 : vector<1x1024xf32> to vector<128x1024xf32>
    %add3A_482 = arith.addf %dot_general3A_477, %add3A_481 : vector<128x1024xf32>
    %max3A_483 = arith.constant 0.000000e+00 : f32
    %max3A_484 = vector.broadcast %max3A_483 : f32 to vector<128x1024xf32>
    %max3A_485 = arith.maximumf %add3A_482, %max3A_484 : vector<128x1024xf32>
    %slice3A_486 = vector.extract_strided_slice %convert_element_type3A_13 {offsets = [384, 0], sizes = [128, 1024], strides = [1, 1]} : vector<1024x1024xbf16> to vector<128x1024xbf16>
    %dot_general3A_487 = arith.constant dense<0.000000e+00> : vector<128x1024xf32>
    %dot_general3A_488 = tpu.matmul %squeeze3A_474, %slice3A_486, %dot_general3A_487 {dimension_numbers = #tpu.dot_dimension_numbers<[1], [0], [0], [1], [0, 0, 1, 1], [], []>, transpose_lhs_hint = false} : vector<128x128xbf16>, vector<128x1024xbf16>, vector<128x1024xf32> -> vector<128x1024xf32>
    %get3A_489 = arith.constant 0 : index
    %get3A_490 = arith.constant 0 : index
    %get3A_491 = vector.load %arg11[%get3A_489, %get3A_490] : memref<1x1024xf32, #tpu.memory_space<vmem>>, vector<1x1024xf32>
    %add3A_492 = vector.broadcast %get3A_491 : vector<1x1024xf32> to vector<128x1024xf32>
    %add3A_493 = arith.addf %dot_general3A_488, %add3A_492 : vector<128x1024xf32>
    %max3A_494 = arith.constant 0.000000e+00 : f32
    %max3A_495 = vector.broadcast %max3A_494 : f32 to vector<128x1024xf32>
    %max3A_496 = arith.maximumf %add3A_493, %max3A_495 : vector<128x1024xf32>
    %slice3A_497 = vector.extract_strided_slice %convert_element_type3A_19 {offsets = [384, 0], sizes = [128, 1024], strides = [1, 1]} : vector<1024x1024xbf16> to vector<128x1024xbf16>
    %gt3A_498 = arith.constant 0.000000e+00 : f32
    %gt3A_499 = vector.broadcast %gt3A_498 : f32 to vector<128x128xf32>
    %gt3A_500 = arith.cmpf ogt, %get3A_470, %gt3A_499 : vector<128x128xf32>
    %get3A_501 = arith.constant 0 : index
    %get3A_502 = arith.constant 0 : index
    %get3A_503 = vector.load %arg15[%get3A_501, %get3A_502] : memref<1024x8xbf16, #tpu.memory_space<vmem>>, vector<1024x8xbf16>
    %dot_general3A_504 = arith.constant dense<0.000000e+00> : vector<128x8xf32>
    %dot_general3A_505 = tpu.matmul %slice3A_497, %get3A_503, %dot_general3A_504 {dimension_numbers = #tpu.dot_dimension_numbers<[1], [0], [0], [1], [0, 0, 1, 1], [], []>, transpose_lhs_hint = false} : vector<128x1024xbf16>, vector<1024x8xbf16>, vector<128x8xf32> -> vector<128x8xf32>
    %get3A_506 = arith.constant 0 : index
    %get3A_507 = arith.constant 0 : index
    %get3A_508 = vector.load %arg16[%get3A_506, %get3A_507] : memref<8x1024xbf16, #tpu.memory_space<vmem>>, vector<8x1024xbf16>
    %dot_general3A_509 = arith.constant dense<0.000000e+00> : vector<8x128xf32>
    %dot_general3A_510 = tpu.matmul %get3A_508, %slice3A_497, %dot_general3A_509 {dimension_numbers = #tpu.dot_dimension_numbers<[1], [1], [0], [0], [0, 0, 1, 0], [], []>, transpose_lhs_hint = false} : vector<8x1024xbf16>, vector<128x1024xbf16>, vector<8x128xf32> -> vector<8x128xf32>
    %get3A_511 = arith.constant 0 : index
    %get3A_512 = arith.constant 0 : index
    %get3A_513 = vector.load %arg17[%get3A_511, %get3A_512] : memref<8x1024xf32, #tpu.memory_space<vmem>>, vector<8x1024xf32>
    %dot_general3A_514 = arith.constant dense<0.000000e+00> : vector<128x1024xf32>
    %dot_general3A_515 = tpu.matmul %dot_general3A_505, %get3A_513, %dot_general3A_514 {dimension_numbers = #tpu.dot_dimension_numbers<[1], [0], [0], [1], [0, 0, 1, 1], [], []>, transpose_lhs_hint = false} : vector<128x8xf32>, vector<8x1024xf32>, vector<128x1024xf32> -> vector<128x1024xf32>
    %reshape3A_516 = vector.shape_cast %dot_general3A_510 : vector<8x128xf32> to vector<1x1024xf32>
    %concatenate3A_517 = tpu.concatenate %gt3A_500, %gt3A_500, %gt3A_500, %gt3A_500, %gt3A_500, %gt3A_500, %gt3A_500, %gt3A_500 in 1 : vector<128x128xi1>, vector<128x128xi1>, vector<128x128xi1>, vector<128x128xi1>, vector<128x128xi1>, vector<128x128xi1>, vector<128x128xi1>, vector<128x128xi1> -> vector<128x1024xi1>
    %add3A_518 = vector.broadcast %reshape3A_516 : vector<1x1024xf32> to vector<128x1024xf32>
    %add3A_519 = arith.addf %dot_general3A_515, %add3A_518 : vector<128x1024xf32>
    %ge3A_520 = arith.constant 0.000000e+00 : f32
    %ge3A_521 = vector.broadcast %ge3A_520 : f32 to vector<128x1024xf32>
    %ge3A_522 = arith.cmpf oge, %add3A_519, %ge3A_521 : vector<128x1024xf32>
    %mul3A_523 = arith.constant 2.000000e-01 : f32
    %mul3A_524 = vector.broadcast %mul3A_523 : f32 to vector<128x1024xf32>
    %mul3A_525 = arith.mulf %mul3A_524, %add3A_519 : vector<128x1024xf32>
    %select_n3A_526 = arith.select %ge3A_522, %add3A_519, %mul3A_525 : vector<128x1024xi1>, vector<128x1024xf32>
    %exp3A_527 = math.exp %select_n3A_526 : vector<128x1024xf32>
    %jit3A_528 = arith.constant 0.000000e+00 : f32
    %broadcast_in_dim3A_529 = vector.broadcast %jit3A_528 : f32 to vector<128x1024xf32>
    %select_n3A_530 = arith.select %concatenate3A_517, %exp3A_527, %broadcast_in_dim3A_529 : vector<128x1024xi1>, vector<128x1024xf32>
    %get3A_531 = arith.constant 0 : index
    %get3A_532 = arith.constant 0 : index
    %get3A_533 = vector.load %arg18[%get3A_531, %get3A_532] : memref<1024x8xf32, #tpu.memory_space<vmem>>, vector<1024x8xf32>
    %dot_general3A_534 = arith.constant dense<0.000000e+00> : vector<128x8xf32>
    %dot_general3A_535 = tpu.matmul %select_n3A_530, %get3A_533, %dot_general3A_534 {dimension_numbers = #tpu.dot_dimension_numbers<[1], [0], [0], [1], [0, 0, 1, 1], [], []>, transpose_lhs_hint = false} : vector<128x1024xf32>, vector<1024x8xf32>, vector<128x8xf32> -> vector<128x8xf32>
    %convert_element_type3A_536 = arith.truncf %select_n3A_530 : vector<128x1024xf32> to vector<128x1024xbf16>
    %slice3A_537 = vector.extract_strided_slice %convert_element_type3A_536 {offsets = [0, 0], sizes = [128, 128], strides = [1, 1]} : vector<128x1024xbf16> to vector<128x128xbf16>
    %slice3A_538 = vector.extract_strided_slice %slice3A_497 {offsets = [0, 0], sizes = [128, 128], strides = [1, 1]} : vector<128x1024xbf16> to vector<128x128xbf16>
    %dot_general3A_539 = arith.constant dense<0.000000e+00> : vector<128x128xf32>
    %dot_general3A_540 = tpu.matmul %slice3A_537, %slice3A_538, %dot_general3A_539 {dimension_numbers = #tpu.dot_dimension_numbers<[1], [0], [0], [1], [0, 0, 1, 1], [], []>, transpose_lhs_hint = false} : vector<128x128xbf16>, vector<128x128xbf16>, vector<128x128xf32> -> vector<128x128xf32>
    %slice3A_541 = vector.extract_strided_slice %dot_general3A_535 {offsets = [0, 0], sizes = [128, 1], strides = [1, 1]} : vector<128x8xf32> to vector<128x1xf32>
    %div3A_542 = vector.broadcast %slice3A_541 : vector<128x1xf32> to vector<128x128xf32>
    %div3A_543 = arith.divf %dot_general3A_540, %div3A_542 : vector<128x128xf32>
    %slice3A_544 = vector.extract_strided_slice %convert_element_type3A_536 {offsets = [0, 128], sizes = [128, 128], strides = [1, 1]} : vector<128x1024xbf16> to vector<128x128xbf16>
    %slice3A_545 = vector.extract_strided_slice %slice3A_497 {offsets = [0, 128], sizes = [128, 128], strides = [1, 1]} : vector<128x1024xbf16> to vector<128x128xbf16>
    %dot_general3A_546 = arith.constant dense<0.000000e+00> : vector<128x128xf32>
    %dot_general3A_547 = tpu.matmul %slice3A_544, %slice3A_545, %dot_general3A_546 {dimension_numbers = #tpu.dot_dimension_numbers<[1], [0], [0], [1], [0, 0, 1, 1], [], []>, transpose_lhs_hint = false} : vector<128x128xbf16>, vector<128x128xbf16>, vector<128x128xf32> -> vector<128x128xf32>
    %slice3A_548 = vector.extract_strided_slice %dot_general3A_535 {offsets = [0, 1], sizes = [128, 1], strides = [1, 1]} : vector<128x8xf32> to vector<128x1xf32>
    %div3A_549 = vector.broadcast %slice3A_548 : vector<128x1xf32> to vector<128x128xf32>
    %div3A_550 = arith.divf %dot_general3A_547, %div3A_549 : vector<128x128xf32>
    %slice3A_551 = vector.extract_strided_slice %convert_element_type3A_536 {offsets = [0, 256], sizes = [128, 128], strides = [1, 1]} : vector<128x1024xbf16> to vector<128x128xbf16>
    %slice3A_552 = vector.extract_strided_slice %slice3A_497 {offsets = [0, 256], sizes = [128, 128], strides = [1, 1]} : vector<128x1024xbf16> to vector<128x128xbf16>
    %dot_general3A_553 = arith.constant dense<0.000000e+00> : vector<128x128xf32>
    %dot_general3A_554 = tpu.matmul %slice3A_551, %slice3A_552, %dot_general3A_553 {dimension_numbers = #tpu.dot_dimension_numbers<[1], [0], [0], [1], [0, 0, 1, 1], [], []>, transpose_lhs_hint = false} : vector<128x128xbf16>, vector<128x128xbf16>, vector<128x128xf32> -> vector<128x128xf32>
    %slice3A_555 = vector.extract_strided_slice %dot_general3A_535 {offsets = [0, 2], sizes = [128, 1], strides = [1, 1]} : vector<128x8xf32> to vector<128x1xf32>
    %div3A_556 = vector.broadcast %slice3A_555 : vector<128x1xf32> to vector<128x128xf32>
    %div3A_557 = arith.divf %dot_general3A_554, %div3A_556 : vector<128x128xf32>
    %slice3A_558 = vector.extract_strided_slice %convert_element_type3A_536 {offsets = [0, 384], sizes = [128, 128], strides = [1, 1]} : vector<128x1024xbf16> to vector<128x128xbf16>
    %slice3A_559 = vector.extract_strided_slice %slice3A_497 {offsets = [0, 384], sizes = [128, 128], strides = [1, 1]} : vector<128x1024xbf16> to vector<128x128xbf16>
    %dot_general3A_560 = arith.constant dense<0.000000e+00> : vector<128x128xf32>
    %dot_general3A_561 = tpu.matmul %slice3A_558, %slice3A_559, %dot_general3A_560 {dimension_numbers = #tpu.dot_dimension_numbers<[1], [0], [0], [1], [0, 0, 1, 1], [], []>, transpose_lhs_hint = false} : vector<128x128xbf16>, vector<128x128xbf16>, vector<128x128xf32> -> vector<128x128xf32>
    %slice3A_562 = vector.extract_strided_slice %dot_general3A_535 {offsets = [0, 3], sizes = [128, 1], strides = [1, 1]} : vector<128x8xf32> to vector<128x1xf32>
    %div3A_563 = vector.broadcast %slice3A_562 : vector<128x1xf32> to vector<128x128xf32>
    %div3A_564 = arith.divf %dot_general3A_561, %div3A_563 : vector<128x128xf32>
    %slice3A_565 = vector.extract_strided_slice %convert_element_type3A_536 {offsets = [0, 512], sizes = [128, 128], strides = [1, 1]} : vector<128x1024xbf16> to vector<128x128xbf16>
    %slice3A_566 = vector.extract_strided_slice %slice3A_497 {offsets = [0, 512], sizes = [128, 128], strides = [1, 1]} : vector<128x1024xbf16> to vector<128x128xbf16>
    %dot_general3A_567 = arith.constant dense<0.000000e+00> : vector<128x128xf32>
    %dot_general3A_568 = tpu.matmul %slice3A_565, %slice3A_566, %dot_general3A_567 {dimension_numbers = #tpu.dot_dimension_numbers<[1], [0], [0], [1], [0, 0, 1, 1], [], []>, transpose_lhs_hint = false} : vector<128x128xbf16>, vector<128x128xbf16>, vector<128x128xf32> -> vector<128x128xf32>
    %slice3A_569 = vector.extract_strided_slice %dot_general3A_535 {offsets = [0, 4], sizes = [128, 1], strides = [1, 1]} : vector<128x8xf32> to vector<128x1xf32>
    %div3A_570 = vector.broadcast %slice3A_569 : vector<128x1xf32> to vector<128x128xf32>
    %div3A_571 = arith.divf %dot_general3A_568, %div3A_570 : vector<128x128xf32>
    %slice3A_572 = vector.extract_strided_slice %convert_element_type3A_536 {offsets = [0, 640], sizes = [128, 128], strides = [1, 1]} : vector<128x1024xbf16> to vector<128x128xbf16>
    %slice3A_573 = vector.extract_strided_slice %slice3A_497 {offsets = [0, 640], sizes = [128, 128], strides = [1, 1]} : vector<128x1024xbf16> to vector<128x128xbf16>
    %dot_general3A_574 = arith.constant dense<0.000000e+00> : vector<128x128xf32>
    %dot_general3A_575 = tpu.matmul %slice3A_572, %slice3A_573, %dot_general3A_574 {dimension_numbers = #tpu.dot_dimension_numbers<[1], [0], [0], [1], [0, 0, 1, 1], [], []>, transpose_lhs_hint = false} : vector<128x128xbf16>, vector<128x128xbf16>, vector<128x128xf32> -> vector<128x128xf32>
    %slice3A_576 = vector.extract_strided_slice %dot_general3A_535 {offsets = [0, 5], sizes = [128, 1], strides = [1, 1]} : vector<128x8xf32> to vector<128x1xf32>
    %div3A_577 = vector.broadcast %slice3A_576 : vector<128x1xf32> to vector<128x128xf32>
    %div3A_578 = arith.divf %dot_general3A_575, %div3A_577 : vector<128x128xf32>
    %slice3A_579 = vector.extract_strided_slice %convert_element_type3A_536 {offsets = [0, 768], sizes = [128, 128], strides = [1, 1]} : vector<128x1024xbf16> to vector<128x128xbf16>
    %slice3A_580 = vector.extract_strided_slice %slice3A_497 {offsets = [0, 768], sizes = [128, 128], strides = [1, 1]} : vector<128x1024xbf16> to vector<128x128xbf16>
    %dot_general3A_581 = arith.constant dense<0.000000e+00> : vector<128x128xf32>
    %dot_general3A_582 = tpu.matmul %slice3A_579, %slice3A_580, %dot_general3A_581 {dimension_numbers = #tpu.dot_dimension_numbers<[1], [0], [0], [1], [0, 0, 1, 1], [], []>, transpose_lhs_hint = false} : vector<128x128xbf16>, vector<128x128xbf16>, vector<128x128xf32> -> vector<128x128xf32>
    %slice3A_583 = vector.extract_strided_slice %dot_general3A_535 {offsets = [0, 6], sizes = [128, 1], strides = [1, 1]} : vector<128x8xf32> to vector<128x1xf32>
    %div3A_584 = vector.broadcast %slice3A_583 : vector<128x1xf32> to vector<128x128xf32>
    %div3A_585 = arith.divf %dot_general3A_582, %div3A_584 : vector<128x128xf32>
    %slice3A_586 = vector.extract_strided_slice %convert_element_type3A_536 {offsets = [0, 896], sizes = [128, 128], strides = [1, 1]} : vector<128x1024xbf16> to vector<128x128xbf16>
    %slice3A_587 = vector.extract_strided_slice %slice3A_497 {offsets = [0, 896], sizes = [128, 128], strides = [1, 1]} : vector<128x1024xbf16> to vector<128x128xbf16>
    %dot_general3A_588 = arith.constant dense<0.000000e+00> : vector<128x128xf32>
    %dot_general3A_589 = tpu.matmul %slice3A_586, %slice3A_587, %dot_general3A_588 {dimension_numbers = #tpu.dot_dimension_numbers<[1], [0], [0], [1], [0, 0, 1, 1], [], []>, transpose_lhs_hint = false} : vector<128x128xbf16>, vector<128x128xbf16>, vector<128x128xf32> -> vector<128x128xf32>
    %slice3A_590 = vector.extract_strided_slice %dot_general3A_535 {offsets = [0, 7], sizes = [128, 1], strides = [1, 1]} : vector<128x8xf32> to vector<128x1xf32>
    %div3A_591 = vector.broadcast %slice3A_590 : vector<128x1xf32> to vector<128x128xf32>
    %div3A_592 = arith.divf %dot_general3A_589, %div3A_591 : vector<128x128xf32>
    %concatenate3A_593 = tpu.concatenate %div3A_543, %div3A_550, %div3A_557, %div3A_564, %div3A_571, %div3A_578, %div3A_585, %div3A_592 in 1 : vector<128x128xf32>, vector<128x128xf32>, vector<128x128xf32>, vector<128x128xf32>, vector<128x128xf32>, vector<128x128xf32>, vector<128x128xf32>, vector<128x128xf32> -> vector<128x1024xf32>
    %gt3A_594 = arith.constant 0.000000e+00 : f32
    %gt3A_595 = vector.broadcast %gt3A_594 : f32 to vector<128x1024xf32>
    %gt3A_596 = arith.cmpf ogt, %concatenate3A_593, %gt3A_595 : vector<128x1024xf32>
    %gt3A_597 = arith.constant 0.000000e+00 : f32
    %gt3A_598 = vector.broadcast %gt3A_597 : f32 to vector<128x1024xf32>
    %gt3A_599 = arith.cmpf ogt, %concatenate3A_593, %gt3A_598 : vector<128x1024xf32>
    %jit3A_600 = arith.constant 0.000000e+00 : f32
    %broadcast_in_dim3A_601 = vector.broadcast %jit3A_600 : f32 to vector<128x1024xf32>
    %select_n3A_602 = arith.select %gt3A_599, %broadcast_in_dim3A_601, %concatenate3A_593 : vector<128x1024xi1>, vector<128x1024xf32>
    %exp3A_603 = math.exp %select_n3A_602 : vector<128x1024xf32>
    %sub3A_604 = arith.constant 1.000000e+00 : f32
    %sub3A_605 = vector.broadcast %sub3A_604 : f32 to vector<128x1024xf32>
    %sub3A_606 = arith.subf %exp3A_603, %sub3A_605 : vector<128x1024xf32>
    %select_n3A_607 = arith.select %gt3A_596, %concatenate3A_593, %sub3A_606 : vector<128x1024xi1>, vector<128x1024xf32>
    %convert_element_type3A_608 = arith.truncf %max3A_485 : vector<128x1024xf32> to vector<128x1024xbf16>
    %convert_element_type3A_609 = arith.truncf %max3A_496 : vector<128x1024xf32> to vector<128x1024xbf16>
    %convert_element_type3A_610 = arith.truncf %select_n3A_607 : vector<128x1024xf32> to vector<128x1024xbf16>
    %get3A_611 = arith.constant 4 : index
    %get3A_612 = arith.constant 0 : index
    %get3A_613 = arith.constant 0 : index
    %get3A_614 = vector.load %arg4[%get3A_611, %get3A_612, %get3A_613] : memref<8x128x128xf32, #tpu.memory_space<vmem>>, vector<1x128x128xf32>
    %get3A_615 = vector.shape_cast %get3A_614 : vector<1x128x128xf32> to vector<128x128xf32>
    %slice3A_616 = vector.extract_strided_slice %convert_element_type3A_32 {offsets = [4, 0, 0], sizes = [1, 128, 128], strides = [1, 1, 1]} : vector<8x128x128xbf16> to vector<1x128x128xbf16>
    %squeeze3A_617 = vector.shape_cast %slice3A_616 : vector<1x128x128xbf16> to vector<128x128xbf16>
    %slice3A_618 = vector.extract_strided_slice %convert_element_type3A_41 {offsets = [4, 0, 0], sizes = [1, 128, 128], strides = [1, 1, 1]} : vector<8x128x128xbf16> to vector<1x128x128xbf16>
    %squeeze3A_619 = vector.shape_cast %slice3A_618 : vector<1x128x128xbf16> to vector<128x128xbf16>
    %slice3A_620 = vector.extract_strided_slice %convert_element_type3A_7 {offsets = [512, 0], sizes = [128, 1024], strides = [1, 1]} : vector<1024x1024xbf16> to vector<128x1024xbf16>
    %dot_general3A_621 = arith.constant dense<0.000000e+00> : vector<128x1024xf32>
    %dot_general3A_622 = tpu.matmul %squeeze3A_617, %slice3A_620, %dot_general3A_621 {dimension_numbers = #tpu.dot_dimension_numbers<[1], [0], [0], [1], [0, 0, 1, 1], [], []>, transpose_lhs_hint = false} : vector<128x128xbf16>, vector<128x1024xbf16>, vector<128x1024xf32> -> vector<128x1024xf32>
    %get3A_623 = arith.constant 0 : index
    %get3A_624 = arith.constant 0 : index
    %get3A_625 = vector.load %arg8[%get3A_623, %get3A_624] : memref<1x1024xf32, #tpu.memory_space<vmem>>, vector<1x1024xf32>
    %add3A_626 = vector.broadcast %get3A_625 : vector<1x1024xf32> to vector<128x1024xf32>
    %add3A_627 = arith.addf %dot_general3A_622, %add3A_626 : vector<128x1024xf32>
    %max3A_628 = arith.constant 0.000000e+00 : f32
    %max3A_629 = vector.broadcast %max3A_628 : f32 to vector<128x1024xf32>
    %max3A_630 = arith.maximumf %add3A_627, %max3A_629 : vector<128x1024xf32>
    %slice3A_631 = vector.extract_strided_slice %convert_element_type3A_13 {offsets = [512, 0], sizes = [128, 1024], strides = [1, 1]} : vector<1024x1024xbf16> to vector<128x1024xbf16>
    %dot_general3A_632 = arith.constant dense<0.000000e+00> : vector<128x1024xf32>
    %dot_general3A_633 = tpu.matmul %squeeze3A_619, %slice3A_631, %dot_general3A_632 {dimension_numbers = #tpu.dot_dimension_numbers<[1], [0], [0], [1], [0, 0, 1, 1], [], []>, transpose_lhs_hint = false} : vector<128x128xbf16>, vector<128x1024xbf16>, vector<128x1024xf32> -> vector<128x1024xf32>
    %get3A_634 = arith.constant 0 : index
    %get3A_635 = arith.constant 0 : index
    %get3A_636 = vector.load %arg11[%get3A_634, %get3A_635] : memref<1x1024xf32, #tpu.memory_space<vmem>>, vector<1x1024xf32>
    %add3A_637 = vector.broadcast %get3A_636 : vector<1x1024xf32> to vector<128x1024xf32>
    %add3A_638 = arith.addf %dot_general3A_633, %add3A_637 : vector<128x1024xf32>
    %max3A_639 = arith.constant 0.000000e+00 : f32
    %max3A_640 = vector.broadcast %max3A_639 : f32 to vector<128x1024xf32>
    %max3A_641 = arith.maximumf %add3A_638, %max3A_640 : vector<128x1024xf32>
    %slice3A_642 = vector.extract_strided_slice %convert_element_type3A_19 {offsets = [512, 0], sizes = [128, 1024], strides = [1, 1]} : vector<1024x1024xbf16> to vector<128x1024xbf16>
    %gt3A_643 = arith.constant 0.000000e+00 : f32
    %gt3A_644 = vector.broadcast %gt3A_643 : f32 to vector<128x128xf32>
    %gt3A_645 = arith.cmpf ogt, %get3A_615, %gt3A_644 : vector<128x128xf32>
    %get3A_646 = arith.constant 0 : index
    %get3A_647 = arith.constant 0 : index
    %get3A_648 = vector.load %arg15[%get3A_646, %get3A_647] : memref<1024x8xbf16, #tpu.memory_space<vmem>>, vector<1024x8xbf16>
    %dot_general3A_649 = arith.constant dense<0.000000e+00> : vector<128x8xf32>
    %dot_general3A_650 = tpu.matmul %slice3A_642, %get3A_648, %dot_general3A_649 {dimension_numbers = #tpu.dot_dimension_numbers<[1], [0], [0], [1], [0, 0, 1, 1], [], []>, transpose_lhs_hint = false} : vector<128x1024xbf16>, vector<1024x8xbf16>, vector<128x8xf32> -> vector<128x8xf32>
    %get3A_651 = arith.constant 0 : index
    %get3A_652 = arith.constant 0 : index
    %get3A_653 = vector.load %arg16[%get3A_651, %get3A_652] : memref<8x1024xbf16, #tpu.memory_space<vmem>>, vector<8x1024xbf16>
    %dot_general3A_654 = arith.constant dense<0.000000e+00> : vector<8x128xf32>
    %dot_general3A_655 = tpu.matmul %get3A_653, %slice3A_642, %dot_general3A_654 {dimension_numbers = #tpu.dot_dimension_numbers<[1], [1], [0], [0], [0, 0, 1, 0], [], []>, transpose_lhs_hint = false} : vector<8x1024xbf16>, vector<128x1024xbf16>, vector<8x128xf32> -> vector<8x128xf32>
    %get3A_656 = arith.constant 0 : index
    %get3A_657 = arith.constant 0 : index
    %get3A_658 = vector.load %arg17[%get3A_656, %get3A_657] : memref<8x1024xf32, #tpu.memory_space<vmem>>, vector<8x1024xf32>
    %dot_general3A_659 = arith.constant dense<0.000000e+00> : vector<128x1024xf32>
    %dot_general3A_660 = tpu.matmul %dot_general3A_650, %get3A_658, %dot_general3A_659 {dimension_numbers = #tpu.dot_dimension_numbers<[1], [0], [0], [1], [0, 0, 1, 1], [], []>, transpose_lhs_hint = false} : vector<128x8xf32>, vector<8x1024xf32>, vector<128x1024xf32> -> vector<128x1024xf32>
    %reshape3A_661 = vector.shape_cast %dot_general3A_655 : vector<8x128xf32> to vector<1x1024xf32>
    %concatenate3A_662 = tpu.concatenate %gt3A_645, %gt3A_645, %gt3A_645, %gt3A_645, %gt3A_645, %gt3A_645, %gt3A_645, %gt3A_645 in 1 : vector<128x128xi1>, vector<128x128xi1>, vector<128x128xi1>, vector<128x128xi1>, vector<128x128xi1>, vector<128x128xi1>, vector<128x128xi1>, vector<128x128xi1> -> vector<128x1024xi1>
    %add3A_663 = vector.broadcast %reshape3A_661 : vector<1x1024xf32> to vector<128x1024xf32>
    %add3A_664 = arith.addf %dot_general3A_660, %add3A_663 : vector<128x1024xf32>
    %ge3A_665 = arith.constant 0.000000e+00 : f32
    %ge3A_666 = vector.broadcast %ge3A_665 : f32 to vector<128x1024xf32>
    %ge3A_667 = arith.cmpf oge, %add3A_664, %ge3A_666 : vector<128x1024xf32>
    %mul3A_668 = arith.constant 2.000000e-01 : f32
    %mul3A_669 = vector.broadcast %mul3A_668 : f32 to vector<128x1024xf32>
    %mul3A_670 = arith.mulf %mul3A_669, %add3A_664 : vector<128x1024xf32>
    %select_n3A_671 = arith.select %ge3A_667, %add3A_664, %mul3A_670 : vector<128x1024xi1>, vector<128x1024xf32>
    %exp3A_672 = math.exp %select_n3A_671 : vector<128x1024xf32>
    %jit3A_673 = arith.constant 0.000000e+00 : f32
    %broadcast_in_dim3A_674 = vector.broadcast %jit3A_673 : f32 to vector<128x1024xf32>
    %select_n3A_675 = arith.select %concatenate3A_662, %exp3A_672, %broadcast_in_dim3A_674 : vector<128x1024xi1>, vector<128x1024xf32>
    %get3A_676 = arith.constant 0 : index
    %get3A_677 = arith.constant 0 : index
    %get3A_678 = vector.load %arg18[%get3A_676, %get3A_677] : memref<1024x8xf32, #tpu.memory_space<vmem>>, vector<1024x8xf32>
    %dot_general3A_679 = arith.constant dense<0.000000e+00> : vector<128x8xf32>
    %dot_general3A_680 = tpu.matmul %select_n3A_675, %get3A_678, %dot_general3A_679 {dimension_numbers = #tpu.dot_dimension_numbers<[1], [0], [0], [1], [0, 0, 1, 1], [], []>, transpose_lhs_hint = false} : vector<128x1024xf32>, vector<1024x8xf32>, vector<128x8xf32> -> vector<128x8xf32>
    %convert_element_type3A_681 = arith.truncf %select_n3A_675 : vector<128x1024xf32> to vector<128x1024xbf16>
    %slice3A_682 = vector.extract_strided_slice %convert_element_type3A_681 {offsets = [0, 0], sizes = [128, 128], strides = [1, 1]} : vector<128x1024xbf16> to vector<128x128xbf16>
    %slice3A_683 = vector.extract_strided_slice %slice3A_642 {offsets = [0, 0], sizes = [128, 128], strides = [1, 1]} : vector<128x1024xbf16> to vector<128x128xbf16>
    %dot_general3A_684 = arith.constant dense<0.000000e+00> : vector<128x128xf32>
    %dot_general3A_685 = tpu.matmul %slice3A_682, %slice3A_683, %dot_general3A_684 {dimension_numbers = #tpu.dot_dimension_numbers<[1], [0], [0], [1], [0, 0, 1, 1], [], []>, transpose_lhs_hint = false} : vector<128x128xbf16>, vector<128x128xbf16>, vector<128x128xf32> -> vector<128x128xf32>
    %slice3A_686 = vector.extract_strided_slice %dot_general3A_680 {offsets = [0, 0], sizes = [128, 1], strides = [1, 1]} : vector<128x8xf32> to vector<128x1xf32>
    %div3A_687 = vector.broadcast %slice3A_686 : vector<128x1xf32> to vector<128x128xf32>
    %div3A_688 = arith.divf %dot_general3A_685, %div3A_687 : vector<128x128xf32>
    %slice3A_689 = vector.extract_strided_slice %convert_element_type3A_681 {offsets = [0, 128], sizes = [128, 128], strides = [1, 1]} : vector<128x1024xbf16> to vector<128x128xbf16>
    %slice3A_690 = vector.extract_strided_slice %slice3A_642 {offsets = [0, 128], sizes = [128, 128], strides = [1, 1]} : vector<128x1024xbf16> to vector<128x128xbf16>
    %dot_general3A_691 = arith.constant dense<0.000000e+00> : vector<128x128xf32>
    %dot_general3A_692 = tpu.matmul %slice3A_689, %slice3A_690, %dot_general3A_691 {dimension_numbers = #tpu.dot_dimension_numbers<[1], [0], [0], [1], [0, 0, 1, 1], [], []>, transpose_lhs_hint = false} : vector<128x128xbf16>, vector<128x128xbf16>, vector<128x128xf32> -> vector<128x128xf32>
    %slice3A_693 = vector.extract_strided_slice %dot_general3A_680 {offsets = [0, 1], sizes = [128, 1], strides = [1, 1]} : vector<128x8xf32> to vector<128x1xf32>
    %div3A_694 = vector.broadcast %slice3A_693 : vector<128x1xf32> to vector<128x128xf32>
    %div3A_695 = arith.divf %dot_general3A_692, %div3A_694 : vector<128x128xf32>
    %slice3A_696 = vector.extract_strided_slice %convert_element_type3A_681 {offsets = [0, 256], sizes = [128, 128], strides = [1, 1]} : vector<128x1024xbf16> to vector<128x128xbf16>
    %slice3A_697 = vector.extract_strided_slice %slice3A_642 {offsets = [0, 256], sizes = [128, 128], strides = [1, 1]} : vector<128x1024xbf16> to vector<128x128xbf16>
    %dot_general3A_698 = arith.constant dense<0.000000e+00> : vector<128x128xf32>
    %dot_general3A_699 = tpu.matmul %slice3A_696, %slice3A_697, %dot_general3A_698 {dimension_numbers = #tpu.dot_dimension_numbers<[1], [0], [0], [1], [0, 0, 1, 1], [], []>, transpose_lhs_hint = false} : vector<128x128xbf16>, vector<128x128xbf16>, vector<128x128xf32> -> vector<128x128xf32>
    %slice3A_700 = vector.extract_strided_slice %dot_general3A_680 {offsets = [0, 2], sizes = [128, 1], strides = [1, 1]} : vector<128x8xf32> to vector<128x1xf32>
    %div3A_701 = vector.broadcast %slice3A_700 : vector<128x1xf32> to vector<128x128xf32>
    %div3A_702 = arith.divf %dot_general3A_699, %div3A_701 : vector<128x128xf32>
    %slice3A_703 = vector.extract_strided_slice %convert_element_type3A_681 {offsets = [0, 384], sizes = [128, 128], strides = [1, 1]} : vector<128x1024xbf16> to vector<128x128xbf16>
    %slice3A_704 = vector.extract_strided_slice %slice3A_642 {offsets = [0, 384], sizes = [128, 128], strides = [1, 1]} : vector<128x1024xbf16> to vector<128x128xbf16>
    %dot_general3A_705 = arith.constant dense<0.000000e+00> : vector<128x128xf32>
    %dot_general3A_706 = tpu.matmul %slice3A_703, %slice3A_704, %dot_general3A_705 {dimension_numbers = #tpu.dot_dimension_numbers<[1], [0], [0], [1], [0, 0, 1, 1], [], []>, transpose_lhs_hint = false} : vector<128x128xbf16>, vector<128x128xbf16>, vector<128x128xf32> -> vector<128x128xf32>
    %slice3A_707 = vector.extract_strided_slice %dot_general3A_680 {offsets = [0, 3], sizes = [128, 1], strides = [1, 1]} : vector<128x8xf32> to vector<128x1xf32>
    %div3A_708 = vector.broadcast %slice3A_707 : vector<128x1xf32> to vector<128x128xf32>
    %div3A_709 = arith.divf %dot_general3A_706, %div3A_708 : vector<128x128xf32>
    %slice3A_710 = vector.extract_strided_slice %convert_element_type3A_681 {offsets = [0, 512], sizes = [128, 128], strides = [1, 1]} : vector<128x1024xbf16> to vector<128x128xbf16>
    %slice3A_711 = vector.extract_strided_slice %slice3A_642 {offsets = [0, 512], sizes = [128, 128], strides = [1, 1]} : vector<128x1024xbf16> to vector<128x128xbf16>
    %dot_general3A_712 = arith.constant dense<0.000000e+00> : vector<128x128xf32>
    %dot_general3A_713 = tpu.matmul %slice3A_710, %slice3A_711, %dot_general3A_712 {dimension_numbers = #tpu.dot_dimension_numbers<[1], [0], [0], [1], [0, 0, 1, 1], [], []>, transpose_lhs_hint = false} : vector<128x128xbf16>, vector<128x128xbf16>, vector<128x128xf32> -> vector<128x128xf32>
    %slice3A_714 = vector.extract_strided_slice %dot_general3A_680 {offsets = [0, 4], sizes = [128, 1], strides = [1, 1]} : vector<128x8xf32> to vector<128x1xf32>
    %div3A_715 = vector.broadcast %slice3A_714 : vector<128x1xf32> to vector<128x128xf32>
    %div3A_716 = arith.divf %dot_general3A_713, %div3A_715 : vector<128x128xf32>
    %slice3A_717 = vector.extract_strided_slice %convert_element_type3A_681 {offsets = [0, 640], sizes = [128, 128], strides = [1, 1]} : vector<128x1024xbf16> to vector<128x128xbf16>
    %slice3A_718 = vector.extract_strided_slice %slice3A_642 {offsets = [0, 640], sizes = [128, 128], strides = [1, 1]} : vector<128x1024xbf16> to vector<128x128xbf16>
    %dot_general3A_719 = arith.constant dense<0.000000e+00> : vector<128x128xf32>
    %dot_general3A_720 = tpu.matmul %slice3A_717, %slice3A_718, %dot_general3A_719 {dimension_numbers = #tpu.dot_dimension_numbers<[1], [0], [0], [1], [0, 0, 1, 1], [], []>, transpose_lhs_hint = false} : vector<128x128xbf16>, vector<128x128xbf16>, vector<128x128xf32> -> vector<128x128xf32>
    %slice3A_721 = vector.extract_strided_slice %dot_general3A_680 {offsets = [0, 5], sizes = [128, 1], strides = [1, 1]} : vector<128x8xf32> to vector<128x1xf32>
    %div3A_722 = vector.broadcast %slice3A_721 : vector<128x1xf32> to vector<128x128xf32>
    %div3A_723 = arith.divf %dot_general3A_720, %div3A_722 : vector<128x128xf32>
    %slice3A_724 = vector.extract_strided_slice %convert_element_type3A_681 {offsets = [0, 768], sizes = [128, 128], strides = [1, 1]} : vector<128x1024xbf16> to vector<128x128xbf16>
    %slice3A_725 = vector.extract_strided_slice %slice3A_642 {offsets = [0, 768], sizes = [128, 128], strides = [1, 1]} : vector<128x1024xbf16> to vector<128x128xbf16>
    %dot_general3A_726 = arith.constant dense<0.000000e+00> : vector<128x128xf32>
    %dot_general3A_727 = tpu.matmul %slice3A_724, %slice3A_725, %dot_general3A_726 {dimension_numbers = #tpu.dot_dimension_numbers<[1], [0], [0], [1], [0, 0, 1, 1], [], []>, transpose_lhs_hint = false} : vector<128x128xbf16>, vector<128x128xbf16>, vector<128x128xf32> -> vector<128x128xf32>
    %slice3A_728 = vector.extract_strided_slice %dot_general3A_680 {offsets = [0, 6], sizes = [128, 1], strides = [1, 1]} : vector<128x8xf32> to vector<128x1xf32>
    %div3A_729 = vector.broadcast %slice3A_728 : vector<128x1xf32> to vector<128x128xf32>
    %div3A_730 = arith.divf %dot_general3A_727, %div3A_729 : vector<128x128xf32>
    %slice3A_731 = vector.extract_strided_slice %convert_element_type3A_681 {offsets = [0, 896], sizes = [128, 128], strides = [1, 1]} : vector<128x1024xbf16> to vector<128x128xbf16>
    %slice3A_732 = vector.extract_strided_slice %slice3A_642 {offsets = [0, 896], sizes = [128, 128], strides = [1, 1]} : vector<128x1024xbf16> to vector<128x128xbf16>
    %dot_general3A_733 = arith.constant dense<0.000000e+00> : vector<128x128xf32>
    %dot_general3A_734 = tpu.matmul %slice3A_731, %slice3A_732, %dot_general3A_733 {dimension_numbers = #tpu.dot_dimension_numbers<[1], [0], [0], [1], [0, 0, 1, 1], [], []>, transpose_lhs_hint = false} : vector<128x128xbf16>, vector<128x128xbf16>, vector<128x128xf32> -> vector<128x128xf32>
    %slice3A_735 = vector.extract_strided_slice %dot_general3A_680 {offsets = [0, 7], sizes = [128, 1], strides = [1, 1]} : vector<128x8xf32> to vector<128x1xf32>
    %div3A_736 = vector.broadcast %slice3A_735 : vector<128x1xf32> to vector<128x128xf32>
    %div3A_737 = arith.divf %dot_general3A_734, %div3A_736 : vector<128x128xf32>
    %concatenate3A_738 = tpu.concatenate %div3A_688, %div3A_695, %div3A_702, %div3A_709, %div3A_716, %div3A_723, %div3A_730, %div3A_737 in 1 : vector<128x128xf32>, vector<128x128xf32>, vector<128x128xf32>, vector<128x128xf32>, vector<128x128xf32>, vector<128x128xf32>, vector<128x128xf32>, vector<128x128xf32> -> vector<128x1024xf32>
    %gt3A_739 = arith.constant 0.000000e+00 : f32
    %gt3A_740 = vector.broadcast %gt3A_739 : f32 to vector<128x1024xf32>
    %gt3A_741 = arith.cmpf ogt, %concatenate3A_738, %gt3A_740 : vector<128x1024xf32>
    %gt3A_742 = arith.constant 0.000000e+00 : f32
    %gt3A_743 = vector.broadcast %gt3A_742 : f32 to vector<128x1024xf32>
    %gt3A_744 = arith.cmpf ogt, %concatenate3A_738, %gt3A_743 : vector<128x1024xf32>
    %jit3A_745 = arith.constant 0.000000e+00 : f32
    %broadcast_in_dim3A_746 = vector.broadcast %jit3A_745 : f32 to vector<128x1024xf32>
    %select_n3A_747 = arith.select %gt3A_744, %broadcast_in_dim3A_746, %concatenate3A_738 : vector<128x1024xi1>, vector<128x1024xf32>
    %exp3A_748 = math.exp %select_n3A_747 : vector<128x1024xf32>
    %sub3A_749 = arith.constant 1.000000e+00 : f32
    %sub3A_750 = vector.broadcast %sub3A_749 : f32 to vector<128x1024xf32>
    %sub3A_751 = arith.subf %exp3A_748, %sub3A_750 : vector<128x1024xf32>
    %select_n3A_752 = arith.select %gt3A_741, %concatenate3A_738, %sub3A_751 : vector<128x1024xi1>, vector<128x1024xf32>
    %convert_element_type3A_753 = arith.truncf %max3A_630 : vector<128x1024xf32> to vector<128x1024xbf16>
    %convert_element_type3A_754 = arith.truncf %max3A_641 : vector<128x1024xf32> to vector<128x1024xbf16>
    %convert_element_type3A_755 = arith.truncf %select_n3A_752 : vector<128x1024xf32> to vector<128x1024xbf16>
    %get3A_756 = arith.constant 5 : index
    %get3A_757 = arith.constant 0 : index
    %get3A_758 = arith.constant 0 : index
    %get3A_759 = vector.load %arg4[%get3A_756, %get3A_757, %get3A_758] : memref<8x128x128xf32, #tpu.memory_space<vmem>>, vector<1x128x128xf32>
    %get3A_760 = vector.shape_cast %get3A_759 : vector<1x128x128xf32> to vector<128x128xf32>
    %slice3A_761 = vector.extract_strided_slice %convert_element_type3A_32 {offsets = [5, 0, 0], sizes = [1, 128, 128], strides = [1, 1, 1]} : vector<8x128x128xbf16> to vector<1x128x128xbf16>
    %squeeze3A_762 = vector.shape_cast %slice3A_761 : vector<1x128x128xbf16> to vector<128x128xbf16>
    %slice3A_763 = vector.extract_strided_slice %convert_element_type3A_41 {offsets = [5, 0, 0], sizes = [1, 128, 128], strides = [1, 1, 1]} : vector<8x128x128xbf16> to vector<1x128x128xbf16>
    %squeeze3A_764 = vector.shape_cast %slice3A_763 : vector<1x128x128xbf16> to vector<128x128xbf16>
    %slice3A_765 = vector.extract_strided_slice %convert_element_type3A_7 {offsets = [640, 0], sizes = [128, 1024], strides = [1, 1]} : vector<1024x1024xbf16> to vector<128x1024xbf16>
    %dot_general3A_766 = arith.constant dense<0.000000e+00> : vector<128x1024xf32>
    %dot_general3A_767 = tpu.matmul %squeeze3A_762, %slice3A_765, %dot_general3A_766 {dimension_numbers = #tpu.dot_dimension_numbers<[1], [0], [0], [1], [0, 0, 1, 1], [], []>, transpose_lhs_hint = false} : vector<128x128xbf16>, vector<128x1024xbf16>, vector<128x1024xf32> -> vector<128x1024xf32>
    %get3A_768 = arith.constant 0 : index
    %get3A_769 = arith.constant 0 : index
    %get3A_770 = vector.load %arg8[%get3A_768, %get3A_769] : memref<1x1024xf32, #tpu.memory_space<vmem>>, vector<1x1024xf32>
    %add3A_771 = vector.broadcast %get3A_770 : vector<1x1024xf32> to vector<128x1024xf32>
    %add3A_772 = arith.addf %dot_general3A_767, %add3A_771 : vector<128x1024xf32>
    %max3A_773 = arith.constant 0.000000e+00 : f32
    %max3A_774 = vector.broadcast %max3A_773 : f32 to vector<128x1024xf32>
    %max3A_775 = arith.maximumf %add3A_772, %max3A_774 : vector<128x1024xf32>
    %slice3A_776 = vector.extract_strided_slice %convert_element_type3A_13 {offsets = [640, 0], sizes = [128, 1024], strides = [1, 1]} : vector<1024x1024xbf16> to vector<128x1024xbf16>
    %dot_general3A_777 = arith.constant dense<0.000000e+00> : vector<128x1024xf32>
    %dot_general3A_778 = tpu.matmul %squeeze3A_764, %slice3A_776, %dot_general3A_777 {dimension_numbers = #tpu.dot_dimension_numbers<[1], [0], [0], [1], [0, 0, 1, 1], [], []>, transpose_lhs_hint = false} : vector<128x128xbf16>, vector<128x1024xbf16>, vector<128x1024xf32> -> vector<128x1024xf32>
    %get3A_779 = arith.constant 0 : index
    %get3A_780 = arith.constant 0 : index
    %get3A_781 = vector.load %arg11[%get3A_779, %get3A_780] : memref<1x1024xf32, #tpu.memory_space<vmem>>, vector<1x1024xf32>
    %add3A_782 = vector.broadcast %get3A_781 : vector<1x1024xf32> to vector<128x1024xf32>
    %add3A_783 = arith.addf %dot_general3A_778, %add3A_782 : vector<128x1024xf32>
    %max3A_784 = arith.constant 0.000000e+00 : f32
    %max3A_785 = vector.broadcast %max3A_784 : f32 to vector<128x1024xf32>
    %max3A_786 = arith.maximumf %add3A_783, %max3A_785 : vector<128x1024xf32>
    %slice3A_787 = vector.extract_strided_slice %convert_element_type3A_19 {offsets = [640, 0], sizes = [128, 1024], strides = [1, 1]} : vector<1024x1024xbf16> to vector<128x1024xbf16>
    %gt3A_788 = arith.constant 0.000000e+00 : f32
    %gt3A_789 = vector.broadcast %gt3A_788 : f32 to vector<128x128xf32>
    %gt3A_790 = arith.cmpf ogt, %get3A_760, %gt3A_789 : vector<128x128xf32>
    %get3A_791 = arith.constant 0 : index
    %get3A_792 = arith.constant 0 : index
    %get3A_793 = vector.load %arg15[%get3A_791, %get3A_792] : memref<1024x8xbf16, #tpu.memory_space<vmem>>, vector<1024x8xbf16>
    %dot_general3A_794 = arith.constant dense<0.000000e+00> : vector<128x8xf32>
    %dot_general3A_795 = tpu.matmul %slice3A_787, %get3A_793, %dot_general3A_794 {dimension_numbers = #tpu.dot_dimension_numbers<[1], [0], [0], [1], [0, 0, 1, 1], [], []>, transpose_lhs_hint = false} : vector<128x1024xbf16>, vector<1024x8xbf16>, vector<128x8xf32> -> vector<128x8xf32>
    %get3A_796 = arith.constant 0 : index
    %get3A_797 = arith.constant 0 : index
    %get3A_798 = vector.load %arg16[%get3A_796, %get3A_797] : memref<8x1024xbf16, #tpu.memory_space<vmem>>, vector<8x1024xbf16>
    %dot_general3A_799 = arith.constant dense<0.000000e+00> : vector<8x128xf32>
    %dot_general3A_800 = tpu.matmul %get3A_798, %slice3A_787, %dot_general3A_799 {dimension_numbers = #tpu.dot_dimension_numbers<[1], [1], [0], [0], [0, 0, 1, 0], [], []>, transpose_lhs_hint = false} : vector<8x1024xbf16>, vector<128x1024xbf16>, vector<8x128xf32> -> vector<8x128xf32>
    %get3A_801 = arith.constant 0 : index
    %get3A_802 = arith.constant 0 : index
    %get3A_803 = vector.load %arg17[%get3A_801, %get3A_802] : memref<8x1024xf32, #tpu.memory_space<vmem>>, vector<8x1024xf32>
    %dot_general3A_804 = arith.constant dense<0.000000e+00> : vector<128x1024xf32>
    %dot_general3A_805 = tpu.matmul %dot_general3A_795, %get3A_803, %dot_general3A_804 {dimension_numbers = #tpu.dot_dimension_numbers<[1], [0], [0], [1], [0, 0, 1, 1], [], []>, transpose_lhs_hint = false} : vector<128x8xf32>, vector<8x1024xf32>, vector<128x1024xf32> -> vector<128x1024xf32>
    %reshape3A_806 = vector.shape_cast %dot_general3A_800 : vector<8x128xf32> to vector<1x1024xf32>
    %concatenate3A_807 = tpu.concatenate %gt3A_790, %gt3A_790, %gt3A_790, %gt3A_790, %gt3A_790, %gt3A_790, %gt3A_790, %gt3A_790 in 1 : vector<128x128xi1>, vector<128x128xi1>, vector<128x128xi1>, vector<128x128xi1>, vector<128x128xi1>, vector<128x128xi1>, vector<128x128xi1>, vector<128x128xi1> -> vector<128x1024xi1>
    %add3A_808 = vector.broadcast %reshape3A_806 : vector<1x1024xf32> to vector<128x1024xf32>
    %add3A_809 = arith.addf %dot_general3A_805, %add3A_808 : vector<128x1024xf32>
    %ge3A_810 = arith.constant 0.000000e+00 : f32
    %ge3A_811 = vector.broadcast %ge3A_810 : f32 to vector<128x1024xf32>
    %ge3A_812 = arith.cmpf oge, %add3A_809, %ge3A_811 : vector<128x1024xf32>
    %mul3A_813 = arith.constant 2.000000e-01 : f32
    %mul3A_814 = vector.broadcast %mul3A_813 : f32 to vector<128x1024xf32>
    %mul3A_815 = arith.mulf %mul3A_814, %add3A_809 : vector<128x1024xf32>
    %select_n3A_816 = arith.select %ge3A_812, %add3A_809, %mul3A_815 : vector<128x1024xi1>, vector<128x1024xf32>
    %exp3A_817 = math.exp %select_n3A_816 : vector<128x1024xf32>
    %jit3A_818 = arith.constant 0.000000e+00 : f32
    %broadcast_in_dim3A_819 = vector.broadcast %jit3A_818 : f32 to vector<128x1024xf32>
    %select_n3A_820 = arith.select %concatenate3A_807, %exp3A_817, %broadcast_in_dim3A_819 : vector<128x1024xi1>, vector<128x1024xf32>
    %get3A_821 = arith.constant 0 : index
    %get3A_822 = arith.constant 0 : index
    %get3A_823 = vector.load %arg18[%get3A_821, %get3A_822] : memref<1024x8xf32, #tpu.memory_space<vmem>>, vector<1024x8xf32>
    %dot_general3A_824 = arith.constant dense<0.000000e+00> : vector<128x8xf32>
    %dot_general3A_825 = tpu.matmul %select_n3A_820, %get3A_823, %dot_general3A_824 {dimension_numbers = #tpu.dot_dimension_numbers<[1], [0], [0], [1], [0, 0, 1, 1], [], []>, transpose_lhs_hint = false} : vector<128x1024xf32>, vector<1024x8xf32>, vector<128x8xf32> -> vector<128x8xf32>
    %convert_element_type3A_826 = arith.truncf %select_n3A_820 : vector<128x1024xf32> to vector<128x1024xbf16>
    %slice3A_827 = vector.extract_strided_slice %convert_element_type3A_826 {offsets = [0, 0], sizes = [128, 128], strides = [1, 1]} : vector<128x1024xbf16> to vector<128x128xbf16>
    %slice3A_828 = vector.extract_strided_slice %slice3A_787 {offsets = [0, 0], sizes = [128, 128], strides = [1, 1]} : vector<128x1024xbf16> to vector<128x128xbf16>
    %dot_general3A_829 = arith.constant dense<0.000000e+00> : vector<128x128xf32>
    %dot_general3A_830 = tpu.matmul %slice3A_827, %slice3A_828, %dot_general3A_829 {dimension_numbers = #tpu.dot_dimension_numbers<[1], [0], [0], [1], [0, 0, 1, 1], [], []>, transpose_lhs_hint = false} : vector<128x128xbf16>, vector<128x128xbf16>, vector<128x128xf32> -> vector<128x128xf32>
    %slice3A_831 = vector.extract_strided_slice %dot_general3A_825 {offsets = [0, 0], sizes = [128, 1], strides = [1, 1]} : vector<128x8xf32> to vector<128x1xf32>
    %div3A_832 = vector.broadcast %slice3A_831 : vector<128x1xf32> to vector<128x128xf32>
    %div3A_833 = arith.divf %dot_general3A_830, %div3A_832 : vector<128x128xf32>
    %slice3A_834 = vector.extract_strided_slice %convert_element_type3A_826 {offsets = [0, 128], sizes = [128, 128], strides = [1, 1]} : vector<128x1024xbf16> to vector<128x128xbf16>
    %slice3A_835 = vector.extract_strided_slice %slice3A_787 {offsets = [0, 128], sizes = [128, 128], strides = [1, 1]} : vector<128x1024xbf16> to vector<128x128xbf16>
    %dot_general3A_836 = arith.constant dense<0.000000e+00> : vector<128x128xf32>
    %dot_general3A_837 = tpu.matmul %slice3A_834, %slice3A_835, %dot_general3A_836 {dimension_numbers = #tpu.dot_dimension_numbers<[1], [0], [0], [1], [0, 0, 1, 1], [], []>, transpose_lhs_hint = false} : vector<128x128xbf16>, vector<128x128xbf16>, vector<128x128xf32> -> vector<128x128xf32>
    %slice3A_838 = vector.extract_strided_slice %dot_general3A_825 {offsets = [0, 1], sizes = [128, 1], strides = [1, 1]} : vector<128x8xf32> to vector<128x1xf32>
    %div3A_839 = vector.broadcast %slice3A_838 : vector<128x1xf32> to vector<128x128xf32>
    %div3A_840 = arith.divf %dot_general3A_837, %div3A_839 : vector<128x128xf32>
    %slice3A_841 = vector.extract_strided_slice %convert_element_type3A_826 {offsets = [0, 256], sizes = [128, 128], strides = [1, 1]} : vector<128x1024xbf16> to vector<128x128xbf16>
    %slice3A_842 = vector.extract_strided_slice %slice3A_787 {offsets = [0, 256], sizes = [128, 128], strides = [1, 1]} : vector<128x1024xbf16> to vector<128x128xbf16>
    %dot_general3A_843 = arith.constant dense<0.000000e+00> : vector<128x128xf32>
    %dot_general3A_844 = tpu.matmul %slice3A_841, %slice3A_842, %dot_general3A_843 {dimension_numbers = #tpu.dot_dimension_numbers<[1], [0], [0], [1], [0, 0, 1, 1], [], []>, transpose_lhs_hint = false} : vector<128x128xbf16>, vector<128x128xbf16>, vector<128x128xf32> -> vector<128x128xf32>
    %slice3A_845 = vector.extract_strided_slice %dot_general3A_825 {offsets = [0, 2], sizes = [128, 1], strides = [1, 1]} : vector<128x8xf32> to vector<128x1xf32>
    %div3A_846 = vector.broadcast %slice3A_845 : vector<128x1xf32> to vector<128x128xf32>
    %div3A_847 = arith.divf %dot_general3A_844, %div3A_846 : vector<128x128xf32>
    %slice3A_848 = vector.extract_strided_slice %convert_element_type3A_826 {offsets = [0, 384], sizes = [128, 128], strides = [1, 1]} : vector<128x1024xbf16> to vector<128x128xbf16>
    %slice3A_849 = vector.extract_strided_slice %slice3A_787 {offsets = [0, 384], sizes = [128, 128], strides = [1, 1]} : vector<128x1024xbf16> to vector<128x128xbf16>
    %dot_general3A_850 = arith.constant dense<0.000000e+00> : vector<128x128xf32>
    %dot_general3A_851 = tpu.matmul %slice3A_848, %slice3A_849, %dot_general3A_850 {dimension_numbers = #tpu.dot_dimension_numbers<[1], [0], [0], [1], [0, 0, 1, 1], [], []>, transpose_lhs_hint = false} : vector<128x128xbf16>, vector<128x128xbf16>, vector<128x128xf32> -> vector<128x128xf32>
    %slice3A_852 = vector.extract_strided_slice %dot_general3A_825 {offsets = [0, 3], sizes = [128, 1], strides = [1, 1]} : vector<128x8xf32> to vector<128x1xf32>
    %div3A_853 = vector.broadcast %slice3A_852 : vector<128x1xf32> to vector<128x128xf32>
    %div3A_854 = arith.divf %dot_general3A_851, %div3A_853 : vector<128x128xf32>
    %slice3A_855 = vector.extract_strided_slice %convert_element_type3A_826 {offsets = [0, 512], sizes = [128, 128], strides = [1, 1]} : vector<128x1024xbf16> to vector<128x128xbf16>
    %slice3A_856 = vector.extract_strided_slice %slice3A_787 {offsets = [0, 512], sizes = [128, 128], strides = [1, 1]} : vector<128x1024xbf16> to vector<128x128xbf16>
    %dot_general3A_857 = arith.constant dense<0.000000e+00> : vector<128x128xf32>
    %dot_general3A_858 = tpu.matmul %slice3A_855, %slice3A_856, %dot_general3A_857 {dimension_numbers = #tpu.dot_dimension_numbers<[1], [0], [0], [1], [0, 0, 1, 1], [], []>, transpose_lhs_hint = false} : vector<128x128xbf16>, vector<128x128xbf16>, vector<128x128xf32> -> vector<128x128xf32>
    %slice3A_859 = vector.extract_strided_slice %dot_general3A_825 {offsets = [0, 4], sizes = [128, 1], strides = [1, 1]} : vector<128x8xf32> to vector<128x1xf32>
    %div3A_860 = vector.broadcast %slice3A_859 : vector<128x1xf32> to vector<128x128xf32>
    %div3A_861 = arith.divf %dot_general3A_858, %div3A_860 : vector<128x128xf32>
    %slice3A_862 = vector.extract_strided_slice %convert_element_type3A_826 {offsets = [0, 640], sizes = [128, 128], strides = [1, 1]} : vector<128x1024xbf16> to vector<128x128xbf16>
    %slice3A_863 = vector.extract_strided_slice %slice3A_787 {offsets = [0, 640], sizes = [128, 128], strides = [1, 1]} : vector<128x1024xbf16> to vector<128x128xbf16>
    %dot_general3A_864 = arith.constant dense<0.000000e+00> : vector<128x128xf32>
    %dot_general3A_865 = tpu.matmul %slice3A_862, %slice3A_863, %dot_general3A_864 {dimension_numbers = #tpu.dot_dimension_numbers<[1], [0], [0], [1], [0, 0, 1, 1], [], []>, transpose_lhs_hint = false} : vector<128x128xbf16>, vector<128x128xbf16>, vector<128x128xf32> -> vector<128x128xf32>
    %slice3A_866 = vector.extract_strided_slice %dot_general3A_825 {offsets = [0, 5], sizes = [128, 1], strides = [1, 1]} : vector<128x8xf32> to vector<128x1xf32>
    %div3A_867 = vector.broadcast %slice3A_866 : vector<128x1xf32> to vector<128x128xf32>
    %div3A_868 = arith.divf %dot_general3A_865, %div3A_867 : vector<128x128xf32>
    %slice3A_869 = vector.extract_strided_slice %convert_element_type3A_826 {offsets = [0, 768], sizes = [128, 128], strides = [1, 1]} : vector<128x1024xbf16> to vector<128x128xbf16>
    %slice3A_870 = vector.extract_strided_slice %slice3A_787 {offsets = [0, 768], sizes = [128, 128], strides = [1, 1]} : vector<128x1024xbf16> to vector<128x128xbf16>
    %dot_general3A_871 = arith.constant dense<0.000000e+00> : vector<128x128xf32>
    %dot_general3A_872 = tpu.matmul %slice3A_869, %slice3A_870, %dot_general3A_871 {dimension_numbers = #tpu.dot_dimension_numbers<[1], [0], [0], [1], [0, 0, 1, 1], [], []>, transpose_lhs_hint = false} : vector<128x128xbf16>, vector<128x128xbf16>, vector<128x128xf32> -> vector<128x128xf32>
    %slice3A_873 = vector.extract_strided_slice %dot_general3A_825 {offsets = [0, 6], sizes = [128, 1], strides = [1, 1]} : vector<128x8xf32> to vector<128x1xf32>
    %div3A_874 = vector.broadcast %slice3A_873 : vector<128x1xf32> to vector<128x128xf32>
    %div3A_875 = arith.divf %dot_general3A_872, %div3A_874 : vector<128x128xf32>
    %slice3A_876 = vector.extract_strided_slice %convert_element_type3A_826 {offsets = [0, 896], sizes = [128, 128], strides = [1, 1]} : vector<128x1024xbf16> to vector<128x128xbf16>
    %slice3A_877 = vector.extract_strided_slice %slice3A_787 {offsets = [0, 896], sizes = [128, 128], strides = [1, 1]} : vector<128x1024xbf16> to vector<128x128xbf16>
    %dot_general3A_878 = arith.constant dense<0.000000e+00> : vector<128x128xf32>
    %dot_general3A_879 = tpu.matmul %slice3A_876, %slice3A_877, %dot_general3A_878 {dimension_numbers = #tpu.dot_dimension_numbers<[1], [0], [0], [1], [0, 0, 1, 1], [], []>, transpose_lhs_hint = false} : vector<128x128xbf16>, vector<128x128xbf16>, vector<128x128xf32> -> vector<128x128xf32>
    %slice3A_880 = vector.extract_strided_slice %dot_general3A_825 {offsets = [0, 7], sizes = [128, 1], strides = [1, 1]} : vector<128x8xf32> to vector<128x1xf32>
    %div3A_881 = vector.broadcast %slice3A_880 : vector<128x1xf32> to vector<128x128xf32>
    %div3A_882 = arith.divf %dot_general3A_879, %div3A_881 : vector<128x128xf32>
    %concatenate3A_883 = tpu.concatenate %div3A_833, %div3A_840, %div3A_847, %div3A_854, %div3A_861, %div3A_868, %div3A_875, %div3A_882 in 1 : vector<128x128xf32>, vector<128x128xf32>, vector<128x128xf32>, vector<128x128xf32>, vector<128x128xf32>, vector<128x128xf32>, vector<128x128xf32>, vector<128x128xf32> -> vector<128x1024xf32>
    %gt3A_884 = arith.constant 0.000000e+00 : f32
    %gt3A_885 = vector.broadcast %gt3A_884 : f32 to vector<128x1024xf32>
    %gt3A_886 = arith.cmpf ogt, %concatenate3A_883, %gt3A_885 : vector<128x1024xf32>
    %gt3A_887 = arith.constant 0.000000e+00 : f32
    %gt3A_888 = vector.broadcast %gt3A_887 : f32 to vector<128x1024xf32>
    %gt3A_889 = arith.cmpf ogt, %concatenate3A_883, %gt3A_888 : vector<128x1024xf32>
    %jit3A_890 = arith.constant 0.000000e+00 : f32
    %broadcast_in_dim3A_891 = vector.broadcast %jit3A_890 : f32 to vector<128x1024xf32>
    %select_n3A_892 = arith.select %gt3A_889, %broadcast_in_dim3A_891, %concatenate3A_883 : vector<128x1024xi1>, vector<128x1024xf32>
    %exp3A_893 = math.exp %select_n3A_892 : vector<128x1024xf32>
    %sub3A_894 = arith.constant 1.000000e+00 : f32
    %sub3A_895 = vector.broadcast %sub3A_894 : f32 to vector<128x1024xf32>
    %sub3A_896 = arith.subf %exp3A_893, %sub3A_895 : vector<128x1024xf32>
    %select_n3A_897 = arith.select %gt3A_886, %concatenate3A_883, %sub3A_896 : vector<128x1024xi1>, vector<128x1024xf32>
    %convert_element_type3A_898 = arith.truncf %max3A_775 : vector<128x1024xf32> to vector<128x1024xbf16>
    %convert_element_type3A_899 = arith.truncf %max3A_786 : vector<128x1024xf32> to vector<128x1024xbf16>
    %convert_element_type3A_900 = arith.truncf %select_n3A_897 : vector<128x1024xf32> to vector<128x1024xbf16>
    %get3A_901 = arith.constant 6 : index
    %get3A_902 = arith.constant 0 : index
    %get3A_903 = arith.constant 0 : index
    %get3A_904 = vector.load %arg4[%get3A_901, %get3A_902, %get3A_903] : memref<8x128x128xf32, #tpu.memory_space<vmem>>, vector<1x128x128xf32>
    %get3A_905 = vector.shape_cast %get3A_904 : vector<1x128x128xf32> to vector<128x128xf32>
    %slice3A_906 = vector.extract_strided_slice %convert_element_type3A_32 {offsets = [6, 0, 0], sizes = [1, 128, 128], strides = [1, 1, 1]} : vector<8x128x128xbf16> to vector<1x128x128xbf16>
    %squeeze3A_907 = vector.shape_cast %slice3A_906 : vector<1x128x128xbf16> to vector<128x128xbf16>
    %slice3A_908 = vector.extract_strided_slice %convert_element_type3A_41 {offsets = [6, 0, 0], sizes = [1, 128, 128], strides = [1, 1, 1]} : vector<8x128x128xbf16> to vector<1x128x128xbf16>
    %squeeze3A_909 = vector.shape_cast %slice3A_908 : vector<1x128x128xbf16> to vector<128x128xbf16>
    %slice3A_910 = vector.extract_strided_slice %convert_element_type3A_7 {offsets = [768, 0], sizes = [128, 1024], strides = [1, 1]} : vector<1024x1024xbf16> to vector<128x1024xbf16>
    %dot_general3A_911 = arith.constant dense<0.000000e+00> : vector<128x1024xf32>
    %dot_general3A_912 = tpu.matmul %squeeze3A_907, %slice3A_910, %dot_general3A_911 {dimension_numbers = #tpu.dot_dimension_numbers<[1], [0], [0], [1], [0, 0, 1, 1], [], []>, transpose_lhs_hint = false} : vector<128x128xbf16>, vector<128x1024xbf16>, vector<128x1024xf32> -> vector<128x1024xf32>
    %get3A_913 = arith.constant 0 : index
    %get3A_914 = arith.constant 0 : index
    %get3A_915 = vector.load %arg8[%get3A_913, %get3A_914] : memref<1x1024xf32, #tpu.memory_space<vmem>>, vector<1x1024xf32>
    %add3A_916 = vector.broadcast %get3A_915 : vector<1x1024xf32> to vector<128x1024xf32>
    %add3A_917 = arith.addf %dot_general3A_912, %add3A_916 : vector<128x1024xf32>
    %max3A_918 = arith.constant 0.000000e+00 : f32
    %max3A_919 = vector.broadcast %max3A_918 : f32 to vector<128x1024xf32>
    %max3A_920 = arith.maximumf %add3A_917, %max3A_919 : vector<128x1024xf32>
    %slice3A_921 = vector.extract_strided_slice %convert_element_type3A_13 {offsets = [768, 0], sizes = [128, 1024], strides = [1, 1]} : vector<1024x1024xbf16> to vector<128x1024xbf16>
    %dot_general3A_922 = arith.constant dense<0.000000e+00> : vector<128x1024xf32>
    %dot_general3A_923 = tpu.matmul %squeeze3A_909, %slice3A_921, %dot_general3A_922 {dimension_numbers = #tpu.dot_dimension_numbers<[1], [0], [0], [1], [0, 0, 1, 1], [], []>, transpose_lhs_hint = false} : vector<128x128xbf16>, vector<128x1024xbf16>, vector<128x1024xf32> -> vector<128x1024xf32>
    %get3A_924 = arith.constant 0 : index
    %get3A_925 = arith.constant 0 : index
    %get3A_926 = vector.load %arg11[%get3A_924, %get3A_925] : memref<1x1024xf32, #tpu.memory_space<vmem>>, vector<1x1024xf32>
    %add3A_927 = vector.broadcast %get3A_926 : vector<1x1024xf32> to vector<128x1024xf32>
    %add3A_928 = arith.addf %dot_general3A_923, %add3A_927 : vector<128x1024xf32>
    %max3A_929 = arith.constant 0.000000e+00 : f32
    %max3A_930 = vector.broadcast %max3A_929 : f32 to vector<128x1024xf32>
    %max3A_931 = arith.maximumf %add3A_928, %max3A_930 : vector<128x1024xf32>
    %slice3A_932 = vector.extract_strided_slice %convert_element_type3A_19 {offsets = [768, 0], sizes = [128, 1024], strides = [1, 1]} : vector<1024x1024xbf16> to vector<128x1024xbf16>
    %gt3A_933 = arith.constant 0.000000e+00 : f32
    %gt3A_934 = vector.broadcast %gt3A_933 : f32 to vector<128x128xf32>
    %gt3A_935 = arith.cmpf ogt, %get3A_905, %gt3A_934 : vector<128x128xf32>
    %get3A_936 = arith.constant 0 : index
    %get3A_937 = arith.constant 0 : index
    %get3A_938 = vector.load %arg15[%get3A_936, %get3A_937] : memref<1024x8xbf16, #tpu.memory_space<vmem>>, vector<1024x8xbf16>
    %dot_general3A_939 = arith.constant dense<0.000000e+00> : vector<128x8xf32>
    %dot_general3A_940 = tpu.matmul %slice3A_932, %get3A_938, %dot_general3A_939 {dimension_numbers = #tpu.dot_dimension_numbers<[1], [0], [0], [1], [0, 0, 1, 1], [], []>, transpose_lhs_hint = false} : vector<128x1024xbf16>, vector<1024x8xbf16>, vector<128x8xf32> -> vector<128x8xf32>
    %get3A_941 = arith.constant 0 : index
    %get3A_942 = arith.constant 0 : index
    %get3A_943 = vector.load %arg16[%get3A_941, %get3A_942] : memref<8x1024xbf16, #tpu.memory_space<vmem>>, vector<8x1024xbf16>
    %dot_general3A_944 = arith.constant dense<0.000000e+00> : vector<8x128xf32>
    %dot_general3A_945 = tpu.matmul %get3A_943, %slice3A_932, %dot_general3A_944 {dimension_numbers = #tpu.dot_dimension_numbers<[1], [1], [0], [0], [0, 0, 1, 0], [], []>, transpose_lhs_hint = false} : vector<8x1024xbf16>, vector<128x1024xbf16>, vector<8x128xf32> -> vector<8x128xf32>
    %get3A_946 = arith.constant 0 : index
    %get3A_947 = arith.constant 0 : index
    %get3A_948 = vector.load %arg17[%get3A_946, %get3A_947] : memref<8x1024xf32, #tpu.memory_space<vmem>>, vector<8x1024xf32>
    %dot_general3A_949 = arith.constant dense<0.000000e+00> : vector<128x1024xf32>
    %dot_general3A_950 = tpu.matmul %dot_general3A_940, %get3A_948, %dot_general3A_949 {dimension_numbers = #tpu.dot_dimension_numbers<[1], [0], [0], [1], [0, 0, 1, 1], [], []>, transpose_lhs_hint = false} : vector<128x8xf32>, vector<8x1024xf32>, vector<128x1024xf32> -> vector<128x1024xf32>
    %reshape3A_951 = vector.shape_cast %dot_general3A_945 : vector<8x128xf32> to vector<1x1024xf32>
    %concatenate3A_952 = tpu.concatenate %gt3A_935, %gt3A_935, %gt3A_935, %gt3A_935, %gt3A_935, %gt3A_935, %gt3A_935, %gt3A_935 in 1 : vector<128x128xi1>, vector<128x128xi1>, vector<128x128xi1>, vector<128x128xi1>, vector<128x128xi1>, vector<128x128xi1>, vector<128x128xi1>, vector<128x128xi1> -> vector<128x1024xi1>
    %add3A_953 = vector.broadcast %reshape3A_951 : vector<1x1024xf32> to vector<128x1024xf32>
    %add3A_954 = arith.addf %dot_general3A_950, %add3A_953 : vector<128x1024xf32>
    %ge3A_955 = arith.constant 0.000000e+00 : f32
    %ge3A_956 = vector.broadcast %ge3A_955 : f32 to vector<128x1024xf32>
    %ge3A_957 = arith.cmpf oge, %add3A_954, %ge3A_956 : vector<128x1024xf32>
    %mul3A_958 = arith.constant 2.000000e-01 : f32
    %mul3A_959 = vector.broadcast %mul3A_958 : f32 to vector<128x1024xf32>
    %mul3A_960 = arith.mulf %mul3A_959, %add3A_954 : vector<128x1024xf32>
    %select_n3A_961 = arith.select %ge3A_957, %add3A_954, %mul3A_960 : vector<128x1024xi1>, vector<128x1024xf32>
    %exp3A_962 = math.exp %select_n3A_961 : vector<128x1024xf32>
    %jit3A_963 = arith.constant 0.000000e+00 : f32
    %broadcast_in_dim3A_964 = vector.broadcast %jit3A_963 : f32 to vector<128x1024xf32>
    %select_n3A_965 = arith.select %concatenate3A_952, %exp3A_962, %broadcast_in_dim3A_964 : vector<128x1024xi1>, vector<128x1024xf32>
    %get3A_966 = arith.constant 0 : index
    %get3A_967 = arith.constant 0 : index
    %get3A_968 = vector.load %arg18[%get3A_966, %get3A_967] : memref<1024x8xf32, #tpu.memory_space<vmem>>, vector<1024x8xf32>
    %dot_general3A_969 = arith.constant dense<0.000000e+00> : vector<128x8xf32>
    %dot_general3A_970 = tpu.matmul %select_n3A_965, %get3A_968, %dot_general3A_969 {dimension_numbers = #tpu.dot_dimension_numbers<[1], [0], [0], [1], [0, 0, 1, 1], [], []>, transpose_lhs_hint = false} : vector<128x1024xf32>, vector<1024x8xf32>, vector<128x8xf32> -> vector<128x8xf32>
    %convert_element_type3A_971 = arith.truncf %select_n3A_965 : vector<128x1024xf32> to vector<128x1024xbf16>
    %slice3A_972 = vector.extract_strided_slice %convert_element_type3A_971 {offsets = [0, 0], sizes = [128, 128], strides = [1, 1]} : vector<128x1024xbf16> to vector<128x128xbf16>
    %slice3A_973 = vector.extract_strided_slice %slice3A_932 {offsets = [0, 0], sizes = [128, 128], strides = [1, 1]} : vector<128x1024xbf16> to vector<128x128xbf16>
    %dot_general3A_974 = arith.constant dense<0.000000e+00> : vector<128x128xf32>
    %dot_general3A_975 = tpu.matmul %slice3A_972, %slice3A_973, %dot_general3A_974 {dimension_numbers = #tpu.dot_dimension_numbers<[1], [0], [0], [1], [0, 0, 1, 1], [], []>, transpose_lhs_hint = false} : vector<128x128xbf16>, vector<128x128xbf16>, vector<128x128xf32> -> vector<128x128xf32>
    %slice3A_976 = vector.extract_strided_slice %dot_general3A_970 {offsets = [0, 0], sizes = [128, 1], strides = [1, 1]} : vector<128x8xf32> to vector<128x1xf32>
    %div3A_977 = vector.broadcast %slice3A_976 : vector<128x1xf32> to vector<128x128xf32>
    %div3A_978 = arith.divf %dot_general3A_975, %div3A_977 : vector<128x128xf32>
    %slice3A_979 = vector.extract_strided_slice %convert_element_type3A_971 {offsets = [0, 128], sizes = [128, 128], strides = [1, 1]} : vector<128x1024xbf16> to vector<128x128xbf16>
    %slice3A_980 = vector.extract_strided_slice %slice3A_932 {offsets = [0, 128], sizes = [128, 128], strides = [1, 1]} : vector<128x1024xbf16> to vector<128x128xbf16>
    %dot_general3A_981 = arith.constant dense<0.000000e+00> : vector<128x128xf32>
    %dot_general3A_982 = tpu.matmul %slice3A_979, %slice3A_980, %dot_general3A_981 {dimension_numbers = #tpu.dot_dimension_numbers<[1], [0], [0], [1], [0, 0, 1, 1], [], []>, transpose_lhs_hint = false} : vector<128x128xbf16>, vector<128x128xbf16>, vector<128x128xf32> -> vector<128x128xf32>
    %slice3A_983 = vector.extract_strided_slice %dot_general3A_970 {offsets = [0, 1], sizes = [128, 1], strides = [1, 1]} : vector<128x8xf32> to vector<128x1xf32>
    %div3A_984 = vector.broadcast %slice3A_983 : vector<128x1xf32> to vector<128x128xf32>
    %div3A_985 = arith.divf %dot_general3A_982, %div3A_984 : vector<128x128xf32>
    %slice3A_986 = vector.extract_strided_slice %convert_element_type3A_971 {offsets = [0, 256], sizes = [128, 128], strides = [1, 1]} : vector<128x1024xbf16> to vector<128x128xbf16>
    %slice3A_987 = vector.extract_strided_slice %slice3A_932 {offsets = [0, 256], sizes = [128, 128], strides = [1, 1]} : vector<128x1024xbf16> to vector<128x128xbf16>
    %dot_general3A_988 = arith.constant dense<0.000000e+00> : vector<128x128xf32>
    %dot_general3A_989 = tpu.matmul %slice3A_986, %slice3A_987, %dot_general3A_988 {dimension_numbers = #tpu.dot_dimension_numbers<[1], [0], [0], [1], [0, 0, 1, 1], [], []>, transpose_lhs_hint = false} : vector<128x128xbf16>, vector<128x128xbf16>, vector<128x128xf32> -> vector<128x128xf32>
    %slice3A_990 = vector.extract_strided_slice %dot_general3A_970 {offsets = [0, 2], sizes = [128, 1], strides = [1, 1]} : vector<128x8xf32> to vector<128x1xf32>
    %div3A_991 = vector.broadcast %slice3A_990 : vector<128x1xf32> to vector<128x128xf32>
    %div3A_992 = arith.divf %dot_general3A_989, %div3A_991 : vector<128x128xf32>
    %slice3A_993 = vector.extract_strided_slice %convert_element_type3A_971 {offsets = [0, 384], sizes = [128, 128], strides = [1, 1]} : vector<128x1024xbf16> to vector<128x128xbf16>
    %slice3A_994 = vector.extract_strided_slice %slice3A_932 {offsets = [0, 384], sizes = [128, 128], strides = [1, 1]} : vector<128x1024xbf16> to vector<128x128xbf16>
    %dot_general3A_995 = arith.constant dense<0.000000e+00> : vector<128x128xf32>
    %dot_general3A_996 = tpu.matmul %slice3A_993, %slice3A_994, %dot_general3A_995 {dimension_numbers = #tpu.dot_dimension_numbers<[1], [0], [0], [1], [0, 0, 1, 1], [], []>, transpose_lhs_hint = false} : vector<128x128xbf16>, vector<128x128xbf16>, vector<128x128xf32> -> vector<128x128xf32>
    %slice3A_997 = vector.extract_strided_slice %dot_general3A_970 {offsets = [0, 3], sizes = [128, 1], strides = [1, 1]} : vector<128x8xf32> to vector<128x1xf32>
    %div3A_998 = vector.broadcast %slice3A_997 : vector<128x1xf32> to vector<128x128xf32>
    %div3A_999 = arith.divf %dot_general3A_996, %div3A_998 : vector<128x128xf32>
    %slice3A_1000 = vector.extract_strided_slice %convert_element_type3A_971 {offsets = [0, 512], sizes = [128, 128], strides = [1, 1]} : vector<128x1024xbf16> to vector<128x128xbf16>
    %slice3A_1001 = vector.extract_strided_slice %slice3A_932 {offsets = [0, 512], sizes = [128, 128], strides = [1, 1]} : vector<128x1024xbf16> to vector<128x128xbf16>
    %dot_general3A_1002 = arith.constant dense<0.000000e+00> : vector<128x128xf32>
    %dot_general3A_1003 = tpu.matmul %slice3A_1000, %slice3A_1001, %dot_general3A_1002 {dimension_numbers = #tpu.dot_dimension_numbers<[1], [0], [0], [1], [0, 0, 1, 1], [], []>, transpose_lhs_hint = false} : vector<128x128xbf16>, vector<128x128xbf16>, vector<128x128xf32> -> vector<128x128xf32>
    %slice3A_1004 = vector.extract_strided_slice %dot_general3A_970 {offsets = [0, 4], sizes = [128, 1], strides = [1, 1]} : vector<128x8xf32> to vector<128x1xf32>
    %div3A_1005 = vector.broadcast %slice3A_1004 : vector<128x1xf32> to vector<128x128xf32>
    %div3A_1006 = arith.divf %dot_general3A_1003, %div3A_1005 : vector<128x128xf32>
    %slice3A_1007 = vector.extract_strided_slice %convert_element_type3A_971 {offsets = [0, 640], sizes = [128, 128], strides = [1, 1]} : vector<128x1024xbf16> to vector<128x128xbf16>
    %slice3A_1008 = vector.extract_strided_slice %slice3A_932 {offsets = [0, 640], sizes = [128, 128], strides = [1, 1]} : vector<128x1024xbf16> to vector<128x128xbf16>
    %dot_general3A_1009 = arith.constant dense<0.000000e+00> : vector<128x128xf32>
    %dot_general3A_1010 = tpu.matmul %slice3A_1007, %slice3A_1008, %dot_general3A_1009 {dimension_numbers = #tpu.dot_dimension_numbers<[1], [0], [0], [1], [0, 0, 1, 1], [], []>, transpose_lhs_hint = false} : vector<128x128xbf16>, vector<128x128xbf16>, vector<128x128xf32> -> vector<128x128xf32>
    %slice3A_1011 = vector.extract_strided_slice %dot_general3A_970 {offsets = [0, 5], sizes = [128, 1], strides = [1, 1]} : vector<128x8xf32> to vector<128x1xf32>
    %div3A_1012 = vector.broadcast %slice3A_1011 : vector<128x1xf32> to vector<128x128xf32>
    %div3A_1013 = arith.divf %dot_general3A_1010, %div3A_1012 : vector<128x128xf32>
    %slice3A_1014 = vector.extract_strided_slice %convert_element_type3A_971 {offsets = [0, 768], sizes = [128, 128], strides = [1, 1]} : vector<128x1024xbf16> to vector<128x128xbf16>
    %slice3A_1015 = vector.extract_strided_slice %slice3A_932 {offsets = [0, 768], sizes = [128, 128], strides = [1, 1]} : vector<128x1024xbf16> to vector<128x128xbf16>
    %dot_general3A_1016 = arith.constant dense<0.000000e+00> : vector<128x128xf32>
    %dot_general3A_1017 = tpu.matmul %slice3A_1014, %slice3A_1015, %dot_general3A_1016 {dimension_numbers = #tpu.dot_dimension_numbers<[1], [0], [0], [1], [0, 0, 1, 1], [], []>, transpose_lhs_hint = false} : vector<128x128xbf16>, vector<128x128xbf16>, vector<128x128xf32> -> vector<128x128xf32>
    %slice3A_1018 = vector.extract_strided_slice %dot_general3A_970 {offsets = [0, 6], sizes = [128, 1], strides = [1, 1]} : vector<128x8xf32> to vector<128x1xf32>
    %div3A_1019 = vector.broadcast %slice3A_1018 : vector<128x1xf32> to vector<128x128xf32>
    %div3A_1020 = arith.divf %dot_general3A_1017, %div3A_1019 : vector<128x128xf32>
    %slice3A_1021 = vector.extract_strided_slice %convert_element_type3A_971 {offsets = [0, 896], sizes = [128, 128], strides = [1, 1]} : vector<128x1024xbf16> to vector<128x128xbf16>
    %slice3A_1022 = vector.extract_strided_slice %slice3A_932 {offsets = [0, 896], sizes = [128, 128], strides = [1, 1]} : vector<128x1024xbf16> to vector<128x128xbf16>
    %dot_general3A_1023 = arith.constant dense<0.000000e+00> : vector<128x128xf32>
    %dot_general3A_1024 = tpu.matmul %slice3A_1021, %slice3A_1022, %dot_general3A_1023 {dimension_numbers = #tpu.dot_dimension_numbers<[1], [0], [0], [1], [0, 0, 1, 1], [], []>, transpose_lhs_hint = false} : vector<128x128xbf16>, vector<128x128xbf16>, vector<128x128xf32> -> vector<128x128xf32>
    %slice3A_1025 = vector.extract_strided_slice %dot_general3A_970 {offsets = [0, 7], sizes = [128, 1], strides = [1, 1]} : vector<128x8xf32> to vector<128x1xf32>
    %div3A_1026 = vector.broadcast %slice3A_1025 : vector<128x1xf32> to vector<128x128xf32>
    %div3A_1027 = arith.divf %dot_general3A_1024, %div3A_1026 : vector<128x128xf32>
    %concatenate3A_1028 = tpu.concatenate %div3A_978, %div3A_985, %div3A_992, %div3A_999, %div3A_1006, %div3A_1013, %div3A_1020, %div3A_1027 in 1 : vector<128x128xf32>, vector<128x128xf32>, vector<128x128xf32>, vector<128x128xf32>, vector<128x128xf32>, vector<128x128xf32>, vector<128x128xf32>, vector<128x128xf32> -> vector<128x1024xf32>
    %gt3A_1029 = arith.constant 0.000000e+00 : f32
    %gt3A_1030 = vector.broadcast %gt3A_1029 : f32 to vector<128x1024xf32>
    %gt3A_1031 = arith.cmpf ogt, %concatenate3A_1028, %gt3A_1030 : vector<128x1024xf32>
    %gt3A_1032 = arith.constant 0.000000e+00 : f32
    %gt3A_1033 = vector.broadcast %gt3A_1032 : f32 to vector<128x1024xf32>
    %gt3A_1034 = arith.cmpf ogt, %concatenate3A_1028, %gt3A_1033 : vector<128x1024xf32>
    %jit3A_1035 = arith.constant 0.000000e+00 : f32
    %broadcast_in_dim3A_1036 = vector.broadcast %jit3A_1035 : f32 to vector<128x1024xf32>
    %select_n3A_1037 = arith.select %gt3A_1034, %broadcast_in_dim3A_1036, %concatenate3A_1028 : vector<128x1024xi1>, vector<128x1024xf32>
    %exp3A_1038 = math.exp %select_n3A_1037 : vector<128x1024xf32>
    %sub3A_1039 = arith.constant 1.000000e+00 : f32
    %sub3A_1040 = vector.broadcast %sub3A_1039 : f32 to vector<128x1024xf32>
    %sub3A_1041 = arith.subf %exp3A_1038, %sub3A_1040 : vector<128x1024xf32>
    %select_n3A_1042 = arith.select %gt3A_1031, %concatenate3A_1028, %sub3A_1041 : vector<128x1024xi1>, vector<128x1024xf32>
    %convert_element_type3A_1043 = arith.truncf %max3A_920 : vector<128x1024xf32> to vector<128x1024xbf16>
    %convert_element_type3A_1044 = arith.truncf %max3A_931 : vector<128x1024xf32> to vector<128x1024xbf16>
    %convert_element_type3A_1045 = arith.truncf %select_n3A_1042 : vector<128x1024xf32> to vector<128x1024xbf16>
    %get3A_1046 = arith.constant 7 : index
    %get3A_1047 = arith.constant 0 : index
    %get3A_1048 = arith.constant 0 : index
    %get3A_1049 = vector.load %arg4[%get3A_1046, %get3A_1047, %get3A_1048] : memref<8x128x128xf32, #tpu.memory_space<vmem>>, vector<1x128x128xf32>
    %get3A_1050 = vector.shape_cast %get3A_1049 : vector<1x128x128xf32> to vector<128x128xf32>
    %slice3A_1051 = vector.extract_strided_slice %convert_element_type3A_32 {offsets = [7, 0, 0], sizes = [1, 128, 128], strides = [1, 1, 1]} : vector<8x128x128xbf16> to vector<1x128x128xbf16>
    %squeeze3A_1052 = vector.shape_cast %slice3A_1051 : vector<1x128x128xbf16> to vector<128x128xbf16>
    %slice3A_1053 = vector.extract_strided_slice %convert_element_type3A_41 {offsets = [7, 0, 0], sizes = [1, 128, 128], strides = [1, 1, 1]} : vector<8x128x128xbf16> to vector<1x128x128xbf16>
    %squeeze3A_1054 = vector.shape_cast %slice3A_1053 : vector<1x128x128xbf16> to vector<128x128xbf16>
    %slice3A_1055 = vector.extract_strided_slice %convert_element_type3A_7 {offsets = [896, 0], sizes = [128, 1024], strides = [1, 1]} : vector<1024x1024xbf16> to vector<128x1024xbf16>
    %dot_general3A_1056 = arith.constant dense<0.000000e+00> : vector<128x1024xf32>
    %dot_general3A_1057 = tpu.matmul %squeeze3A_1052, %slice3A_1055, %dot_general3A_1056 {dimension_numbers = #tpu.dot_dimension_numbers<[1], [0], [0], [1], [0, 0, 1, 1], [], []>, transpose_lhs_hint = false} : vector<128x128xbf16>, vector<128x1024xbf16>, vector<128x1024xf32> -> vector<128x1024xf32>
    %get3A_1058 = arith.constant 0 : index
    %get3A_1059 = arith.constant 0 : index
    %get3A_1060 = vector.load %arg8[%get3A_1058, %get3A_1059] : memref<1x1024xf32, #tpu.memory_space<vmem>>, vector<1x1024xf32>
    %add3A_1061 = vector.broadcast %get3A_1060 : vector<1x1024xf32> to vector<128x1024xf32>
    %add3A_1062 = arith.addf %dot_general3A_1057, %add3A_1061 : vector<128x1024xf32>
    %max3A_1063 = arith.constant 0.000000e+00 : f32
    %max3A_1064 = vector.broadcast %max3A_1063 : f32 to vector<128x1024xf32>
    %max3A_1065 = arith.maximumf %add3A_1062, %max3A_1064 : vector<128x1024xf32>
    %slice3A_1066 = vector.extract_strided_slice %convert_element_type3A_13 {offsets = [896, 0], sizes = [128, 1024], strides = [1, 1]} : vector<1024x1024xbf16> to vector<128x1024xbf16>
    %dot_general3A_1067 = arith.constant dense<0.000000e+00> : vector<128x1024xf32>
    %dot_general3A_1068 = tpu.matmul %squeeze3A_1054, %slice3A_1066, %dot_general3A_1067 {dimension_numbers = #tpu.dot_dimension_numbers<[1], [0], [0], [1], [0, 0, 1, 1], [], []>, transpose_lhs_hint = false} : vector<128x128xbf16>, vector<128x1024xbf16>, vector<128x1024xf32> -> vector<128x1024xf32>
    %get3A_1069 = arith.constant 0 : index
    %get3A_1070 = arith.constant 0 : index
    %get3A_1071 = vector.load %arg11[%get3A_1069, %get3A_1070] : memref<1x1024xf32, #tpu.memory_space<vmem>>, vector<1x1024xf32>
    %add3A_1072 = vector.broadcast %get3A_1071 : vector<1x1024xf32> to vector<128x1024xf32>
    %add3A_1073 = arith.addf %dot_general3A_1068, %add3A_1072 : vector<128x1024xf32>
    %max3A_1074 = arith.constant 0.000000e+00 : f32
    %max3A_1075 = vector.broadcast %max3A_1074 : f32 to vector<128x1024xf32>
    %max3A_1076 = arith.maximumf %add3A_1073, %max3A_1075 : vector<128x1024xf32>
    %slice3A_1077 = vector.extract_strided_slice %convert_element_type3A_19 {offsets = [896, 0], sizes = [128, 1024], strides = [1, 1]} : vector<1024x1024xbf16> to vector<128x1024xbf16>
    %gt3A_1078 = arith.constant 0.000000e+00 : f32
    %gt3A_1079 = vector.broadcast %gt3A_1078 : f32 to vector<128x128xf32>
    %gt3A_1080 = arith.cmpf ogt, %get3A_1050, %gt3A_1079 : vector<128x128xf32>
    %get3A_1081 = arith.constant 0 : index
    %get3A_1082 = arith.constant 0 : index
    %get3A_1083 = vector.load %arg15[%get3A_1081, %get3A_1082] : memref<1024x8xbf16, #tpu.memory_space<vmem>>, vector<1024x8xbf16>
    %dot_general3A_1084 = arith.constant dense<0.000000e+00> : vector<128x8xf32>
    %dot_general3A_1085 = tpu.matmul %slice3A_1077, %get3A_1083, %dot_general3A_1084 {dimension_numbers = #tpu.dot_dimension_numbers<[1], [0], [0], [1], [0, 0, 1, 1], [], []>, transpose_lhs_hint = false} : vector<128x1024xbf16>, vector<1024x8xbf16>, vector<128x8xf32> -> vector<128x8xf32>
    %get3A_1086 = arith.constant 0 : index
    %get3A_1087 = arith.constant 0 : index
    %get3A_1088 = vector.load %arg16[%get3A_1086, %get3A_1087] : memref<8x1024xbf16, #tpu.memory_space<vmem>>, vector<8x1024xbf16>
    %dot_general3A_1089 = arith.constant dense<0.000000e+00> : vector<8x128xf32>
    %dot_general3A_1090 = tpu.matmul %get3A_1088, %slice3A_1077, %dot_general3A_1089 {dimension_numbers = #tpu.dot_dimension_numbers<[1], [1], [0], [0], [0, 0, 1, 0], [], []>, transpose_lhs_hint = false} : vector<8x1024xbf16>, vector<128x1024xbf16>, vector<8x128xf32> -> vector<8x128xf32>
    %get3A_1091 = arith.constant 0 : index
    %get3A_1092 = arith.constant 0 : index
    %get3A_1093 = vector.load %arg17[%get3A_1091, %get3A_1092] : memref<8x1024xf32, #tpu.memory_space<vmem>>, vector<8x1024xf32>
    %dot_general3A_1094 = arith.constant dense<0.000000e+00> : vector<128x1024xf32>
    %dot_general3A_1095 = tpu.matmul %dot_general3A_1085, %get3A_1093, %dot_general3A_1094 {dimension_numbers = #tpu.dot_dimension_numbers<[1], [0], [0], [1], [0, 0, 1, 1], [], []>, transpose_lhs_hint = false} : vector<128x8xf32>, vector<8x1024xf32>, vector<128x1024xf32> -> vector<128x1024xf32>
    %reshape3A_1096 = vector.shape_cast %dot_general3A_1090 : vector<8x128xf32> to vector<1x1024xf32>
    %concatenate3A_1097 = tpu.concatenate %gt3A_1080, %gt3A_1080, %gt3A_1080, %gt3A_1080, %gt3A_1080, %gt3A_1080, %gt3A_1080, %gt3A_1080 in 1 : vector<128x128xi1>, vector<128x128xi1>, vector<128x128xi1>, vector<128x128xi1>, vector<128x128xi1>, vector<128x128xi1>, vector<128x128xi1>, vector<128x128xi1> -> vector<128x1024xi1>
    %add3A_1098 = vector.broadcast %reshape3A_1096 : vector<1x1024xf32> to vector<128x1024xf32>
    %add3A_1099 = arith.addf %dot_general3A_1095, %add3A_1098 : vector<128x1024xf32>
    %ge3A_1100 = arith.constant 0.000000e+00 : f32
    %ge3A_1101 = vector.broadcast %ge3A_1100 : f32 to vector<128x1024xf32>
    %ge3A_1102 = arith.cmpf oge, %add3A_1099, %ge3A_1101 : vector<128x1024xf32>
    %mul3A_1103 = arith.constant 2.000000e-01 : f32
    %mul3A_1104 = vector.broadcast %mul3A_1103 : f32 to vector<128x1024xf32>
    %mul3A_1105 = arith.mulf %mul3A_1104, %add3A_1099 : vector<128x1024xf32>
    %select_n3A_1106 = arith.select %ge3A_1102, %add3A_1099, %mul3A_1105 : vector<128x1024xi1>, vector<128x1024xf32>
    %exp3A_1107 = math.exp %select_n3A_1106 : vector<128x1024xf32>
    %jit3A_1108 = arith.constant 0.000000e+00 : f32
    %broadcast_in_dim3A_1109 = vector.broadcast %jit3A_1108 : f32 to vector<128x1024xf32>
    %select_n3A_1110 = arith.select %concatenate3A_1097, %exp3A_1107, %broadcast_in_dim3A_1109 : vector<128x1024xi1>, vector<128x1024xf32>
    %get3A_1111 = arith.constant 0 : index
    %get3A_1112 = arith.constant 0 : index
    %get3A_1113 = vector.load %arg18[%get3A_1111, %get3A_1112] : memref<1024x8xf32, #tpu.memory_space<vmem>>, vector<1024x8xf32>
    %dot_general3A_1114 = arith.constant dense<0.000000e+00> : vector<128x8xf32>
    %dot_general3A_1115 = tpu.matmul %select_n3A_1110, %get3A_1113, %dot_general3A_1114 {dimension_numbers = #tpu.dot_dimension_numbers<[1], [0], [0], [1], [0, 0, 1, 1], [], []>, transpose_lhs_hint = false} : vector<128x1024xf32>, vector<1024x8xf32>, vector<128x8xf32> -> vector<128x8xf32>
    %convert_element_type3A_1116 = arith.truncf %select_n3A_1110 : vector<128x1024xf32> to vector<128x1024xbf16>
    %slice3A_1117 = vector.extract_strided_slice %convert_element_type3A_1116 {offsets = [0, 0], sizes = [128, 128], strides = [1, 1]} : vector<128x1024xbf16> to vector<128x128xbf16>
    %slice3A_1118 = vector.extract_strided_slice %slice3A_1077 {offsets = [0, 0], sizes = [128, 128], strides = [1, 1]} : vector<128x1024xbf16> to vector<128x128xbf16>
    %dot_general3A_1119 = arith.constant dense<0.000000e+00> : vector<128x128xf32>
    %dot_general3A_1120 = tpu.matmul %slice3A_1117, %slice3A_1118, %dot_general3A_1119 {dimension_numbers = #tpu.dot_dimension_numbers<[1], [0], [0], [1], [0, 0, 1, 1], [], []>, transpose_lhs_hint = false} : vector<128x128xbf16>, vector<128x128xbf16>, vector<128x128xf32> -> vector<128x128xf32>
    %slice3A_1121 = vector.extract_strided_slice %dot_general3A_1115 {offsets = [0, 0], sizes = [128, 1], strides = [1, 1]} : vector<128x8xf32> to vector<128x1xf32>
    %div3A_1122 = vector.broadcast %slice3A_1121 : vector<128x1xf32> to vector<128x128xf32>
    %div3A_1123 = arith.divf %dot_general3A_1120, %div3A_1122 : vector<128x128xf32>
    %slice3A_1124 = vector.extract_strided_slice %convert_element_type3A_1116 {offsets = [0, 128], sizes = [128, 128], strides = [1, 1]} : vector<128x1024xbf16> to vector<128x128xbf16>
    %slice3A_1125 = vector.extract_strided_slice %slice3A_1077 {offsets = [0, 128], sizes = [128, 128], strides = [1, 1]} : vector<128x1024xbf16> to vector<128x128xbf16>
    %dot_general3A_1126 = arith.constant dense<0.000000e+00> : vector<128x128xf32>
    %dot_general3A_1127 = tpu.matmul %slice3A_1124, %slice3A_1125, %dot_general3A_1126 {dimension_numbers = #tpu.dot_dimension_numbers<[1], [0], [0], [1], [0, 0, 1, 1], [], []>, transpose_lhs_hint = false} : vector<128x128xbf16>, vector<128x128xbf16>, vector<128x128xf32> -> vector<128x128xf32>
    %slice3A_1128 = vector.extract_strided_slice %dot_general3A_1115 {offsets = [0, 1], sizes = [128, 1], strides = [1, 1]} : vector<128x8xf32> to vector<128x1xf32>
    %div3A_1129 = vector.broadcast %slice3A_1128 : vector<128x1xf32> to vector<128x128xf32>
    %div3A_1130 = arith.divf %dot_general3A_1127, %div3A_1129 : vector<128x128xf32>
    %slice3A_1131 = vector.extract_strided_slice %convert_element_type3A_1116 {offsets = [0, 256], sizes = [128, 128], strides = [1, 1]} : vector<128x1024xbf16> to vector<128x128xbf16>
    %slice3A_1132 = vector.extract_strided_slice %slice3A_1077 {offsets = [0, 256], sizes = [128, 128], strides = [1, 1]} : vector<128x1024xbf16> to vector<128x128xbf16>
    %dot_general3A_1133 = arith.constant dense<0.000000e+00> : vector<128x128xf32>
    %dot_general3A_1134 = tpu.matmul %slice3A_1131, %slice3A_1132, %dot_general3A_1133 {dimension_numbers = #tpu.dot_dimension_numbers<[1], [0], [0], [1], [0, 0, 1, 1], [], []>, transpose_lhs_hint = false} : vector<128x128xbf16>, vector<128x128xbf16>, vector<128x128xf32> -> vector<128x128xf32>
    %slice3A_1135 = vector.extract_strided_slice %dot_general3A_1115 {offsets = [0, 2], sizes = [128, 1], strides = [1, 1]} : vector<128x8xf32> to vector<128x1xf32>
    %div3A_1136 = vector.broadcast %slice3A_1135 : vector<128x1xf32> to vector<128x128xf32>
    %div3A_1137 = arith.divf %dot_general3A_1134, %div3A_1136 : vector<128x128xf32>
    %slice3A_1138 = vector.extract_strided_slice %convert_element_type3A_1116 {offsets = [0, 384], sizes = [128, 128], strides = [1, 1]} : vector<128x1024xbf16> to vector<128x128xbf16>
    %slice3A_1139 = vector.extract_strided_slice %slice3A_1077 {offsets = [0, 384], sizes = [128, 128], strides = [1, 1]} : vector<128x1024xbf16> to vector<128x128xbf16>
    %dot_general3A_1140 = arith.constant dense<0.000000e+00> : vector<128x128xf32>
    %dot_general3A_1141 = tpu.matmul %slice3A_1138, %slice3A_1139, %dot_general3A_1140 {dimension_numbers = #tpu.dot_dimension_numbers<[1], [0], [0], [1], [0, 0, 1, 1], [], []>, transpose_lhs_hint = false} : vector<128x128xbf16>, vector<128x128xbf16>, vector<128x128xf32> -> vector<128x128xf32>
    %slice3A_1142 = vector.extract_strided_slice %dot_general3A_1115 {offsets = [0, 3], sizes = [128, 1], strides = [1, 1]} : vector<128x8xf32> to vector<128x1xf32>
    %div3A_1143 = vector.broadcast %slice3A_1142 : vector<128x1xf32> to vector<128x128xf32>
    %div3A_1144 = arith.divf %dot_general3A_1141, %div3A_1143 : vector<128x128xf32>
    %slice3A_1145 = vector.extract_strided_slice %convert_element_type3A_1116 {offsets = [0, 512], sizes = [128, 128], strides = [1, 1]} : vector<128x1024xbf16> to vector<128x128xbf16>
    %slice3A_1146 = vector.extract_strided_slice %slice3A_1077 {offsets = [0, 512], sizes = [128, 128], strides = [1, 1]} : vector<128x1024xbf16> to vector<128x128xbf16>
    %dot_general3A_1147 = arith.constant dense<0.000000e+00> : vector<128x128xf32>
    %dot_general3A_1148 = tpu.matmul %slice3A_1145, %slice3A_1146, %dot_general3A_1147 {dimension_numbers = #tpu.dot_dimension_numbers<[1], [0], [0], [1], [0, 0, 1, 1], [], []>, transpose_lhs_hint = false} : vector<128x128xbf16>, vector<128x128xbf16>, vector<128x128xf32> -> vector<128x128xf32>
    %slice3A_1149 = vector.extract_strided_slice %dot_general3A_1115 {offsets = [0, 4], sizes = [128, 1], strides = [1, 1]} : vector<128x8xf32> to vector<128x1xf32>
    %div3A_1150 = vector.broadcast %slice3A_1149 : vector<128x1xf32> to vector<128x128xf32>
    %div3A_1151 = arith.divf %dot_general3A_1148, %div3A_1150 : vector<128x128xf32>
    %slice3A_1152 = vector.extract_strided_slice %convert_element_type3A_1116 {offsets = [0, 640], sizes = [128, 128], strides = [1, 1]} : vector<128x1024xbf16> to vector<128x128xbf16>
    %slice3A_1153 = vector.extract_strided_slice %slice3A_1077 {offsets = [0, 640], sizes = [128, 128], strides = [1, 1]} : vector<128x1024xbf16> to vector<128x128xbf16>
    %dot_general3A_1154 = arith.constant dense<0.000000e+00> : vector<128x128xf32>
    %dot_general3A_1155 = tpu.matmul %slice3A_1152, %slice3A_1153, %dot_general3A_1154 {dimension_numbers = #tpu.dot_dimension_numbers<[1], [0], [0], [1], [0, 0, 1, 1], [], []>, transpose_lhs_hint = false} : vector<128x128xbf16>, vector<128x128xbf16>, vector<128x128xf32> -> vector<128x128xf32>
    %slice3A_1156 = vector.extract_strided_slice %dot_general3A_1115 {offsets = [0, 5], sizes = [128, 1], strides = [1, 1]} : vector<128x8xf32> to vector<128x1xf32>
    %div3A_1157 = vector.broadcast %slice3A_1156 : vector<128x1xf32> to vector<128x128xf32>
    %div3A_1158 = arith.divf %dot_general3A_1155, %div3A_1157 : vector<128x128xf32>
    %slice3A_1159 = vector.extract_strided_slice %convert_element_type3A_1116 {offsets = [0, 768], sizes = [128, 128], strides = [1, 1]} : vector<128x1024xbf16> to vector<128x128xbf16>
    %slice3A_1160 = vector.extract_strided_slice %slice3A_1077 {offsets = [0, 768], sizes = [128, 128], strides = [1, 1]} : vector<128x1024xbf16> to vector<128x128xbf16>
    %dot_general3A_1161 = arith.constant dense<0.000000e+00> : vector<128x128xf32>
    %dot_general3A_1162 = tpu.matmul %slice3A_1159, %slice3A_1160, %dot_general3A_1161 {dimension_numbers = #tpu.dot_dimension_numbers<[1], [0], [0], [1], [0, 0, 1, 1], [], []>, transpose_lhs_hint = false} : vector<128x128xbf16>, vector<128x128xbf16>, vector<128x128xf32> -> vector<128x128xf32>
    %slice3A_1163 = vector.extract_strided_slice %dot_general3A_1115 {offsets = [0, 6], sizes = [128, 1], strides = [1, 1]} : vector<128x8xf32> to vector<128x1xf32>
    %div3A_1164 = vector.broadcast %slice3A_1163 : vector<128x1xf32> to vector<128x128xf32>
    %div3A_1165 = arith.divf %dot_general3A_1162, %div3A_1164 : vector<128x128xf32>
    %slice3A_1166 = vector.extract_strided_slice %convert_element_type3A_1116 {offsets = [0, 896], sizes = [128, 128], strides = [1, 1]} : vector<128x1024xbf16> to vector<128x128xbf16>
    %slice3A_1167 = vector.extract_strided_slice %slice3A_1077 {offsets = [0, 896], sizes = [128, 128], strides = [1, 1]} : vector<128x1024xbf16> to vector<128x128xbf16>
    %dot_general3A_1168 = arith.constant dense<0.000000e+00> : vector<128x128xf32>
    %dot_general3A_1169 = tpu.matmul %slice3A_1166, %slice3A_1167, %dot_general3A_1168 {dimension_numbers = #tpu.dot_dimension_numbers<[1], [0], [0], [1], [0, 0, 1, 1], [], []>, transpose_lhs_hint = false} : vector<128x128xbf16>, vector<128x128xbf16>, vector<128x128xf32> -> vector<128x128xf32>
    %slice3A_1170 = vector.extract_strided_slice %dot_general3A_1115 {offsets = [0, 7], sizes = [128, 1], strides = [1, 1]} : vector<128x8xf32> to vector<128x1xf32>
    %div3A_1171 = vector.broadcast %slice3A_1170 : vector<128x1xf32> to vector<128x128xf32>
    %div3A_1172 = arith.divf %dot_general3A_1169, %div3A_1171 : vector<128x128xf32>
    %concatenate3A_1173 = tpu.concatenate %div3A_1123, %div3A_1130, %div3A_1137, %div3A_1144, %div3A_1151, %div3A_1158, %div3A_1165, %div3A_1172 in 1 : vector<128x128xf32>, vector<128x128xf32>, vector<128x128xf32>, vector<128x128xf32>, vector<128x128xf32>, vector<128x128xf32>, vector<128x128xf32>, vector<128x128xf32> -> vector<128x1024xf32>
    %gt3A_1174 = arith.constant 0.000000e+00 : f32
    %gt3A_1175 = vector.broadcast %gt3A_1174 : f32 to vector<128x1024xf32>
    %gt3A_1176 = arith.cmpf ogt, %concatenate3A_1173, %gt3A_1175 : vector<128x1024xf32>
    %gt3A_1177 = arith.constant 0.000000e+00 : f32
    %gt3A_1178 = vector.broadcast %gt3A_1177 : f32 to vector<128x1024xf32>
    %gt3A_1179 = arith.cmpf ogt, %concatenate3A_1173, %gt3A_1178 : vector<128x1024xf32>
    %jit3A_1180 = arith.constant 0.000000e+00 : f32
    %broadcast_in_dim3A_1181 = vector.broadcast %jit3A_1180 : f32 to vector<128x1024xf32>
    %select_n3A_1182 = arith.select %gt3A_1179, %broadcast_in_dim3A_1181, %concatenate3A_1173 : vector<128x1024xi1>, vector<128x1024xf32>
    %exp3A_1183 = math.exp %select_n3A_1182 : vector<128x1024xf32>
    %sub3A_1184 = arith.constant 1.000000e+00 : f32
    %sub3A_1185 = vector.broadcast %sub3A_1184 : f32 to vector<128x1024xf32>
    %sub3A_1186 = arith.subf %exp3A_1183, %sub3A_1185 : vector<128x1024xf32>
    %select_n3A_1187 = arith.select %gt3A_1176, %concatenate3A_1173, %sub3A_1186 : vector<128x1024xi1>, vector<128x1024xf32>
    %convert_element_type3A_1188 = arith.truncf %max3A_1065 : vector<128x1024xf32> to vector<128x1024xbf16>
    %convert_element_type3A_1189 = arith.truncf %max3A_1076 : vector<128x1024xf32> to vector<128x1024xbf16>
    %convert_element_type3A_1190 = arith.truncf %select_n3A_1187 : vector<128x1024xf32> to vector<128x1024xbf16>
    %concatenate3A_1191 = tpu.concatenate %convert_element_type3A_173, %convert_element_type3A_318, %convert_element_type3A_463, %convert_element_type3A_608, %convert_element_type3A_753, %convert_element_type3A_898, %convert_element_type3A_1043, %convert_element_type3A_1188 in 0 : vector<128x1024xbf16>, vector<128x1024xbf16>, vector<128x1024xbf16>, vector<128x1024xbf16>, vector<128x1024xbf16>, vector<128x1024xbf16>, vector<128x1024xbf16>, vector<128x1024xbf16> -> vector<1024x1024xbf16>
    %get3A_1192 = arith.constant 0 : index
    %get3A_1193 = arith.constant 0 : index
    %get3A_1194 = vector.load %arg9[%get3A_1192, %get3A_1193] : memref<1024x512xbf16, #tpu.memory_space<vmem>>, vector<1024x512xbf16>
    %dot_general3A_1195 = arith.constant dense<0.000000e+00> : vector<1024x512xf32>
    %dot_general3A_1196 = tpu.matmul %concatenate3A_1191, %get3A_1194, %dot_general3A_1195 {dimension_numbers = #tpu.dot_dimension_numbers<[1], [0], [0], [1], [0, 0, 1, 1], [], []>, transpose_lhs_hint = false} : vector<1024x1024xbf16>, vector<1024x512xbf16>, vector<1024x512xf32> -> vector<1024x512xf32>
    %convert_element_type3A_1197 = arith.truncf %dot_general3A_1196 : vector<1024x512xf32> to vector<1024x512xbf16>
    %concatenate3A_1198 = tpu.concatenate %convert_element_type3A_174, %convert_element_type3A_319, %convert_element_type3A_464, %convert_element_type3A_609, %convert_element_type3A_754, %convert_element_type3A_899, %convert_element_type3A_1044, %convert_element_type3A_1189 in 0 : vector<128x1024xbf16>, vector<128x1024xbf16>, vector<128x1024xbf16>, vector<128x1024xbf16>, vector<128x1024xbf16>, vector<128x1024xbf16>, vector<128x1024xbf16>, vector<128x1024xbf16> -> vector<1024x1024xbf16>
    %get3A_1199 = arith.constant 0 : index
    %get3A_1200 = arith.constant 0 : index
    %get3A_1201 = vector.load %arg12[%get3A_1199, %get3A_1200] : memref<1024x512xbf16, #tpu.memory_space<vmem>>, vector<1024x512xbf16>
    %dot_general3A_1202 = arith.constant dense<0.000000e+00> : vector<1024x512xf32>
    %dot_general3A_1203 = tpu.matmul %concatenate3A_1198, %get3A_1201, %dot_general3A_1202 {dimension_numbers = #tpu.dot_dimension_numbers<[1], [0], [0], [1], [0, 0, 1, 1], [], []>, transpose_lhs_hint = false} : vector<1024x1024xbf16>, vector<1024x512xbf16>, vector<1024x512xf32> -> vector<1024x512xf32>
    %convert_element_type3A_1204 = arith.truncf %dot_general3A_1203 : vector<1024x512xf32> to vector<1024x512xbf16>
    %concatenate3A_1205 = tpu.concatenate %convert_element_type3A_175, %convert_element_type3A_320, %convert_element_type3A_465, %convert_element_type3A_610, %convert_element_type3A_755, %convert_element_type3A_900, %convert_element_type3A_1045, %convert_element_type3A_1190 in 0 : vector<128x1024xbf16>, vector<128x1024xbf16>, vector<128x1024xbf16>, vector<128x1024xbf16>, vector<128x1024xbf16>, vector<128x1024xbf16>, vector<128x1024xbf16>, vector<128x1024xbf16> -> vector<1024x1024xbf16>
    %get3A_1206 = arith.constant 0 : index
    %get3A_1207 = arith.constant 0 : index
    %get3A_1208 = vector.load %arg14[%get3A_1206, %get3A_1207] : memref<1024x512xbf16, #tpu.memory_space<vmem>>, vector<1024x512xbf16>
    %dot_general3A_1209 = arith.constant dense<0.000000e+00> : vector<1024x512xf32>
    %dot_general3A_1210 = tpu.matmul %concatenate3A_1205, %get3A_1208, %dot_general3A_1209 {dimension_numbers = #tpu.dot_dimension_numbers<[1], [0], [0], [1], [0, 0, 1, 1], [], []>, transpose_lhs_hint = false} : vector<1024x1024xbf16>, vector<1024x512xbf16>, vector<1024x512xf32> -> vector<1024x512xf32>
    %convert_element_type3A_1211 = arith.truncf %dot_general3A_1210 : vector<1024x512xf32> to vector<1024x512xbf16>
    %get3A_1212 = arith.constant 0 : index
    %get3A_1213 = arith.constant 0 : index
    %get3A_1214 = vector.load %arg19[%get3A_1212, %get3A_1213] : memref<512x1xbf16, #tpu.memory_space<vmem>>, vector<512x1xbf16>
    %dot_general3A_1215 = arith.constant dense<0.000000e+00> : vector<1024x1xf32>
    %dot_general3A_1216 = tpu.matmul %convert_element_type3A_1211, %get3A_1214, %dot_general3A_1215 {dimension_numbers = #tpu.dot_dimension_numbers<[1], [0], [0], [1], [0, 0, 1, 1], [], []>, transpose_lhs_hint = false} : vector<1024x512xbf16>, vector<512x1xbf16>, vector<1024x1xf32> -> vector<1024x1xf32>
    %get3A_1217 = arith.constant 0 : index
    %get3A_1218 = arith.constant 0 : index
    %get3A_1219 = vector.load %arg20[%get3A_1217, %get3A_1218] : memref<1x512xbf16, #tpu.memory_space<vmem>>, vector<1x512xbf16>
    %dot_general3A_1220 = arith.constant dense<0.000000e+00> : vector<1x1024xf32>
    %dot_general3A_1221 = tpu.matmul %get3A_1219, %convert_element_type3A_1211, %dot_general3A_1220 {dimension_numbers = #tpu.dot_dimension_numbers<[1], [1], [0], [0], [0, 0, 1, 0], [], []>, transpose_lhs_hint = false} : vector<1x512xbf16>, vector<1024x512xbf16>, vector<1x1024xf32> -> vector<1x1024xf32>
    %get3A_1222 = arith.constant 0 : index
    %get3A_1223 = arith.constant 0 : index
    %get3A_1224 = arith.constant 0 : index
    %get3A_1225 = vector.load %arg4[%get3A_1222, %get3A_1223, %get3A_1224] : memref<8x128x128xf32, #tpu.memory_space<vmem>>, vector<8x128x128xf32>
    %reshape3A_1226 = vector.shape_cast %get3A_1225 : vector<8x128x128xf32> to vector<1024x128xf32>
    %gt3A_1227 = arith.constant 0.000000e+00 : f32
    %gt3A_1228 = vector.broadcast %gt3A_1227 : f32 to vector<1024x128xf32>
    %gt3A_1229 = arith.cmpf ogt, %reshape3A_1226, %gt3A_1228 : vector<1024x128xf32>
    %reshape3A_1230 = vector.shape_cast %dot_general3A_1221 : vector<1x1024xf32> to vector<8x128xf32>
    %get3A_1231 = arith.constant 0 : index
    %get3A_1232 = arith.constant 0 : index
    %get3A_1233 = vector.load %arg18[%get3A_1231, %get3A_1232] : memref<1024x8xf32, #tpu.memory_space<vmem>>, vector<1024x8xf32>
    %dot_general3A_1234 = arith.constant dense<0.000000e+00> : vector<1024x128xf32>
    %dot_general3A_1235 = tpu.matmul %get3A_1233, %reshape3A_1230, %dot_general3A_1234 {dimension_numbers = #tpu.dot_dimension_numbers<[1], [0], [0], [1], [0, 0, 1, 1], [], []>, transpose_lhs_hint = false} : vector<1024x8xf32>, vector<8x128xf32>, vector<1024x128xf32> -> vector<1024x128xf32>
    %add3A_1236 = vector.broadcast %dot_general3A_1216 : vector<1024x1xf32> to vector<1024x128xf32>
    %add3A_1237 = arith.addf %add3A_1236, %dot_general3A_1235 : vector<1024x128xf32>
    %ge3A_1238 = arith.constant 0.000000e+00 : f32
    %ge3A_1239 = vector.broadcast %ge3A_1238 : f32 to vector<1024x128xf32>
    %ge3A_1240 = arith.cmpf oge, %add3A_1237, %ge3A_1239 : vector<1024x128xf32>
    %mul3A_1241 = arith.constant 2.000000e-01 : f32
    %mul3A_1242 = vector.broadcast %mul3A_1241 : f32 to vector<1024x128xf32>
    %mul3A_1243 = arith.mulf %mul3A_1242, %add3A_1237 : vector<1024x128xf32>
    %select_n3A_1244 = arith.select %ge3A_1240, %add3A_1237, %mul3A_1243 : vector<1024x128xi1>, vector<1024x128xf32>
    %exp3A_1245 = math.exp %select_n3A_1244 : vector<1024x128xf32>
    %jit3A_1246 = arith.constant 0.000000e+00 : f32
    %broadcast_in_dim3A_1247 = vector.broadcast %jit3A_1246 : f32 to vector<1024x128xf32>
    %select_n3A_1248 = arith.select %gt3A_1229, %exp3A_1245, %broadcast_in_dim3A_1247 : vector<1024x128xi1>, vector<1024x128xf32>
    %reduce_sum3A_1249 = arith.constant dense<0.000000e+00> : vector<1024xf32>
    %reduce_sum3A_1250 = vector.multi_reduction <add>, %select_n3A_1248, %reduce_sum3A_1249 [1] : vector<1024x128xf32> to vector<1024xf32>
    %broadcast_in_dim3A_1251 = vector.shape_cast %reduce_sum3A_1250 : vector<1024xf32> to vector<1024x1xf32>
    %convert_element_type3A_1252 = arith.truncf %select_n3A_1248 : vector<1024x128xf32> to vector<1024x128xbf16>
    %slice3A_1253 = vector.extract_strided_slice %convert_element_type3A_32 {offsets = [0, 0, 0], sizes = [1, 128, 128], strides = [1, 1, 1]} : vector<8x128x128xbf16> to vector<1x128x128xbf16>
    %squeeze3A_1254 = vector.shape_cast %slice3A_1253 : vector<1x128x128xbf16> to vector<128x128xbf16>
    %slice3A_1255 = vector.extract_strided_slice %convert_element_type3A_1197 {offsets = [0, 0], sizes = [128, 512], strides = [1, 1]} : vector<1024x512xbf16> to vector<128x512xbf16>
    %dot_general3A_1256 = arith.constant dense<0.000000e+00> : vector<128x512xf32>
    %dot_general3A_1257 = tpu.matmul %squeeze3A_1254, %slice3A_1255, %dot_general3A_1256 {dimension_numbers = #tpu.dot_dimension_numbers<[1], [0], [0], [1], [0, 0, 1, 1], [], []>, transpose_lhs_hint = false} : vector<128x128xbf16>, vector<128x512xbf16>, vector<128x512xf32> -> vector<128x512xf32>
    %get3A_1258 = arith.constant 0 : index
    %get3A_1259 = arith.constant 0 : index
    %get3A_1260 = vector.load %arg10[%get3A_1258, %get3A_1259] : memref<1x512xf32, #tpu.memory_space<vmem>>, vector<1x512xf32>
    %add3A_1261 = vector.broadcast %get3A_1260 : vector<1x512xf32> to vector<128x512xf32>
    %add3A_1262 = arith.addf %dot_general3A_1257, %add3A_1261 : vector<128x512xf32>
    %max3A_1263 = arith.constant 0.000000e+00 : f32
    %max3A_1264 = vector.broadcast %max3A_1263 : f32 to vector<128x512xf32>
    %max3A_1265 = arith.maximumf %add3A_1262, %max3A_1264 : vector<128x512xf32>
    %slice3A_1266 = vector.extract_strided_slice %convert_element_type3A_41 {offsets = [0, 0, 0], sizes = [1, 128, 128], strides = [1, 1, 1]} : vector<8x128x128xbf16> to vector<1x128x128xbf16>
    %squeeze3A_1267 = vector.shape_cast %slice3A_1266 : vector<1x128x128xbf16> to vector<128x128xbf16>
    %slice3A_1268 = vector.extract_strided_slice %convert_element_type3A_1204 {offsets = [0, 0], sizes = [128, 512], strides = [1, 1]} : vector<1024x512xbf16> to vector<128x512xbf16>
    %dot_general3A_1269 = arith.constant dense<0.000000e+00> : vector<128x512xf32>
    %dot_general3A_1270 = tpu.matmul %squeeze3A_1267, %slice3A_1268, %dot_general3A_1269 {dimension_numbers = #tpu.dot_dimension_numbers<[1], [0], [0], [1], [0, 0, 1, 1], [], []>, transpose_lhs_hint = false} : vector<128x128xbf16>, vector<128x512xbf16>, vector<128x512xf32> -> vector<128x512xf32>
    %get3A_1271 = arith.constant 0 : index
    %get3A_1272 = arith.constant 0 : index
    %get3A_1273 = vector.load %arg13[%get3A_1271, %get3A_1272] : memref<1x512xf32, #tpu.memory_space<vmem>>, vector<1x512xf32>
    %add3A_1274 = vector.broadcast %get3A_1273 : vector<1x512xf32> to vector<128x512xf32>
    %add3A_1275 = arith.addf %dot_general3A_1270, %add3A_1274 : vector<128x512xf32>
    %max3A_1276 = arith.constant 0.000000e+00 : f32
    %max3A_1277 = vector.broadcast %max3A_1276 : f32 to vector<128x512xf32>
    %max3A_1278 = arith.maximumf %add3A_1275, %max3A_1277 : vector<128x512xf32>
    %slice3A_1279 = vector.extract_strided_slice %convert_element_type3A_1252 {offsets = [0, 0], sizes = [128, 128], strides = [1, 1]} : vector<1024x128xbf16> to vector<128x128xbf16>
    %slice3A_1280 = vector.extract_strided_slice %convert_element_type3A_1211 {offsets = [0, 0], sizes = [128, 512], strides = [1, 1]} : vector<1024x512xbf16> to vector<128x512xbf16>
    %dot_general3A_1281 = arith.constant dense<0.000000e+00> : vector<128x512xf32>
    %dot_general3A_1282 = tpu.matmul %slice3A_1279, %slice3A_1280, %dot_general3A_1281 {dimension_numbers = #tpu.dot_dimension_numbers<[1], [0], [0], [1], [0, 0, 1, 1], [], []>, transpose_lhs_hint = false} : vector<128x128xbf16>, vector<128x512xbf16>, vector<128x512xf32> -> vector<128x512xf32>
    %slice3A_1283 = vector.extract_strided_slice %broadcast_in_dim3A_1251 {offsets = [0, 0], sizes = [128, 1], strides = [1, 1]} : vector<1024x1xf32> to vector<128x1xf32>
    %div3A_1284 = vector.broadcast %slice3A_1283 : vector<128x1xf32> to vector<128x512xf32>
    %div3A_1285 = arith.divf %dot_general3A_1282, %div3A_1284 : vector<128x512xf32>
    %gt3A_1286 = arith.constant 0.000000e+00 : f32
    %gt3A_1287 = vector.broadcast %gt3A_1286 : f32 to vector<128x512xf32>
    %gt3A_1288 = arith.cmpf ogt, %div3A_1285, %gt3A_1287 : vector<128x512xf32>
    %gt3A_1289 = arith.constant 0.000000e+00 : f32
    %gt3A_1290 = vector.broadcast %gt3A_1289 : f32 to vector<128x512xf32>
    %gt3A_1291 = arith.cmpf ogt, %div3A_1285, %gt3A_1290 : vector<128x512xf32>
    %jit3A_1292 = arith.constant 0.000000e+00 : f32
    %broadcast_in_dim3A_1293 = vector.broadcast %jit3A_1292 : f32 to vector<128x512xf32>
    %select_n3A_1294 = arith.select %gt3A_1291, %broadcast_in_dim3A_1293, %div3A_1285 : vector<128x512xi1>, vector<128x512xf32>
    %exp3A_1295 = math.exp %select_n3A_1294 : vector<128x512xf32>
    %sub3A_1296 = arith.constant 1.000000e+00 : f32
    %sub3A_1297 = vector.broadcast %sub3A_1296 : f32 to vector<128x512xf32>
    %sub3A_1298 = arith.subf %exp3A_1295, %sub3A_1297 : vector<128x512xf32>
    %select_n3A_1299 = arith.select %gt3A_1288, %div3A_1285, %sub3A_1298 : vector<128x512xi1>, vector<128x512xf32>
    %slice3A_1300 = vector.extract_strided_slice %convert_element_type3A_32 {offsets = [1, 0, 0], sizes = [1, 128, 128], strides = [1, 1, 1]} : vector<8x128x128xbf16> to vector<1x128x128xbf16>
    %squeeze3A_1301 = vector.shape_cast %slice3A_1300 : vector<1x128x128xbf16> to vector<128x128xbf16>
    %slice3A_1302 = vector.extract_strided_slice %convert_element_type3A_1197 {offsets = [128, 0], sizes = [128, 512], strides = [1, 1]} : vector<1024x512xbf16> to vector<128x512xbf16>
    %dot_general3A_1303 = arith.constant dense<0.000000e+00> : vector<128x512xf32>
    %dot_general3A_1304 = tpu.matmul %squeeze3A_1301, %slice3A_1302, %dot_general3A_1303 {dimension_numbers = #tpu.dot_dimension_numbers<[1], [0], [0], [1], [0, 0, 1, 1], [], []>, transpose_lhs_hint = false} : vector<128x128xbf16>, vector<128x512xbf16>, vector<128x512xf32> -> vector<128x512xf32>
    %get3A_1305 = arith.constant 0 : index
    %get3A_1306 = arith.constant 0 : index
    %get3A_1307 = vector.load %arg10[%get3A_1305, %get3A_1306] : memref<1x512xf32, #tpu.memory_space<vmem>>, vector<1x512xf32>
    %add3A_1308 = vector.broadcast %get3A_1307 : vector<1x512xf32> to vector<128x512xf32>
    %add3A_1309 = arith.addf %dot_general3A_1304, %add3A_1308 : vector<128x512xf32>
    %max3A_1310 = arith.constant 0.000000e+00 : f32
    %max3A_1311 = vector.broadcast %max3A_1310 : f32 to vector<128x512xf32>
    %max3A_1312 = arith.maximumf %add3A_1309, %max3A_1311 : vector<128x512xf32>
    %slice3A_1313 = vector.extract_strided_slice %convert_element_type3A_41 {offsets = [1, 0, 0], sizes = [1, 128, 128], strides = [1, 1, 1]} : vector<8x128x128xbf16> to vector<1x128x128xbf16>
    %squeeze3A_1314 = vector.shape_cast %slice3A_1313 : vector<1x128x128xbf16> to vector<128x128xbf16>
    %slice3A_1315 = vector.extract_strided_slice %convert_element_type3A_1204 {offsets = [128, 0], sizes = [128, 512], strides = [1, 1]} : vector<1024x512xbf16> to vector<128x512xbf16>
    %dot_general3A_1316 = arith.constant dense<0.000000e+00> : vector<128x512xf32>
    %dot_general3A_1317 = tpu.matmul %squeeze3A_1314, %slice3A_1315, %dot_general3A_1316 {dimension_numbers = #tpu.dot_dimension_numbers<[1], [0], [0], [1], [0, 0, 1, 1], [], []>, transpose_lhs_hint = false} : vector<128x128xbf16>, vector<128x512xbf16>, vector<128x512xf32> -> vector<128x512xf32>
    %get3A_1318 = arith.constant 0 : index
    %get3A_1319 = arith.constant 0 : index
    %get3A_1320 = vector.load %arg13[%get3A_1318, %get3A_1319] : memref<1x512xf32, #tpu.memory_space<vmem>>, vector<1x512xf32>
    %add3A_1321 = vector.broadcast %get3A_1320 : vector<1x512xf32> to vector<128x512xf32>
    %add3A_1322 = arith.addf %dot_general3A_1317, %add3A_1321 : vector<128x512xf32>
    %max3A_1323 = arith.constant 0.000000e+00 : f32
    %max3A_1324 = vector.broadcast %max3A_1323 : f32 to vector<128x512xf32>
    %max3A_1325 = arith.maximumf %add3A_1322, %max3A_1324 : vector<128x512xf32>
    %slice3A_1326 = vector.extract_strided_slice %convert_element_type3A_1252 {offsets = [128, 0], sizes = [128, 128], strides = [1, 1]} : vector<1024x128xbf16> to vector<128x128xbf16>
    %slice3A_1327 = vector.extract_strided_slice %convert_element_type3A_1211 {offsets = [128, 0], sizes = [128, 512], strides = [1, 1]} : vector<1024x512xbf16> to vector<128x512xbf16>
    %dot_general3A_1328 = arith.constant dense<0.000000e+00> : vector<128x512xf32>
    %dot_general3A_1329 = tpu.matmul %slice3A_1326, %slice3A_1327, %dot_general3A_1328 {dimension_numbers = #tpu.dot_dimension_numbers<[1], [0], [0], [1], [0, 0, 1, 1], [], []>, transpose_lhs_hint = false} : vector<128x128xbf16>, vector<128x512xbf16>, vector<128x512xf32> -> vector<128x512xf32>
    %slice3A_1330 = vector.extract_strided_slice %broadcast_in_dim3A_1251 {offsets = [128, 0], sizes = [128, 1], strides = [1, 1]} : vector<1024x1xf32> to vector<128x1xf32>
    %div3A_1331 = vector.broadcast %slice3A_1330 : vector<128x1xf32> to vector<128x512xf32>
    %div3A_1332 = arith.divf %dot_general3A_1329, %div3A_1331 : vector<128x512xf32>
    %gt3A_1333 = arith.constant 0.000000e+00 : f32
    %gt3A_1334 = vector.broadcast %gt3A_1333 : f32 to vector<128x512xf32>
    %gt3A_1335 = arith.cmpf ogt, %div3A_1332, %gt3A_1334 : vector<128x512xf32>
    %gt3A_1336 = arith.constant 0.000000e+00 : f32
    %gt3A_1337 = vector.broadcast %gt3A_1336 : f32 to vector<128x512xf32>
    %gt3A_1338 = arith.cmpf ogt, %div3A_1332, %gt3A_1337 : vector<128x512xf32>
    %jit3A_1339 = arith.constant 0.000000e+00 : f32
    %broadcast_in_dim3A_1340 = vector.broadcast %jit3A_1339 : f32 to vector<128x512xf32>
    %select_n3A_1341 = arith.select %gt3A_1338, %broadcast_in_dim3A_1340, %div3A_1332 : vector<128x512xi1>, vector<128x512xf32>
    %exp3A_1342 = math.exp %select_n3A_1341 : vector<128x512xf32>
    %sub3A_1343 = arith.constant 1.000000e+00 : f32
    %sub3A_1344 = vector.broadcast %sub3A_1343 : f32 to vector<128x512xf32>
    %sub3A_1345 = arith.subf %exp3A_1342, %sub3A_1344 : vector<128x512xf32>
    %select_n3A_1346 = arith.select %gt3A_1335, %div3A_1332, %sub3A_1345 : vector<128x512xi1>, vector<128x512xf32>
    %slice3A_1347 = vector.extract_strided_slice %convert_element_type3A_32 {offsets = [2, 0, 0], sizes = [1, 128, 128], strides = [1, 1, 1]} : vector<8x128x128xbf16> to vector<1x128x128xbf16>
    %squeeze3A_1348 = vector.shape_cast %slice3A_1347 : vector<1x128x128xbf16> to vector<128x128xbf16>
    %slice3A_1349 = vector.extract_strided_slice %convert_element_type3A_1197 {offsets = [256, 0], sizes = [128, 512], strides = [1, 1]} : vector<1024x512xbf16> to vector<128x512xbf16>
    %dot_general3A_1350 = arith.constant dense<0.000000e+00> : vector<128x512xf32>
    %dot_general3A_1351 = tpu.matmul %squeeze3A_1348, %slice3A_1349, %dot_general3A_1350 {dimension_numbers = #tpu.dot_dimension_numbers<[1], [0], [0], [1], [0, 0, 1, 1], [], []>, transpose_lhs_hint = false} : vector<128x128xbf16>, vector<128x512xbf16>, vector<128x512xf32> -> vector<128x512xf32>
    %get3A_1352 = arith.constant 0 : index
    %get3A_1353 = arith.constant 0 : index
    %get3A_1354 = vector.load %arg10[%get3A_1352, %get3A_1353] : memref<1x512xf32, #tpu.memory_space<vmem>>, vector<1x512xf32>
    %add3A_1355 = vector.broadcast %get3A_1354 : vector<1x512xf32> to vector<128x512xf32>
    %add3A_1356 = arith.addf %dot_general3A_1351, %add3A_1355 : vector<128x512xf32>
    %max3A_1357 = arith.constant 0.000000e+00 : f32
    %max3A_1358 = vector.broadcast %max3A_1357 : f32 to vector<128x512xf32>
    %max3A_1359 = arith.maximumf %add3A_1356, %max3A_1358 : vector<128x512xf32>
    %slice3A_1360 = vector.extract_strided_slice %convert_element_type3A_41 {offsets = [2, 0, 0], sizes = [1, 128, 128], strides = [1, 1, 1]} : vector<8x128x128xbf16> to vector<1x128x128xbf16>
    %squeeze3A_1361 = vector.shape_cast %slice3A_1360 : vector<1x128x128xbf16> to vector<128x128xbf16>
    %slice3A_1362 = vector.extract_strided_slice %convert_element_type3A_1204 {offsets = [256, 0], sizes = [128, 512], strides = [1, 1]} : vector<1024x512xbf16> to vector<128x512xbf16>
    %dot_general3A_1363 = arith.constant dense<0.000000e+00> : vector<128x512xf32>
    %dot_general3A_1364 = tpu.matmul %squeeze3A_1361, %slice3A_1362, %dot_general3A_1363 {dimension_numbers = #tpu.dot_dimension_numbers<[1], [0], [0], [1], [0, 0, 1, 1], [], []>, transpose_lhs_hint = false} : vector<128x128xbf16>, vector<128x512xbf16>, vector<128x512xf32> -> vector<128x512xf32>
    %get3A_1365 = arith.constant 0 : index
    %get3A_1366 = arith.constant 0 : index
    %get3A_1367 = vector.load %arg13[%get3A_1365, %get3A_1366] : memref<1x512xf32, #tpu.memory_space<vmem>>, vector<1x512xf32>
    %add3A_1368 = vector.broadcast %get3A_1367 : vector<1x512xf32> to vector<128x512xf32>
    %add3A_1369 = arith.addf %dot_general3A_1364, %add3A_1368 : vector<128x512xf32>
    %max3A_1370 = arith.constant 0.000000e+00 : f32
    %max3A_1371 = vector.broadcast %max3A_1370 : f32 to vector<128x512xf32>
    %max3A_1372 = arith.maximumf %add3A_1369, %max3A_1371 : vector<128x512xf32>
    %slice3A_1373 = vector.extract_strided_slice %convert_element_type3A_1252 {offsets = [256, 0], sizes = [128, 128], strides = [1, 1]} : vector<1024x128xbf16> to vector<128x128xbf16>
    %slice3A_1374 = vector.extract_strided_slice %convert_element_type3A_1211 {offsets = [256, 0], sizes = [128, 512], strides = [1, 1]} : vector<1024x512xbf16> to vector<128x512xbf16>
    %dot_general3A_1375 = arith.constant dense<0.000000e+00> : vector<128x512xf32>
    %dot_general3A_1376 = tpu.matmul %slice3A_1373, %slice3A_1374, %dot_general3A_1375 {dimension_numbers = #tpu.dot_dimension_numbers<[1], [0], [0], [1], [0, 0, 1, 1], [], []>, transpose_lhs_hint = false} : vector<128x128xbf16>, vector<128x512xbf16>, vector<128x512xf32> -> vector<128x512xf32>
    %slice3A_1377 = vector.extract_strided_slice %broadcast_in_dim3A_1251 {offsets = [256, 0], sizes = [128, 1], strides = [1, 1]} : vector<1024x1xf32> to vector<128x1xf32>
    %div3A_1378 = vector.broadcast %slice3A_1377 : vector<128x1xf32> to vector<128x512xf32>
    %div3A_1379 = arith.divf %dot_general3A_1376, %div3A_1378 : vector<128x512xf32>
    %gt3A_1380 = arith.constant 0.000000e+00 : f32
    %gt3A_1381 = vector.broadcast %gt3A_1380 : f32 to vector<128x512xf32>
    %gt3A_1382 = arith.cmpf ogt, %div3A_1379, %gt3A_1381 : vector<128x512xf32>
    %gt3A_1383 = arith.constant 0.000000e+00 : f32
    %gt3A_1384 = vector.broadcast %gt3A_1383 : f32 to vector<128x512xf32>
    %gt3A_1385 = arith.cmpf ogt, %div3A_1379, %gt3A_1384 : vector<128x512xf32>
    %jit3A_1386 = arith.constant 0.000000e+00 : f32
    %broadcast_in_dim3A_1387 = vector.broadcast %jit3A_1386 : f32 to vector<128x512xf32>
    %select_n3A_1388 = arith.select %gt3A_1385, %broadcast_in_dim3A_1387, %div3A_1379 : vector<128x512xi1>, vector<128x512xf32>
    %exp3A_1389 = math.exp %select_n3A_1388 : vector<128x512xf32>
    %sub3A_1390 = arith.constant 1.000000e+00 : f32
    %sub3A_1391 = vector.broadcast %sub3A_1390 : f32 to vector<128x512xf32>
    %sub3A_1392 = arith.subf %exp3A_1389, %sub3A_1391 : vector<128x512xf32>
    %select_n3A_1393 = arith.select %gt3A_1382, %div3A_1379, %sub3A_1392 : vector<128x512xi1>, vector<128x512xf32>
    %slice3A_1394 = vector.extract_strided_slice %convert_element_type3A_32 {offsets = [3, 0, 0], sizes = [1, 128, 128], strides = [1, 1, 1]} : vector<8x128x128xbf16> to vector<1x128x128xbf16>
    %squeeze3A_1395 = vector.shape_cast %slice3A_1394 : vector<1x128x128xbf16> to vector<128x128xbf16>
    %slice3A_1396 = vector.extract_strided_slice %convert_element_type3A_1197 {offsets = [384, 0], sizes = [128, 512], strides = [1, 1]} : vector<1024x512xbf16> to vector<128x512xbf16>
    %dot_general3A_1397 = arith.constant dense<0.000000e+00> : vector<128x512xf32>
    %dot_general3A_1398 = tpu.matmul %squeeze3A_1395, %slice3A_1396, %dot_general3A_1397 {dimension_numbers = #tpu.dot_dimension_numbers<[1], [0], [0], [1], [0, 0, 1, 1], [], []>, transpose_lhs_hint = false} : vector<128x128xbf16>, vector<128x512xbf16>, vector<128x512xf32> -> vector<128x512xf32>
    %get3A_1399 = arith.constant 0 : index
    %get3A_1400 = arith.constant 0 : index
    %get3A_1401 = vector.load %arg10[%get3A_1399, %get3A_1400] : memref<1x512xf32, #tpu.memory_space<vmem>>, vector<1x512xf32>
    %add3A_1402 = vector.broadcast %get3A_1401 : vector<1x512xf32> to vector<128x512xf32>
    %add3A_1403 = arith.addf %dot_general3A_1398, %add3A_1402 : vector<128x512xf32>
    %max3A_1404 = arith.constant 0.000000e+00 : f32
    %max3A_1405 = vector.broadcast %max3A_1404 : f32 to vector<128x512xf32>
    %max3A_1406 = arith.maximumf %add3A_1403, %max3A_1405 : vector<128x512xf32>
    %slice3A_1407 = vector.extract_strided_slice %convert_element_type3A_41 {offsets = [3, 0, 0], sizes = [1, 128, 128], strides = [1, 1, 1]} : vector<8x128x128xbf16> to vector<1x128x128xbf16>
    %squeeze3A_1408 = vector.shape_cast %slice3A_1407 : vector<1x128x128xbf16> to vector<128x128xbf16>
    %slice3A_1409 = vector.extract_strided_slice %convert_element_type3A_1204 {offsets = [384, 0], sizes = [128, 512], strides = [1, 1]} : vector<1024x512xbf16> to vector<128x512xbf16>
    %dot_general3A_1410 = arith.constant dense<0.000000e+00> : vector<128x512xf32>
    %dot_general3A_1411 = tpu.matmul %squeeze3A_1408, %slice3A_1409, %dot_general3A_1410 {dimension_numbers = #tpu.dot_dimension_numbers<[1], [0], [0], [1], [0, 0, 1, 1], [], []>, transpose_lhs_hint = false} : vector<128x128xbf16>, vector<128x512xbf16>, vector<128x512xf32> -> vector<128x512xf32>
    %get3A_1412 = arith.constant 0 : index
    %get3A_1413 = arith.constant 0 : index
    %get3A_1414 = vector.load %arg13[%get3A_1412, %get3A_1413] : memref<1x512xf32, #tpu.memory_space<vmem>>, vector<1x512xf32>
    %add3A_1415 = vector.broadcast %get3A_1414 : vector<1x512xf32> to vector<128x512xf32>
    %add3A_1416 = arith.addf %dot_general3A_1411, %add3A_1415 : vector<128x512xf32>
    %max3A_1417 = arith.constant 0.000000e+00 : f32
    %max3A_1418 = vector.broadcast %max3A_1417 : f32 to vector<128x512xf32>
    %max3A_1419 = arith.maximumf %add3A_1416, %max3A_1418 : vector<128x512xf32>
    %slice3A_1420 = vector.extract_strided_slice %convert_element_type3A_1252 {offsets = [384, 0], sizes = [128, 128], strides = [1, 1]} : vector<1024x128xbf16> to vector<128x128xbf16>
    %slice3A_1421 = vector.extract_strided_slice %convert_element_type3A_1211 {offsets = [384, 0], sizes = [128, 512], strides = [1, 1]} : vector<1024x512xbf16> to vector<128x512xbf16>
    %dot_general3A_1422 = arith.constant dense<0.000000e+00> : vector<128x512xf32>
    %dot_general3A_1423 = tpu.matmul %slice3A_1420, %slice3A_1421, %dot_general3A_1422 {dimension_numbers = #tpu.dot_dimension_numbers<[1], [0], [0], [1], [0, 0, 1, 1], [], []>, transpose_lhs_hint = false} : vector<128x128xbf16>, vector<128x512xbf16>, vector<128x512xf32> -> vector<128x512xf32>
    %slice3A_1424 = vector.extract_strided_slice %broadcast_in_dim3A_1251 {offsets = [384, 0], sizes = [128, 1], strides = [1, 1]} : vector<1024x1xf32> to vector<128x1xf32>
    %div3A_1425 = vector.broadcast %slice3A_1424 : vector<128x1xf32> to vector<128x512xf32>
    %div3A_1426 = arith.divf %dot_general3A_1423, %div3A_1425 : vector<128x512xf32>
    %gt3A_1427 = arith.constant 0.000000e+00 : f32
    %gt3A_1428 = vector.broadcast %gt3A_1427 : f32 to vector<128x512xf32>
    %gt3A_1429 = arith.cmpf ogt, %div3A_1426, %gt3A_1428 : vector<128x512xf32>
    %gt3A_1430 = arith.constant 0.000000e+00 : f32
    %gt3A_1431 = vector.broadcast %gt3A_1430 : f32 to vector<128x512xf32>
    %gt3A_1432 = arith.cmpf ogt, %div3A_1426, %gt3A_1431 : vector<128x512xf32>
    %jit3A_1433 = arith.constant 0.000000e+00 : f32
    %broadcast_in_dim3A_1434 = vector.broadcast %jit3A_1433 : f32 to vector<128x512xf32>
    %select_n3A_1435 = arith.select %gt3A_1432, %broadcast_in_dim3A_1434, %div3A_1426 : vector<128x512xi1>, vector<128x512xf32>
    %exp3A_1436 = math.exp %select_n3A_1435 : vector<128x512xf32>
    %sub3A_1437 = arith.constant 1.000000e+00 : f32
    %sub3A_1438 = vector.broadcast %sub3A_1437 : f32 to vector<128x512xf32>
    %sub3A_1439 = arith.subf %exp3A_1436, %sub3A_1438 : vector<128x512xf32>
    %select_n3A_1440 = arith.select %gt3A_1429, %div3A_1426, %sub3A_1439 : vector<128x512xi1>, vector<128x512xf32>
    %slice3A_1441 = vector.extract_strided_slice %convert_element_type3A_32 {offsets = [4, 0, 0], sizes = [1, 128, 128], strides = [1, 1, 1]} : vector<8x128x128xbf16> to vector<1x128x128xbf16>
    %squeeze3A_1442 = vector.shape_cast %slice3A_1441 : vector<1x128x128xbf16> to vector<128x128xbf16>
    %slice3A_1443 = vector.extract_strided_slice %convert_element_type3A_1197 {offsets = [512, 0], sizes = [128, 512], strides = [1, 1]} : vector<1024x512xbf16> to vector<128x512xbf16>
    %dot_general3A_1444 = arith.constant dense<0.000000e+00> : vector<128x512xf32>
    %dot_general3A_1445 = tpu.matmul %squeeze3A_1442, %slice3A_1443, %dot_general3A_1444 {dimension_numbers = #tpu.dot_dimension_numbers<[1], [0], [0], [1], [0, 0, 1, 1], [], []>, transpose_lhs_hint = false} : vector<128x128xbf16>, vector<128x512xbf16>, vector<128x512xf32> -> vector<128x512xf32>
    %get3A_1446 = arith.constant 0 : index
    %get3A_1447 = arith.constant 0 : index
    %get3A_1448 = vector.load %arg10[%get3A_1446, %get3A_1447] : memref<1x512xf32, #tpu.memory_space<vmem>>, vector<1x512xf32>
    %add3A_1449 = vector.broadcast %get3A_1448 : vector<1x512xf32> to vector<128x512xf32>
    %add3A_1450 = arith.addf %dot_general3A_1445, %add3A_1449 : vector<128x512xf32>
    %max3A_1451 = arith.constant 0.000000e+00 : f32
    %max3A_1452 = vector.broadcast %max3A_1451 : f32 to vector<128x512xf32>
    %max3A_1453 = arith.maximumf %add3A_1450, %max3A_1452 : vector<128x512xf32>
    %slice3A_1454 = vector.extract_strided_slice %convert_element_type3A_41 {offsets = [4, 0, 0], sizes = [1, 128, 128], strides = [1, 1, 1]} : vector<8x128x128xbf16> to vector<1x128x128xbf16>
    %squeeze3A_1455 = vector.shape_cast %slice3A_1454 : vector<1x128x128xbf16> to vector<128x128xbf16>
    %slice3A_1456 = vector.extract_strided_slice %convert_element_type3A_1204 {offsets = [512, 0], sizes = [128, 512], strides = [1, 1]} : vector<1024x512xbf16> to vector<128x512xbf16>
    %dot_general3A_1457 = arith.constant dense<0.000000e+00> : vector<128x512xf32>
    %dot_general3A_1458 = tpu.matmul %squeeze3A_1455, %slice3A_1456, %dot_general3A_1457 {dimension_numbers = #tpu.dot_dimension_numbers<[1], [0], [0], [1], [0, 0, 1, 1], [], []>, transpose_lhs_hint = false} : vector<128x128xbf16>, vector<128x512xbf16>, vector<128x512xf32> -> vector<128x512xf32>
    %get3A_1459 = arith.constant 0 : index
    %get3A_1460 = arith.constant 0 : index
    %get3A_1461 = vector.load %arg13[%get3A_1459, %get3A_1460] : memref<1x512xf32, #tpu.memory_space<vmem>>, vector<1x512xf32>
    %add3A_1462 = vector.broadcast %get3A_1461 : vector<1x512xf32> to vector<128x512xf32>
    %add3A_1463 = arith.addf %dot_general3A_1458, %add3A_1462 : vector<128x512xf32>
    %max3A_1464 = arith.constant 0.000000e+00 : f32
    %max3A_1465 = vector.broadcast %max3A_1464 : f32 to vector<128x512xf32>
    %max3A_1466 = arith.maximumf %add3A_1463, %max3A_1465 : vector<128x512xf32>
    %slice3A_1467 = vector.extract_strided_slice %convert_element_type3A_1252 {offsets = [512, 0], sizes = [128, 128], strides = [1, 1]} : vector<1024x128xbf16> to vector<128x128xbf16>
    %slice3A_1468 = vector.extract_strided_slice %convert_element_type3A_1211 {offsets = [512, 0], sizes = [128, 512], strides = [1, 1]} : vector<1024x512xbf16> to vector<128x512xbf16>
    %dot_general3A_1469 = arith.constant dense<0.000000e+00> : vector<128x512xf32>
    %dot_general3A_1470 = tpu.matmul %slice3A_1467, %slice3A_1468, %dot_general3A_1469 {dimension_numbers = #tpu.dot_dimension_numbers<[1], [0], [0], [1], [0, 0, 1, 1], [], []>, transpose_lhs_hint = false} : vector<128x128xbf16>, vector<128x512xbf16>, vector<128x512xf32> -> vector<128x512xf32>
    %slice3A_1471 = vector.extract_strided_slice %broadcast_in_dim3A_1251 {offsets = [512, 0], sizes = [128, 1], strides = [1, 1]} : vector<1024x1xf32> to vector<128x1xf32>
    %div3A_1472 = vector.broadcast %slice3A_1471 : vector<128x1xf32> to vector<128x512xf32>
    %div3A_1473 = arith.divf %dot_general3A_1470, %div3A_1472 : vector<128x512xf32>
    %gt3A_1474 = arith.constant 0.000000e+00 : f32
    %gt3A_1475 = vector.broadcast %gt3A_1474 : f32 to vector<128x512xf32>
    %gt3A_1476 = arith.cmpf ogt, %div3A_1473, %gt3A_1475 : vector<128x512xf32>
    %gt3A_1477 = arith.constant 0.000000e+00 : f32
    %gt3A_1478 = vector.broadcast %gt3A_1477 : f32 to vector<128x512xf32>
    %gt3A_1479 = arith.cmpf ogt, %div3A_1473, %gt3A_1478 : vector<128x512xf32>
    %jit3A_1480 = arith.constant 0.000000e+00 : f32
    %broadcast_in_dim3A_1481 = vector.broadcast %jit3A_1480 : f32 to vector<128x512xf32>
    %select_n3A_1482 = arith.select %gt3A_1479, %broadcast_in_dim3A_1481, %div3A_1473 : vector<128x512xi1>, vector<128x512xf32>
    %exp3A_1483 = math.exp %select_n3A_1482 : vector<128x512xf32>
    %sub3A_1484 = arith.constant 1.000000e+00 : f32
    %sub3A_1485 = vector.broadcast %sub3A_1484 : f32 to vector<128x512xf32>
    %sub3A_1486 = arith.subf %exp3A_1483, %sub3A_1485 : vector<128x512xf32>
    %select_n3A_1487 = arith.select %gt3A_1476, %div3A_1473, %sub3A_1486 : vector<128x512xi1>, vector<128x512xf32>
    %slice3A_1488 = vector.extract_strided_slice %convert_element_type3A_32 {offsets = [5, 0, 0], sizes = [1, 128, 128], strides = [1, 1, 1]} : vector<8x128x128xbf16> to vector<1x128x128xbf16>
    %squeeze3A_1489 = vector.shape_cast %slice3A_1488 : vector<1x128x128xbf16> to vector<128x128xbf16>
    %slice3A_1490 = vector.extract_strided_slice %convert_element_type3A_1197 {offsets = [640, 0], sizes = [128, 512], strides = [1, 1]} : vector<1024x512xbf16> to vector<128x512xbf16>
    %dot_general3A_1491 = arith.constant dense<0.000000e+00> : vector<128x512xf32>
    %dot_general3A_1492 = tpu.matmul %squeeze3A_1489, %slice3A_1490, %dot_general3A_1491 {dimension_numbers = #tpu.dot_dimension_numbers<[1], [0], [0], [1], [0, 0, 1, 1], [], []>, transpose_lhs_hint = false} : vector<128x128xbf16>, vector<128x512xbf16>, vector<128x512xf32> -> vector<128x512xf32>
    %get3A_1493 = arith.constant 0 : index
    %get3A_1494 = arith.constant 0 : index
    %get3A_1495 = vector.load %arg10[%get3A_1493, %get3A_1494] : memref<1x512xf32, #tpu.memory_space<vmem>>, vector<1x512xf32>
    %add3A_1496 = vector.broadcast %get3A_1495 : vector<1x512xf32> to vector<128x512xf32>
    %add3A_1497 = arith.addf %dot_general3A_1492, %add3A_1496 : vector<128x512xf32>
    %max3A_1498 = arith.constant 0.000000e+00 : f32
    %max3A_1499 = vector.broadcast %max3A_1498 : f32 to vector<128x512xf32>
    %max3A_1500 = arith.maximumf %add3A_1497, %max3A_1499 : vector<128x512xf32>
    %slice3A_1501 = vector.extract_strided_slice %convert_element_type3A_41 {offsets = [5, 0, 0], sizes = [1, 128, 128], strides = [1, 1, 1]} : vector<8x128x128xbf16> to vector<1x128x128xbf16>
    %squeeze3A_1502 = vector.shape_cast %slice3A_1501 : vector<1x128x128xbf16> to vector<128x128xbf16>
    %slice3A_1503 = vector.extract_strided_slice %convert_element_type3A_1204 {offsets = [640, 0], sizes = [128, 512], strides = [1, 1]} : vector<1024x512xbf16> to vector<128x512xbf16>
    %dot_general3A_1504 = arith.constant dense<0.000000e+00> : vector<128x512xf32>
    %dot_general3A_1505 = tpu.matmul %squeeze3A_1502, %slice3A_1503, %dot_general3A_1504 {dimension_numbers = #tpu.dot_dimension_numbers<[1], [0], [0], [1], [0, 0, 1, 1], [], []>, transpose_lhs_hint = false} : vector<128x128xbf16>, vector<128x512xbf16>, vector<128x512xf32> -> vector<128x512xf32>
    %get3A_1506 = arith.constant 0 : index
    %get3A_1507 = arith.constant 0 : index
    %get3A_1508 = vector.load %arg13[%get3A_1506, %get3A_1507] : memref<1x512xf32, #tpu.memory_space<vmem>>, vector<1x512xf32>
    %add3A_1509 = vector.broadcast %get3A_1508 : vector<1x512xf32> to vector<128x512xf32>
    %add3A_1510 = arith.addf %dot_general3A_1505, %add3A_1509 : vector<128x512xf32>
    %max3A_1511 = arith.constant 0.000000e+00 : f32
    %max3A_1512 = vector.broadcast %max3A_1511 : f32 to vector<128x512xf32>
    %max3A_1513 = arith.maximumf %add3A_1510, %max3A_1512 : vector<128x512xf32>
    %slice3A_1514 = vector.extract_strided_slice %convert_element_type3A_1252 {offsets = [640, 0], sizes = [128, 128], strides = [1, 1]} : vector<1024x128xbf16> to vector<128x128xbf16>
    %slice3A_1515 = vector.extract_strided_slice %convert_element_type3A_1211 {offsets = [640, 0], sizes = [128, 512], strides = [1, 1]} : vector<1024x512xbf16> to vector<128x512xbf16>
    %dot_general3A_1516 = arith.constant dense<0.000000e+00> : vector<128x512xf32>
    %dot_general3A_1517 = tpu.matmul %slice3A_1514, %slice3A_1515, %dot_general3A_1516 {dimension_numbers = #tpu.dot_dimension_numbers<[1], [0], [0], [1], [0, 0, 1, 1], [], []>, transpose_lhs_hint = false} : vector<128x128xbf16>, vector<128x512xbf16>, vector<128x512xf32> -> vector<128x512xf32>
    %slice3A_1518 = vector.extract_strided_slice %broadcast_in_dim3A_1251 {offsets = [640, 0], sizes = [128, 1], strides = [1, 1]} : vector<1024x1xf32> to vector<128x1xf32>
    %div3A_1519 = vector.broadcast %slice3A_1518 : vector<128x1xf32> to vector<128x512xf32>
    %div3A_1520 = arith.divf %dot_general3A_1517, %div3A_1519 : vector<128x512xf32>
    %gt3A_1521 = arith.constant 0.000000e+00 : f32
    %gt3A_1522 = vector.broadcast %gt3A_1521 : f32 to vector<128x512xf32>
    %gt3A_1523 = arith.cmpf ogt, %div3A_1520, %gt3A_1522 : vector<128x512xf32>
    %gt3A_1524 = arith.constant 0.000000e+00 : f32
    %gt3A_1525 = vector.broadcast %gt3A_1524 : f32 to vector<128x512xf32>
    %gt3A_1526 = arith.cmpf ogt, %div3A_1520, %gt3A_1525 : vector<128x512xf32>
    %jit3A_1527 = arith.constant 0.000000e+00 : f32
    %broadcast_in_dim3A_1528 = vector.broadcast %jit3A_1527 : f32 to vector<128x512xf32>
    %select_n3A_1529 = arith.select %gt3A_1526, %broadcast_in_dim3A_1528, %div3A_1520 : vector<128x512xi1>, vector<128x512xf32>
    %exp3A_1530 = math.exp %select_n3A_1529 : vector<128x512xf32>
    %sub3A_1531 = arith.constant 1.000000e+00 : f32
    %sub3A_1532 = vector.broadcast %sub3A_1531 : f32 to vector<128x512xf32>
    %sub3A_1533 = arith.subf %exp3A_1530, %sub3A_1532 : vector<128x512xf32>
    %select_n3A_1534 = arith.select %gt3A_1523, %div3A_1520, %sub3A_1533 : vector<128x512xi1>, vector<128x512xf32>
    %slice3A_1535 = vector.extract_strided_slice %convert_element_type3A_32 {offsets = [6, 0, 0], sizes = [1, 128, 128], strides = [1, 1, 1]} : vector<8x128x128xbf16> to vector<1x128x128xbf16>
    %squeeze3A_1536 = vector.shape_cast %slice3A_1535 : vector<1x128x128xbf16> to vector<128x128xbf16>
    %slice3A_1537 = vector.extract_strided_slice %convert_element_type3A_1197 {offsets = [768, 0], sizes = [128, 512], strides = [1, 1]} : vector<1024x512xbf16> to vector<128x512xbf16>
    %dot_general3A_1538 = arith.constant dense<0.000000e+00> : vector<128x512xf32>
    %dot_general3A_1539 = tpu.matmul %squeeze3A_1536, %slice3A_1537, %dot_general3A_1538 {dimension_numbers = #tpu.dot_dimension_numbers<[1], [0], [0], [1], [0, 0, 1, 1], [], []>, transpose_lhs_hint = false} : vector<128x128xbf16>, vector<128x512xbf16>, vector<128x512xf32> -> vector<128x512xf32>
    %get3A_1540 = arith.constant 0 : index
    %get3A_1541 = arith.constant 0 : index
    %get3A_1542 = vector.load %arg10[%get3A_1540, %get3A_1541] : memref<1x512xf32, #tpu.memory_space<vmem>>, vector<1x512xf32>
    %add3A_1543 = vector.broadcast %get3A_1542 : vector<1x512xf32> to vector<128x512xf32>
    %add3A_1544 = arith.addf %dot_general3A_1539, %add3A_1543 : vector<128x512xf32>
    %max3A_1545 = arith.constant 0.000000e+00 : f32
    %max3A_1546 = vector.broadcast %max3A_1545 : f32 to vector<128x512xf32>
    %max3A_1547 = arith.maximumf %add3A_1544, %max3A_1546 : vector<128x512xf32>
    %slice3A_1548 = vector.extract_strided_slice %convert_element_type3A_41 {offsets = [6, 0, 0], sizes = [1, 128, 128], strides = [1, 1, 1]} : vector<8x128x128xbf16> to vector<1x128x128xbf16>
    %squeeze3A_1549 = vector.shape_cast %slice3A_1548 : vector<1x128x128xbf16> to vector<128x128xbf16>
    %slice3A_1550 = vector.extract_strided_slice %convert_element_type3A_1204 {offsets = [768, 0], sizes = [128, 512], strides = [1, 1]} : vector<1024x512xbf16> to vector<128x512xbf16>
    %dot_general3A_1551 = arith.constant dense<0.000000e+00> : vector<128x512xf32>
    %dot_general3A_1552 = tpu.matmul %squeeze3A_1549, %slice3A_1550, %dot_general3A_1551 {dimension_numbers = #tpu.dot_dimension_numbers<[1], [0], [0], [1], [0, 0, 1, 1], [], []>, transpose_lhs_hint = false} : vector<128x128xbf16>, vector<128x512xbf16>, vector<128x512xf32> -> vector<128x512xf32>
    %get3A_1553 = arith.constant 0 : index
    %get3A_1554 = arith.constant 0 : index
    %get3A_1555 = vector.load %arg13[%get3A_1553, %get3A_1554] : memref<1x512xf32, #tpu.memory_space<vmem>>, vector<1x512xf32>
    %add3A_1556 = vector.broadcast %get3A_1555 : vector<1x512xf32> to vector<128x512xf32>
    %add3A_1557 = arith.addf %dot_general3A_1552, %add3A_1556 : vector<128x512xf32>
    %max3A_1558 = arith.constant 0.000000e+00 : f32
    %max3A_1559 = vector.broadcast %max3A_1558 : f32 to vector<128x512xf32>
    %max3A_1560 = arith.maximumf %add3A_1557, %max3A_1559 : vector<128x512xf32>
    %slice3A_1561 = vector.extract_strided_slice %convert_element_type3A_1252 {offsets = [768, 0], sizes = [128, 128], strides = [1, 1]} : vector<1024x128xbf16> to vector<128x128xbf16>
    %slice3A_1562 = vector.extract_strided_slice %convert_element_type3A_1211 {offsets = [768, 0], sizes = [128, 512], strides = [1, 1]} : vector<1024x512xbf16> to vector<128x512xbf16>
    %dot_general3A_1563 = arith.constant dense<0.000000e+00> : vector<128x512xf32>
    %dot_general3A_1564 = tpu.matmul %slice3A_1561, %slice3A_1562, %dot_general3A_1563 {dimension_numbers = #tpu.dot_dimension_numbers<[1], [0], [0], [1], [0, 0, 1, 1], [], []>, transpose_lhs_hint = false} : vector<128x128xbf16>, vector<128x512xbf16>, vector<128x512xf32> -> vector<128x512xf32>
    %slice3A_1565 = vector.extract_strided_slice %broadcast_in_dim3A_1251 {offsets = [768, 0], sizes = [128, 1], strides = [1, 1]} : vector<1024x1xf32> to vector<128x1xf32>
    %div3A_1566 = vector.broadcast %slice3A_1565 : vector<128x1xf32> to vector<128x512xf32>
    %div3A_1567 = arith.divf %dot_general3A_1564, %div3A_1566 : vector<128x512xf32>
    %gt3A_1568 = arith.constant 0.000000e+00 : f32
    %gt3A_1569 = vector.broadcast %gt3A_1568 : f32 to vector<128x512xf32>
    %gt3A_1570 = arith.cmpf ogt, %div3A_1567, %gt3A_1569 : vector<128x512xf32>
    %gt3A_1571 = arith.constant 0.000000e+00 : f32
    %gt3A_1572 = vector.broadcast %gt3A_1571 : f32 to vector<128x512xf32>
    %gt3A_1573 = arith.cmpf ogt, %div3A_1567, %gt3A_1572 : vector<128x512xf32>
    %jit3A_1574 = arith.constant 0.000000e+00 : f32
    %broadcast_in_dim3A_1575 = vector.broadcast %jit3A_1574 : f32 to vector<128x512xf32>
    %select_n3A_1576 = arith.select %gt3A_1573, %broadcast_in_dim3A_1575, %div3A_1567 : vector<128x512xi1>, vector<128x512xf32>
    %exp3A_1577 = math.exp %select_n3A_1576 : vector<128x512xf32>
    %sub3A_1578 = arith.constant 1.000000e+00 : f32
    %sub3A_1579 = vector.broadcast %sub3A_1578 : f32 to vector<128x512xf32>
    %sub3A_1580 = arith.subf %exp3A_1577, %sub3A_1579 : vector<128x512xf32>
    %select_n3A_1581 = arith.select %gt3A_1570, %div3A_1567, %sub3A_1580 : vector<128x512xi1>, vector<128x512xf32>
    %slice3A_1582 = vector.extract_strided_slice %convert_element_type3A_32 {offsets = [7, 0, 0], sizes = [1, 128, 128], strides = [1, 1, 1]} : vector<8x128x128xbf16> to vector<1x128x128xbf16>
    %squeeze3A_1583 = vector.shape_cast %slice3A_1582 : vector<1x128x128xbf16> to vector<128x128xbf16>
    %slice3A_1584 = vector.extract_strided_slice %convert_element_type3A_1197 {offsets = [896, 0], sizes = [128, 512], strides = [1, 1]} : vector<1024x512xbf16> to vector<128x512xbf16>
    %dot_general3A_1585 = arith.constant dense<0.000000e+00> : vector<128x512xf32>
    %dot_general3A_1586 = tpu.matmul %squeeze3A_1583, %slice3A_1584, %dot_general3A_1585 {dimension_numbers = #tpu.dot_dimension_numbers<[1], [0], [0], [1], [0, 0, 1, 1], [], []>, transpose_lhs_hint = false} : vector<128x128xbf16>, vector<128x512xbf16>, vector<128x512xf32> -> vector<128x512xf32>
    %get3A_1587 = arith.constant 0 : index
    %get3A_1588 = arith.constant 0 : index
    %get3A_1589 = vector.load %arg10[%get3A_1587, %get3A_1588] : memref<1x512xf32, #tpu.memory_space<vmem>>, vector<1x512xf32>
    %add3A_1590 = vector.broadcast %get3A_1589 : vector<1x512xf32> to vector<128x512xf32>
    %add3A_1591 = arith.addf %dot_general3A_1586, %add3A_1590 : vector<128x512xf32>
    %max3A_1592 = arith.constant 0.000000e+00 : f32
    %max3A_1593 = vector.broadcast %max3A_1592 : f32 to vector<128x512xf32>
    %max3A_1594 = arith.maximumf %add3A_1591, %max3A_1593 : vector<128x512xf32>
    %slice3A_1595 = vector.extract_strided_slice %convert_element_type3A_41 {offsets = [7, 0, 0], sizes = [1, 128, 128], strides = [1, 1, 1]} : vector<8x128x128xbf16> to vector<1x128x128xbf16>
    %squeeze3A_1596 = vector.shape_cast %slice3A_1595 : vector<1x128x128xbf16> to vector<128x128xbf16>
    %slice3A_1597 = vector.extract_strided_slice %convert_element_type3A_1204 {offsets = [896, 0], sizes = [128, 512], strides = [1, 1]} : vector<1024x512xbf16> to vector<128x512xbf16>
    %dot_general3A_1598 = arith.constant dense<0.000000e+00> : vector<128x512xf32>
    %dot_general3A_1599 = tpu.matmul %squeeze3A_1596, %slice3A_1597, %dot_general3A_1598 {dimension_numbers = #tpu.dot_dimension_numbers<[1], [0], [0], [1], [0, 0, 1, 1], [], []>, transpose_lhs_hint = false} : vector<128x128xbf16>, vector<128x512xbf16>, vector<128x512xf32> -> vector<128x512xf32>
    %get3A_1600 = arith.constant 0 : index
    %get3A_1601 = arith.constant 0 : index
    %get3A_1602 = vector.load %arg13[%get3A_1600, %get3A_1601] : memref<1x512xf32, #tpu.memory_space<vmem>>, vector<1x512xf32>
    %add3A_1603 = vector.broadcast %get3A_1602 : vector<1x512xf32> to vector<128x512xf32>
    %add3A_1604 = arith.addf %dot_general3A_1599, %add3A_1603 : vector<128x512xf32>
    %max3A_1605 = arith.constant 0.000000e+00 : f32
    %max3A_1606 = vector.broadcast %max3A_1605 : f32 to vector<128x512xf32>
    %max3A_1607 = arith.maximumf %add3A_1604, %max3A_1606 : vector<128x512xf32>
    %slice3A_1608 = vector.extract_strided_slice %convert_element_type3A_1252 {offsets = [896, 0], sizes = [128, 128], strides = [1, 1]} : vector<1024x128xbf16> to vector<128x128xbf16>
    %slice3A_1609 = vector.extract_strided_slice %convert_element_type3A_1211 {offsets = [896, 0], sizes = [128, 512], strides = [1, 1]} : vector<1024x512xbf16> to vector<128x512xbf16>
    %dot_general3A_1610 = arith.constant dense<0.000000e+00> : vector<128x512xf32>
    %dot_general3A_1611 = tpu.matmul %slice3A_1608, %slice3A_1609, %dot_general3A_1610 {dimension_numbers = #tpu.dot_dimension_numbers<[1], [0], [0], [1], [0, 0, 1, 1], [], []>, transpose_lhs_hint = false} : vector<128x128xbf16>, vector<128x512xbf16>, vector<128x512xf32> -> vector<128x512xf32>
    %slice3A_1612 = vector.extract_strided_slice %broadcast_in_dim3A_1251 {offsets = [896, 0], sizes = [128, 1], strides = [1, 1]} : vector<1024x1xf32> to vector<128x1xf32>
    %div3A_1613 = vector.broadcast %slice3A_1612 : vector<128x1xf32> to vector<128x512xf32>
    %div3A_1614 = arith.divf %dot_general3A_1611, %div3A_1613 : vector<128x512xf32>
    %gt3A_1615 = arith.constant 0.000000e+00 : f32
    %gt3A_1616 = vector.broadcast %gt3A_1615 : f32 to vector<128x512xf32>
    %gt3A_1617 = arith.cmpf ogt, %div3A_1614, %gt3A_1616 : vector<128x512xf32>
    %gt3A_1618 = arith.constant 0.000000e+00 : f32
    %gt3A_1619 = vector.broadcast %gt3A_1618 : f32 to vector<128x512xf32>
    %gt3A_1620 = arith.cmpf ogt, %div3A_1614, %gt3A_1619 : vector<128x512xf32>
    %jit3A_1621 = arith.constant 0.000000e+00 : f32
    %broadcast_in_dim3A_1622 = vector.broadcast %jit3A_1621 : f32 to vector<128x512xf32>
    %select_n3A_1623 = arith.select %gt3A_1620, %broadcast_in_dim3A_1622, %div3A_1614 : vector<128x512xi1>, vector<128x512xf32>
    %exp3A_1624 = math.exp %select_n3A_1623 : vector<128x512xf32>
    %sub3A_1625 = arith.constant 1.000000e+00 : f32
    %sub3A_1626 = vector.broadcast %sub3A_1625 : f32 to vector<128x512xf32>
    %sub3A_1627 = arith.subf %exp3A_1624, %sub3A_1626 : vector<128x512xf32>
    %select_n3A_1628 = arith.select %gt3A_1617, %div3A_1614, %sub3A_1627 : vector<128x512xi1>, vector<128x512xf32>
    %concatenate3A_1629 = tpu.concatenate %max3A_1265, %max3A_1312, %max3A_1359, %max3A_1406, %max3A_1453, %max3A_1500, %max3A_1547, %max3A_1594 in 0 : vector<128x512xf32>, vector<128x512xf32>, vector<128x512xf32>, vector<128x512xf32>, vector<128x512xf32>, vector<128x512xf32>, vector<128x512xf32>, vector<128x512xf32> -> vector<1024x512xf32>
    %concatenate3A_1630 = tpu.concatenate %max3A_1278, %max3A_1325, %max3A_1372, %max3A_1419, %max3A_1466, %max3A_1513, %max3A_1560, %max3A_1607 in 0 : vector<128x512xf32>, vector<128x512xf32>, vector<128x512xf32>, vector<128x512xf32>, vector<128x512xf32>, vector<128x512xf32>, vector<128x512xf32>, vector<128x512xf32> -> vector<1024x512xf32>
    %concatenate3A_1631 = tpu.concatenate %select_n3A_1299, %select_n3A_1346, %select_n3A_1393, %select_n3A_1440, %select_n3A_1487, %select_n3A_1534, %select_n3A_1581, %select_n3A_1628 in 0 : vector<128x512xf32>, vector<128x512xf32>, vector<128x512xf32>, vector<128x512xf32>, vector<128x512xf32>, vector<128x512xf32>, vector<128x512xf32>, vector<128x512xf32> -> vector<1024x512xf32>
    %concatenate3A_1632 = tpu.concatenate %concatenate3A_1629, %concatenate3A_1630, %concatenate3A_1631 in 1 : vector<1024x512xf32>, vector<1024x512xf32>, vector<1024x512xf32> -> vector<1024x1536xf32>
    %get3A_1633 = arith.constant 0 : index
    %get3A_1634 = arith.constant 0 : index
    %get3A_1635 = vector.load %arg21[%get3A_1633, %get3A_1634] : memref<1536x3xf32, #tpu.memory_space<vmem>>, vector<1536x3xf32>
    %dot_general3A_1636 = arith.constant dense<0.000000e+00> : vector<1024x3xf32>
    %dot_general3A_1637 = tpu.matmul %concatenate3A_1632, %get3A_1635, %dot_general3A_1636 {dimension_numbers = #tpu.dot_dimension_numbers<[1], [0], [0], [1], [0, 0, 1, 1], [], []>, transpose_lhs_hint = false} : vector<1024x1536xf32>, vector<1536x3xf32>, vector<1024x3xf32> -> vector<1024x3xf32>
    %get3A_1638 = arith.constant 0 : index
    %get3A_1639 = arith.constant 0 : index
    %get3A_1640 = vector.load %arg22[%get3A_1638, %get3A_1639] : memref<1x3xf32, #tpu.memory_space<vmem>>, vector<1x3xf32>
    %add3A_1641 = vector.broadcast %get3A_1640 : vector<1x3xf32> to vector<1024x3xf32>
    %add3A_1642 = arith.addf %dot_general3A_1637, %add3A_1641 : vector<1024x3xf32>
    %reshape3A_1643 = vector.shape_cast %add3A_1642 : vector<1024x3xf32> to vector<8x128x3xf32>
    %swap3A = arith.constant 0 : index
    %swap3A_1644 = arith.constant 0 : index
    %swap3A_1645 = arith.constant 0 : index
    %swap3A_1646 = vector.load %arg23[%swap3A, %swap3A_1644, %swap3A_1645] : memref<8x128x3xf32, #tpu.memory_space<vmem>>, vector<8x128x3xf32>
    tpu.vector_store %arg23[%swap3A, %swap3A_1644, %swap3A_1645], %reshape3A_1643 {strides = array<i32>} : memref<8x128x3xf32, #tpu.memory_space<vmem>>, vector<8x128x3xf32>,
    return
  }
  func.func @transform_0(%arg0: i32) -> (i32, i32, i32) {
    %c0_i32 = arith.constant 0 : i32
    %c0_i32_0 = arith.constant 0 : i32
    %c0_i32_1 = arith.constant 0 : i32
    return %arg0, %c0_i32, %c0_i32_0 : i32, i32, i32
  }
  func.func @transform_1(%arg0: i32) -> (i32, i32, i32) {
    %c0_i32 = arith.constant 0 : i32
    %c0_i32_0 = arith.constant 0 : i32
    %c0_i32_1 = arith.constant 0 : i32
    return %arg0, %c0_i32, %c0_i32_0 : i32, i32, i32
  }
  func.func @transform_2(%arg0: i32) -> (i32, i32, i32) {
    %c0_i32 = arith.constant 0 : i32
    %c0_i32_0 = arith.constant 0 : i32
    %c0_i32_1 = arith.constant 0 : i32
    return %arg0, %c0_i32, %c0_i32_0 : i32, i32, i32
  }
  func.func @transform_3(%arg0: i32) -> (i32, i32, i32) {
    %c0_i32 = arith.constant 0 : i32
    %c0_i32_0 = arith.constant 0 : i32
    %c0_i32_1 = arith.constant 0 : i32
    return %arg0, %c0_i32, %c0_i32_0 : i32, i32, i32
  }
  func.func @transform_4(%arg0: i32) -> (i32, i32) {
    %c0_i32 = arith.constant 0 : i32
    %c0_i32_0 = arith.constant 0 : i32
    %c0_i32_1 = arith.constant 0 : i32
    return %c0_i32, %c0_i32_0 : i32, i32
  }
  func.func @transform_5(%arg0: i32) -> (i32, i32) {
    %c0_i32 = arith.constant 0 : i32
    %c0_i32_0 = arith.constant 0 : i32
    %c0_i32_1 = arith.constant 0 : i32
    return %c0_i32, %c0_i32_0 : i32, i32
  }
  func.func @transform_6(%arg0: i32) -> (i32, i32) {
    %c0_i32 = arith.constant 0 : i32
    %c0_i32_0 = arith.constant 0 : i32
    %c0_i32_1 = arith.constant 0 : i32
    return %c0_i32, %c0_i32_0 : i32, i32
  }
  func.func @transform_7(%arg0: i32) -> (i32, i32) {
    %c0_i32 = arith.constant 0 : i32
    %c0_i32_0 = arith.constant 0 : i32
    %c0_i32_1 = arith.constant 0 : i32
    return %c0_i32, %c0_i32_0 : i32, i32
  }
  func.func @transform_8(%arg0: i32) -> (i32, i32) {
    %c0_i32 = arith.constant 0 : i32
    %c0_i32_0 = arith.constant 0 : i32
    %c0_i32_1 = arith.constant 0 : i32
    return %c0_i32, %c0_i32_0 : i32, i32
  }
  func.func @transform_9(%arg0: i32) -> (i32, i32) {
    %c0_i32 = arith.constant 0 : i32
    %c0_i32_0 = arith.constant 0 : i32
    %c0_i32_1 = arith.constant 0 : i32
    return %c0_i32, %c0_i32_0 : i32, i32
  }
  func.func @transform_10(%arg0: i32) -> (i32, i32) {
    %c0_i32 = arith.constant 0 : i32
    %c0_i32_0 = arith.constant 0 : i32
    %c0_i32_1 = arith.constant 0 : i32
    return %c0_i32, %c0_i32_0 : i32, i32
  }
  func.func @transform_11(%arg0: i32) -> (i32, i32) {
    %c0_i32 = arith.constant 0 : i32
    %c0_i32_0 = arith.constant 0 : i32
    %c0_i32_1 = arith.constant 0 : i32
    return %c0_i32, %c0_i32_0 : i32, i32
  }
  func.func @transform_12(%arg0: i32) -> (i32, i32) {
    %c0_i32 = arith.constant 0 : i32
    %c0_i32_0 = arith.constant 0 : i32
    %c0_i32_1 = arith.constant 0 : i32
    return %c0_i32, %c0_i32_0 : i32, i32
  }
  func.func @transform_13(%arg0: i32) -> (i32, i32) {
    %c0_i32 = arith.constant 0 : i32
    %c0_i32_0 = arith.constant 0 : i32
    %c0_i32_1 = arith.constant 0 : i32
    return %c0_i32, %c0_i32_0 : i32, i32
  }
  func.func @transform_14(%arg0: i32) -> (i32, i32) {
    %c0_i32 = arith.constant 0 : i32
    %c0_i32_0 = arith.constant 0 : i32
    %c0_i32_1 = arith.constant 0 : i32
    return %c0_i32, %c0_i32_0 : i32, i32
  }
  func.func @transform_15(%arg0: i32) -> (i32, i32) {
    %c0_i32 = arith.constant 0 : i32
    %c0_i32_0 = arith.constant 0 : i32
    %c0_i32_1 = arith.constant 0 : i32
    return %c0_i32, %c0_i32_0 : i32, i32
  }
  func.func @transform_16(%arg0: i32) -> (i32, i32) {
    %c0_i32 = arith.constant 0 : i32
    %c0_i32_0 = arith.constant 0 : i32
    %c0_i32_1 = arith.constant 0 : i32
    return %c0_i32, %c0_i32_0 : i32, i32
  }
  func.func @transform_17(%arg0: i32) -> (i32, i32) {
    %c0_i32 = arith.constant 0 : i32
    %c0_i32_0 = arith.constant 0 : i32
    %c0_i32_1 = arith.constant 0 : i32
    return %c0_i32, %c0_i32_0 : i32, i32
  }
  func.func @transform_18(%arg0: i32) -> (i32, i32) {
    %c0_i32 = arith.constant 0 : i32
    %c0_i32_0 = arith.constant 0 : i32
    %c0_i32_1 = arith.constant 0 : i32
    return %c0_i32, %c0_i32_0 : i32, i32
  }
  func.func @transform_19(%arg0: i32) -> (i32, i32) {
    %c0_i32 = arith.constant 0 : i32
    %c0_i32_0 = arith.constant 0 : i32
    %c0_i32_1 = arith.constant 0 : i32
    return %c0_i32, %c0_i32_0 : i32, i32
  }
  func.func @transform_20(%arg0: i32) -> (i32, i32) {
    %c0_i32 = arith.constant 0 : i32
    %c0_i32_0 = arith.constant 0 : i32
    %c0_i32_1 = arith.constant 0 : i32
    return %c0_i32, %c0_i32_0 : i32, i32
  }
  func.func @transform_21(%arg0: i32) -> (i32, i32) {
    %c0_i32 = arith.constant 0 : i32
    %c0_i32_0 = arith.constant 0 : i32
    %c0_i32_1 = arith.constant 0 : i32
    return %c0_i32, %c0_i32_0 : i32, i32
  }
  func.func @transform_22(%arg0: i32) -> (i32, i32, i32) {
    %c0_i32 = arith.constant 0 : i32
    %c0_i32_0 = arith.constant 0 : i32
    %c0_i32_1 = arith.constant 0 : i32
    return %arg0, %c0_i32, %c0_i32_0 : i32, i32, i32
  }
}

</mosaic_0001>

<sc_bundles>
// kernel: kernel.4.cloned.1.call-start
scs
__scs_entry_jumppad:
0x0: {  	(pc) =	sbr.rel $0x88, $3  }
0x1: {  	(tag) =	ssettag $0x0;
	lr =	simm.s32 $0x1  }
0x2: {  	[smem:$0x3F8C] =	sst lr;
	_ =	strace $0xD0000000  }
0x3: {  	_ = 	snop  }
0x4: {  	_ = 	snop  }
0x5: {  	_ = 	snop  }
0x6: {  	_ = 	snop  }
0x7: {  	_ = 	snop  }
__scs_overlays_trampoline_lowered:
0x8: {  	[smem:$0x3F9B] =	sst s0  }
0x9: {  	[smem:$0x3F9C] =	sst s1  }
0xa: {  	[smem:$0x3F9D] =	sst s2  }
0xb: {  	[smem:$0x3F9E] =	sst s3  }
0xc: {  	[smem:$0x3F9F] =	sst s4  }
0xd: {  	[smem:$0x3FA0] =	sst s5  }
0xe: {  	[smem:$0x3FA1] =	sst s6  }
0xf: {  	[smem:$0x3FA2] =	sst s7  }
0x10: {  	[smem:$0x3FA3] =	sst s8  }
0x11: {  	[smem:$0x3FA4] =	sst s9;
	s0 =	simm.s32 @!p0 $0x0  }
0x12: {  	s1 =	sld [smem:$0x3F8A];
	s0 =	simm.s32 @p0 $0x1  }
0x13: {  	[smem:$0x3FA5] =	sst s0;
	s0 =	simm.s32 @!p1 $0x0  }
0x14: {  	s2 =	sld [smem:$0x3F89];
	s0 =	simm.s32 @p1 $0x1  }
0x15: {  	[smem:$0x3FA6] =	sst s0;
	s0 =	simm.s32 @!p2 $0x0  }
0x16: {  	s3 =	sld [smem:$0x3FDB];
	s0 =	simm.s32 @p2 $0x1  }
0x17: {  	s4 =	simm.s32 $0x1BF5;
	[smem:$0x3FA8] =	sst s0  }
0x18: {  	s0 =	sld [smem:$0x3F8B];
	_ =	swait.ge [sflag:s4], $0x0  }
0x19: {  	s7 =	sld [smem:$0x3F8C]  }
0x1a: {  	s8 =	sadd.s32 $0xFFFFE003, lr  }
0x1b: {  	s9 =	sadd.s32 $0xFFFFFEF7, lr;
	s5 =	simm.s32 $0xFFFFFFFF;
	p2 =	slt.u32 s8, $0xFFFFF086  }
0x1c: {  	p1 =	slt.u32 s9, $0xF7A;
	s5 =	simm.s32 @!p2 $0x0  }
0x1d: {  	s5 =	simm.s32 @p1 $0x1;
	p0 =	seq.s32 s7, s2  }
0x1e: {  	s7 =	smul.u32 @!p0 $0xF7A, s2;
	p2 =	seq.s32 @!p0 s5, $0x0  }
0x1f: {  	s9 =	smul.u32 $0xF7A, s1;
	s8 =	simm.s32 @!p0 $0x1BF5;
	p2 =	por !p2, p0  }
0x20: {  	[sflag:s8] =	ssyncset.s32 @!p0 $0xFFFFF086;
	s6 =	sadd.s32 @!p0 s3, s7;
	s7 =	simm.s32 @!p0 $0x108  }
0x21: {  	s3 =	sadd.s32 s3, s9;
	s6 =	sadd.s32 @!p0 $0x88, s6;
	s7 =	simm.s32 @p2 $0x1082  }
0x22: {  	[simem:s7], [sflag:s8] =	dma.local @!p0 [hbm:s6], $0xF7A  }
0x23: {  	s9 =	sor.u32 $0xD0000000, s2;
	s6 =	simm.s32 $0x108;
	_ =	swait.ge @!p0 [sflag:s8], $0x0  }
0x24: {  	s3 =	sadd.s32 $0x88, s3;
	s6 =	simm.s32 @!p1 $0x1082;
	[sflag:s4] =	ssyncset.s32 $0xFFFFF086  }
0x25: {  	[simem:s6], [sflag:s4] =	dma.local [hbm:s3], $0xF7A  }
0x26: {  	[smem:$0x3F8C] =	sst s1;
	(tag) =	ssettag s2;
	_ =	strace s9  }
0x27: {  	s1 =	sld [smem:$0x3F9C]  }
0x28: {  	s2 =	sld [smem:$0x3F9D]  }
0x29: {  	s4 =	sld [smem:$0x3F9F]  }
0x2a: {  	p0 =	seq.s32 s5, $0x0;
	s5 =	sld [smem:$0x3FA0]  }
0x2b: {  	s6 =	sld [smem:$0x3FA1]  }
0x2c: {  	s7 =	sld [smem:$0x3FA2]  }
0x2d: {  	s3 =	simm.s32 $0x108;
	s8 =	sld [smem:$0x3FA3]  }
0x2e: {  	s3 =	simm.s32 @!p0 $0x1082;
	s9 =	sld [smem:$0x3FA4]  }
0x2f: {  	lr =	sadd.s32 s0, s3;
	s0 =	sld [smem:$0x3F9B]  }
0x30: {  	s3 =	sld [smem:$0x3F9E]  }
0x31: {  	[smem:$0x3FA7] =	sst s10  }
0x32: {  	s10 =	sld [smem:$0x3FA5];
	_ =	sdelay $0x3  }
0x33: {  	p0 =	seq.s32 s10, $0x1;
	s10 =	sld [smem:$0x3FA7];
	_ =	sdelay $0x3  }
0x34: {  	[smem:$0x3FA7] =	sst s10  }
0x35: {  	s10 =	sld [smem:$0x3FA6];
	_ =	sdelay $0x3  }
0x36: {  	p1 =	seq.s32 s10, $0x1;
	s10 =	sld [smem:$0x3FA7];
	_ =	sdelay $0x3  }
0x37: {  	[smem:$0x3FA7] =	sst s10  }
0x38: {  	s10 =	sld [smem:$0x3FA8]  }
0x39: {  	_ = 	snop;
	(pc) =	sbr.ind lr, $3  }
0x3a: {  	_ = 	snop  }
0x3b: {  	_ = 	snop  }
0x3c: {  	p2 =	seq.s32 s10, $0x1;
	s10 =	sld [smem:$0x3FA7]  }
0x3d: {  	_ =	shalt  }
0x3e: {  	_ =	shalt  }
0x3f: {  	_ =	shalt  }
0x40: {  	_ =	shalt  }
0x41: {  	_ =	shalt  }
0x42: {  	_ =	shalt  }
0x43: {  	_ =	shalt  }
0x44: {  	_ =	shalt  }
0x45: {  	_ =	shalt  }
0x46: {  	_ =	shalt  }
0x47: {  	_ =	shalt  }
0x48: {  	_ =	shalt  }
0x49: {  	_ =	shalt  }
0x4a: {  	_ =	shalt  }
0x4b: {  	_ =	shalt  }
0x4c: {  	_ =	shalt  }
0x4d: {  	_ =	shalt  }
0x4e: {  	_ =	shalt  }
0x4f: {  	_ =	shalt  }
0x50: {  	_ =	shalt  }
0x51: {  	_ =	shalt  }
0x52: {  	_ =	shalt  }
0x53: {  	_ =	shalt  }
0x54: {  	_ =	shalt  }
0x55: {  	_ =	shalt  }
0x56: {  	_ =	shalt  }
0x57: {  	_ =	shalt  }
0x58: {  	_ =	shalt  }
0x59: {  	_ =	shalt  }
0x5a: {  	_ =	shalt  }
0x5b: {  	_ =	shalt  }
0x5c: {  	_ =	shalt  }
0x5d: {  	_ =	shalt  }
0x5e: {  	_ =	shalt  }
0x5f: {  	_ =	shalt  }
0x60: {  	_ =	shalt  }
0x61: {  	_ =	shalt  }
0x62: {  	_ =	shalt  }
0x63: {  	_ =	shalt  }
0x64: {  	_ =	shalt  }
0x65: {  	_ =	shalt  }
0x66: {  	_ =	shalt  }
0x67: {  	_ =	shalt  }
0x68: {  	_ =	shalt  }
0x69: {  	_ =	shalt  }
0x6a: {  	_ =	shalt  }
0x6b: {  	_ =	shalt  }
0x6c: {  	_ =	shalt  }
0x6d: {  	_ =	shalt  }
0x6e: {  	_ =	shalt  }
0x6f: {  	_ =	shalt  }
0x70: {  	_ =	shalt  }
0x71: {  	_ =	shalt  }
0x72: {  	_ =	shalt  }
0x73: {  	_ =	shalt  }
0x74: {  	_ =	shalt  }
0x75: {  	_ =	shalt  }
0x76: {  	_ =	shalt  }
0x77: {  	_ =	shalt  }
0x78: {  	_ =	shalt  }
0x79: {  	_ =	shalt  }
0x7a: {  	_ =	shalt  }
0x7b: {  	_ =	shalt  }
0x7c: {  	_ =	shalt  }
0x7d: {  	_ =	shalt  }
0x7e: {  	_ =	shalt  }
0x7f: {  	_ =	shalt  }
0x80: {  	_ =	shalt  }
0x81: {  	_ =	shalt  }
0x82: {  	_ =	shalt  }
0x83: {  	_ =	shalt  }
0x84: {  	_ =	shalt  }
0x85: {  	_ =	shalt  }
0x86: {  	_ =	shalt  }
0x87: {  	_ =	shalt  }
.Lfunc_end0:
.L_simem_size_0:
called_computation_lowered:
.L_overlay_start_0:
0x88: {  	s2 =	sld [smem:$0x3FD9]  }
0x89: {  	s3 =	sld [smem:$0x3FFE];
	_ =	sdelay $0x1  }
0x8a: {  	s1 =	srdreg.scid  }
0x8b: {  	s0 =	sand.u32 $0x1, s1  }
0x8c: {  	s17 =	sshll.u32 s0, $0xA;
	s2 =	sadd.s32 s3, s2  }
0x8d: {  	s2 =	sadd.s32 s2, s17  }
0x8e: {  	[smem:$0x3FB3] =	sst s2  }
0x8f: {  	_ = 	snop  }
0x90: {  	s2 =	sld [smem:$0x3FC9]  }
0x91: {  	s18 =	sld [smem:$0x3FC5];
	(tm) =	ssettm $0x1  }
0x92: {  	s4 =	sld [smem:$0x3FFB];
	_ =	sdelay $0x3  }
0x93: {  	_ =	strace s4  }
0x94: {  	s4 =	sld [smem:$0x3FFC];
	_ =	sdelay $0x3  }
0x95: {  	_ =	strace s4  }
0x96: {  	s4 =	sld [smem:$0x3FFD];
	_ =	sdelay $0x3  }
0x97: {  	_ =	strace s4  }
0x98: {  	_ =	strace $0x8FFFFFFF  }
0x99: {  	s19 =	sld [smem:$0x3FDB];
	_ =	sdelay $0x1  }
0x9a: {  	s5 =	simm.s32 $_scs_section_size  }
0x9b: {  	s6 =	simm.s32 $_size__tile_overlayer_lowered;
	s7 =	simm.s32 $_tile_overlayer_lowered  }
0x9c: {  	s22 =	simm.s32 $0x1BFF;
	s21 =	sshll.u32 s7, $0x1;
	s4 =	sadd.s32 s5, s19  }
0x9d: {  	s8 =	simm.s32 $0x0;
	s20 =	sshll.u32 s6, $0x1;
	s6 =	sadd.s32 s21, s4  }
0x9e: {  	[timem:s8], [sflag:s22] =	dma.local [hbm:s6], s20  }
0x9f: {  	_ =	swait.ge [sflag:s22], s20  }
0xa0: {  	s5 =	ssub.s32 $0x0, s20;
	[sflag:s22] =	ssyncset.done $0x0  }
0xa1: {  	[sflag:s22] =	ssyncadd.s32 s5;
	_ =	sdelay $0x1  }
0xa2: {  	s23 =	simm.s32 $0x1B8B  }
0xa3: {  	_ =	swait.ge [sflag:s23], $0x1  }
0xa4: {  	[sflag:s23] =	ssyncset.done $0x0  }
0xa5: {  	s25 =	simm.s32 $0x1B8E;
	s24 =	sld [smem:$0x3FFE];
	[sflag:s23] =	ssyncadd.s32 $0xFFFFFFFF  }
0xa6: {  	s26 =	simm.s32 $execute0_lowered;
	[smem:$0x3FD2] =	sst s25  }
0xa7: {  	s6 =	sshll.u32 s26, $0x1;
	_ =	strace $0x80000046;
	[dreg:$0x1] =	wrdreg $0xFFFFFFFF  }
0xa8: {  	s28 =	simm.s32 $_size_execute0_lowered;
	s4 =	sadd.s32 s4, s6;
	[dreg:$0x0] =	wrdreg $0x0  }
0xa9: {  	s6 =	sshll.u32 s28, $0x1;
	[dreg:$0x2] =	wrdreg s4  }
0xaa: {  	[dreg:$0x3] =	wrdreg s6  }
0xab: {  	[dreg:$0x4] =	wrdreg $0xC0  }
0xac: {  	_ =	task [dreg:s8], $0x5FFFF  }
0xad: {  	[dreg:$0x1] =	wrdreg $0xFFFFFFFF  }
0xae: {  	[dreg:$0x0] =	wrdreg $0x60  }
0xaf: {  	[dreg:$0x2] =	wrdreg s2  }
0xb0: {  	[dreg:$0x3] =	wrdreg s18  }
0xb1: {  	[dreg:$0x4] =	wrdreg s24  }
0xb2: {  	[dreg:$0x5] =	wrdreg $0x9  }
0xb3: {  	_ =	task.clear_ibuf [dreg:s8], $0x6FFFF;
	_ =	strace $0x90000046  }
0xb4: {  	s29 =	simm.s32 $0x9;
	_ =	strace $0x80000048  }
0xb5: {  	_ =	swait.ge [sflag:s29], $0x1  }
0xb6: {  	[sflag:s29] =	ssyncadd.s32 $0xFFFFFFFF  }
0xb7: {  	_ =	strace $0x90000048  }
0xb8: {  	_ =	sfence  }
0xb9: {  	s30 =	sld [smem:$0x0];
	_ =	sdelay $0x2  }
0xba: {  	s31 =	sshll.u32 s1, $0xD;
	s1 =	sshrl.u32 s1, $0x2  }
0xbb: {  	s3 =	sand.u32 $0x4000, s31;
	s1 =	sadd.s32 s1, s30  }
0xbc: {  	s0 =	sor.u32 s3, s0;
	s1 =	sshll.u32 s1, $0x11  }
0xbd: {  	s0 =	sor.u32 s1, s0  }
0xbe: {  	s0 =	sadd.s32 $0x8F2B, s0  }
0xbf: {  	[sflag:s0] =	ssyncadd.remote.s32 $0x1  }
0xc0: {  	_ =	sfence.sel $0xFFFF  }
0xc1: {  	[dreg:$0x0] =	wrdreg $0xFFFFFFFF;
	(pc) =	sbr.abs _section_cstart, $3  }
0xc2: {  	[dreg:$0x1] =	wrdreg $0xFFFFFFFF  }
0xc3: {  	_ =	task.clear_ibuf [dreg:s8], $0x2FFFF;
	_ =	strace $0x9FFFFFFF  }
0xc4: {  	(tm) =	ssettm $0x7FFFFFFF  }
0xc5: {  	_ =	shalt  }
tec
execute0_lowered:
.L_overlay_start_1:
0x0: {  	(tag) =	ssettag $0x1  }
0x1: {  	s0 =	rddreg [dreg:$0x0]  }
0x2: {  	s1 =	rddreg [dreg:$0x1]  }
0x3: {  	s2 =	rddreg [dreg:$0x2];
	s3 =	simm.s32 $0x0;
	s4 =	srdreg.scid  }
0x4: {  	s6 =	stileid.u32;
	s14 =	simm.s32 $0x1;
	s16 =	simm.s32 $0x880  }
0x5: {  	s17 =	simm.s32 $0x1080;
	s18 =	simm.s32 $0x1880;
	s19 =	simm.s32 $0x2080  }
0x6: {  	s20 =	simm.s32 $0x2880;
	s21 =	simm.s32 $0x3080;
	s28 =	simm.s32 $0x6080  }
0x7: {  	s29 =	simm.s32 $0x6880;
	s30 =	simm.s32 $0x7080;
	s31 =	simm.s32 $0x7880  }
0x8: {  	s8 =	simm.s32 $0x9080;
	s9 =	simm.s32 $0x9880;
	s10 =	simm.s32 $0xA080  }
0x9: {  	s11 =	simm.s32 $0xA880;
	s12 =	simm.s32 $0xB080;
	s13 =	simm.s32 $0xB880  }
0xa: {  	[smem:$0x7FF] =	sst s3;
	s4 =	sand.u32 $0x1, s4;
	s6 =	sshll.u32 s6, $0x9  }
0xb: {  	s2 =	sadd.s32 $0x2A00, s2;
	s5 =	ssub.s32 $0x2, s4;
	s4 =	sshll.u32 s4, $0x8  }
0xc: {  	_ =	strace $0x80000047;
	s7 =	sshrl.u32 s5, $0x1;
	s4 =	sor.u32 s4, s6  }
0xd: {  	s5 =	ssub.s32 s5, s7;
	s6 =	sshrl.u32 s4, $0x3;
	s22 =	sshll.u32 s4, $0x6  }
0xe: {  	s4 =	sor.u32 $0x80, s4;
	s7 =	simm.s32 $0xC080;
	s6 =	sadd.s32 s0, s6  }
0xf: {  	s23 =	sadd.s32 s2, s22;
	s24 =	sshrl.u32 s4, $0x3;
	s25 =	sshll.u32 s4, $0x6  }
0x10: {  	s4 =	sadd.s32 $0x100, s1;
	s5 =	smax.u32 s5, $0x1;
	[dreg:$0x4] =	wrdreg s6  }
0x11: {  	s22 =	simm.s32 $0x3880;
	[dreg:$0x5] =	wrdreg s23;
	s0 =	sadd.s32 s0, s24  }
0x12: {  	v2 =	vlaneseq.u32;
	s26 =	sadd.s32 s2, s25;
	s6 =	simm.s32 $0x2;
	s23 =	simm.s32 $0x4080  }
0x13: {  	vm0 =	vmmov $0xffff;
	v1 =	vshrl.u32 v2, $0x3;
	s24 =	simm.s32 $0x4880;
	s25 =	simm.s32 $0x5080;
	[dreg:$0x6] =	wrdreg s0  }
0x14: {  	v0 =	vand.u32 $0x7, v2;
	v2 =	vor.u32 $0x8, v2;
	v1 =	vmul.u32 $0x8, v1;
	s2 =	simm.s32 $0x8880;
	[dreg:$0x7] =	wrdreg s26;
	s26 =	simm.s32 $0x5880  }
.LBB2_1:
0x15: {  	s15 =	rddreg [dreg:$0x4]  }
0x16: {  	[tilespmem:s3], [sflag:$0x2] =	stream.linear.gather [hbm4b:s15+s3], $0x80, $0x38;
	[tilespmem:$0x10080] =	vst v63  }
0x17: {  	_ =	swait.ge [sflag:s6], $0x80  }
0x18: {  	[sflag:s6] =	ssyncset.done $0x0  }
0x19: {  	[sflag:s6] =	ssyncadd.s32 $0xFFFFFF80  }
0x1a: {  	v3 =	vld [tilespmem:$0x0];
	_ =	sdelay $0x4  }
0x1b: {  	v4 =	vshll.u32 v3, $0x2  }
0x1c: {  	v3 =	vand.u32 $0x7, v3;
	v4 =	vand.u32 $0xFFFFFFE0, v4  }
0x1d: {  	v3 =	vor.u32 v3, v4  }
0x1e: {  	v4 =	vperm.xlane v3, v0;
	_ =	sdelay $0x1  }
0x1f: {  	v4 =	vadd.s32 v1, v4;
	_ =	sdelay $0x1  }
0x20: {  	v3 =	vperm.xlane v3, v2;
	_ =	sdelay $0x1  }
0x21: {  	s0 =	simm.s32 $0x80;
	v3 =	vadd.s32 v1, v3  }
0x22: {  	[tilespmem:s0], [sflag:$0x1] =	stream.indirect_vreg.gather [hbm4b:s1+s3], $0x80, v4, vm0, $0xb8;
	[tilespmem:$0x10080] =	vst v63  }
0x23: {  	_ = 	snop  }
0x24: {  	[tilespmem:s16], [sflag:$0x1] =	stream.indirect_vreg.gather [hbm4b:s4+s3], $0x80, v4, vm0, $0xb8;
	[tilespmem:$0x10080] =	vst v63  }
0x25: {  	_ = 	snop  }
0x26: {  	[tilespmem:s17], [sflag:$0x1] =	stream.indirect_vreg.gather [hbm4b:s1+s3], $0x80, v3, vm0, $0xb8;
	[tilespmem:$0x10080] =	vst v63  }
0x27: {  	_ = 	snop  }
0x28: {  	[tilespmem:s18], [sflag:$0x1] =	stream.indirect_vreg.gather [hbm4b:s4+s3], $0x80, v3, vm0, $0xb8;
	[tilespmem:$0x10080] =	vst v63  }
0x29: {  	v3 =	vld [tilespmem:$0x10];
	_ =	sdelay $0x4  }
0x2a: {  	v49 =	vshll.u32 v3, $0x2  }
0x2b: {  	v3 =	vand.u32 $0x7, v3;
	v4 =	vand.u32 $0xFFFFFFE0, v49  }
0x2c: {  	v3 =	vor.u32 v3, v4  }
0x2d: {  	v4 =	vperm.xlane v3, v0;
	_ =	sdelay $0x1  }
0x2e: {  	v4 =	vadd.s32 v1, v4;
	_ =	sdelay $0x1  }
0x2f: {  	v3 =	vperm.xlane v3, v2;
	_ =	sdelay $0x1  }
0x30: {  	v3 =	vadd.s32 v1, v3  }
0x31: {  	[tilespmem:s19], [sflag:$0x1] =	stream.indirect_vreg.gather [hbm4b:s1+s3], $0x80, v4, vm0, $0xb8;
	[tilespmem:$0x10080] =	vst v63  }
0x32: {  	_ = 	snop  }
0x33: {  	[tilespmem:s20], [sflag:$0x1] =	stream.indirect_vreg.gather [hbm4b:s4+s3], $0x80, v4, vm0, $0xb8;
	[tilespmem:$0x10080] =	vst v63  }
0x34: {  	_ = 	snop  }
0x35: {  	[tilespmem:s21], [sflag:$0x1] =	stream.indirect_vreg.gather [hbm4b:s1+s3], $0x80, v3, vm0, $0xb8;
	[tilespmem:$0x10080] =	vst v63  }
0x36: {  	_ = 	snop  }
0x37: {  	[tilespmem:s22], [sflag:$0x1] =	stream.indirect_vreg.gather [hbm4b:s4+s3], $0x80, v3, vm0, $0xb8;
	[tilespmem:$0x10080] =	vst v63  }
0x38: {  	v3 =	vld [tilespmem:$0x20];
	_ =	sdelay $0x4  }
0x39: {  	v50 =	vshll.u32 v3, $0x2  }
0x3a: {  	v3 =	vand.u32 $0x7, v3;
	v4 =	vand.u32 $0xFFFFFFE0, v50  }
0x3b: {  	v3 =	vor.u32 v3, v4  }
0x3c: {  	v4 =	vperm.xlane v3, v0;
	_ =	sdelay $0x1  }
0x3d: {  	v4 =	vadd.s32 v1, v4;
	_ =	sdelay $0x1  }
0x3e: {  	v3 =	vperm.xlane v3, v2;
	_ =	sdelay $0x1  }
0x3f: {  	v3 =	vadd.s32 v1, v3  }
0x40: {  	[tilespmem:s23], [sflag:$0x1] =	stream.indirect_vreg.gather [hbm4b:s1+s3], $0x80, v4, vm0, $0xb8;
	[tilespmem:$0x10080] =	vst v63  }
0x41: {  	_ = 	snop  }
0x42: {  	[tilespmem:s24], [sflag:$0x1] =	stream.indirect_vreg.gather [hbm4b:s4+s3], $0x80, v4, vm0, $0xb8;
	[tilespmem:$0x10080] =	vst v63  }
0x43: {  	_ = 	snop  }
0x44: {  	[tilespmem:s25], [sflag:$0x1] =	stream.indirect_vreg.gather [hbm4b:s1+s3], $0x80, v3, vm0, $0xb8;
	[tilespmem:$0x10080] =	vst v63  }
0x45: {  	_ = 	snop  }
0x46: {  	[tilespmem:s26], [sflag:$0x1] =	stream.indirect_vreg.gather [hbm4b:s4+s3], $0x80, v3, vm0, $0xb8;
	[tilespmem:$0x10080] =	vst v63  }
0x47: {  	v3 =	vld [tilespmem:$0x30];
	_ =	sdelay $0x4  }
0x48: {  	v51 =	vshll.u32 v3, $0x2  }
0x49: {  	v3 =	vand.u32 $0x7, v3;
	v4 =	vand.u32 $0xFFFFFFE0, v51  }
0x4a: {  	v3 =	vor.u32 v3, v4  }
0x4b: {  	v4 =	vperm.xlane v3, v0;
	_ =	sdelay $0x1  }
0x4c: {  	v4 =	vadd.s32 v1, v4;
	_ =	sdelay $0x1  }
0x4d: {  	v3 =	vperm.xlane v3, v2;
	_ =	sdelay $0x1  }
0x4e: {  	v3 =	vadd.s32 v1, v3  }
0x4f: {  	[tilespmem:s28], [sflag:$0x1] =	stream.indirect_vreg.gather [hbm4b:s1+s3], $0x80, v4, vm0, $0xb8;
	[tilespmem:$0x10080] =	vst v63  }
0x50: {  	_ = 	snop  }
0x51: {  	[tilespmem:s29], [sflag:$0x1] =	stream.indirect_vreg.gather [hbm4b:s4+s3], $0x80, v4, vm0, $0xb8;
	[tilespmem:$0x10080] =	vst v63  }
0x52: {  	_ = 	snop  }
0x53: {  	[tilespmem:s30], [sflag:$0x1] =	stream.indirect_vreg.gather [hbm4b:s1+s3], $0x80, v3, vm0, $0xb8;
	[tilespmem:$0x10080] =	vst v63  }
0x54: {  	_ = 	snop  }
0x55: {  	[tilespmem:s31], [sflag:$0x1] =	stream.indirect_vreg.gather [hbm4b:s4+s3], $0x80, v3, vm0, $0xb8;
	[tilespmem:$0x10080] =	vst v63  }
0x56: {  	v3 =	vld [tilespmem:$0x40];
	_ =	sdelay $0x4  }
0x57: {  	v52 =	vshll.u32 v3, $0x2  }
0x58: {  	v3 =	vand.u32 $0x7, v3;
	v4 =	vand.u32 $0xFFFFFFE0, v52  }
0x59: {  	v3 =	vor.u32 v3, v4  }
0x5a: {  	v4 =	vperm.xlane v3, v0;
	_ =	sdelay $0x1  }
0x5b: {  	v4 =	vadd.s32 v1, v4;
	_ =	sdelay $0x1  }
0x5c: {  	v3 =	vperm.xlane v3, v2;
	_ =	sdelay $0x1  }
0x5d: {  	s15 =	simm.s32 $0x8080;
	v3 =	vadd.s32 v1, v3  }
0x5e: {  	[tilespmem:s15], [sflag:$0x1] =	stream.indirect_vreg.gather [hbm4b:s1+s3], $0x80, v4, vm0, $0xb8;
	[tilespmem:$0x10080] =	vst v63  }
0x5f: {  	_ = 	snop  }
0x60: {  	[tilespmem:s2], [sflag:$0x1] =	stream.indirect_vreg.gather [hbm4b:s4+s3], $0x80, v4, vm0, $0xb8;
	[tilespmem:$0x10080] =	vst v63  }
0x61: {  	_ = 	snop  }
0x62: {  	[tilespmem:s8], [sflag:$0x1] =	stream.indirect_vreg.gather [hbm4b:s1+s3], $0x80, v3, vm0, $0xb8;
	[tilespmem:$0x10080] =	vst v63  }
0x63: {  	_ = 	snop  }
0x64: {  	[tilespmem:s9], [sflag:$0x1] =	stream.indirect_vreg.gather [hbm4b:s4+s3], $0x80, v3, vm0, $0xb8;
	[tilespmem:$0x10080] =	vst v63  }
0x65: {  	v3 =	vld [tilespmem:$0x50];
	_ =	sdelay $0x4  }
0x66: {  	v53 =	vshll.u32 v3, $0x2  }
0x67: {  	v3 =	vand.u32 $0x7, v3;
	v4 =	vand.u32 $0xFFFFFFE0, v53  }
0x68: {  	v3 =	vor.u32 v3, v4  }
0x69: {  	v4 =	vperm.xlane v3, v0;
	_ =	sdelay $0x1  }
0x6a: {  	v4 =	vadd.s32 v1, v4;
	_ =	sdelay $0x1  }
0x6b: {  	v3 =	vperm.xlane v3, v2;
	_ =	sdelay $0x1  }
0x6c: {  	v3 =	vadd.s32 v1, v3  }
0x6d: {  	[tilespmem:s10], [sflag:$0x1] =	stream.indirect_vreg.gather [hbm4b:s1+s3], $0x80, v4, vm0, $0xb8;
	[tilespmem:$0x10080] =	vst v63  }
0x6e: {  	_ = 	snop  }
0x6f: {  	[tilespmem:s11], [sflag:$0x1] =	stream.indirect_vreg.gather [hbm4b:s4+s3], $0x80, v4, vm0, $0xb8;
	[tilespmem:$0x10080] =	vst v63  }
0x70: {  	_ = 	snop  }
0x71: {  	[tilespmem:s12], [sflag:$0x1] =	stream.indirect_vreg.gather [hbm4b:s1+s3], $0x80, v3, vm0, $0xb8;
	[tilespmem:$0x10080] =	vst v63  }
0x72: {  	_ = 	snop  }
0x73: {  	[tilespmem:s13], [sflag:$0x1] =	stream.indirect_vreg.gather [hbm4b:s4+s3], $0x80, v3, vm0, $0xb8;
	[tilespmem:$0x10080] =	vst v63  }
0x74: {  	v3 =	vld [tilespmem:$0x60];
	_ =	sdelay $0x4  }
0x75: {  	v54 =	vshll.u32 v3, $0x2  }
0x76: {  	v3 =	vand.u32 $0x7, v3;
	v4 =	vand.u32 $0xFFFFFFE0, v54  }
0x77: {  	v3 =	vor.u32 v3, v4  }
0x78: {  	v4 =	vperm.xlane v3, v0;
	_ =	sdelay $0x1  }
0x79: {  	v4 =	vadd.s32 v1, v4;
	_ =	sdelay $0x1  }
0x7a: {  	v3 =	vperm.xlane v3, v2;
	_ =	sdelay $0x1  }
0x7b: {  	v3 =	vadd.s32 v1, v3  }
0x7c: {  	[tilespmem:s7], [sflag:$0x1] =	stream.indirect_vreg.gather [hbm4b:s1+s3], $0x80, v4, vm0, $0xb8;
	[tilespmem:$0x10080] =	vst v63  }
0x7d: {  	s15 =	simm.s32 $0xC880  }
0x7e: {  	[tilespmem:s15], [sflag:$0x1] =	stream.indirect_vreg.gather [hbm4b:s4+s3], $0x80, v4, vm0, $0xb8;
	[tilespmem:$0x10080] =	vst v63  }
0x7f: {  	s15 =	simm.s32 $0xD080  }
0x80: {  	[tilespmem:s15], [sflag:$0x1] =	stream.indirect_vreg.gather [hbm4b:s1+s3], $0x80, v3, vm0, $0xb8;
	[tilespmem:$0x10080] =	vst v63  }
0x81: {  	s15 =	simm.s32 $0xD880  }
0x82: {  	[tilespmem:s15], [sflag:$0x1] =	stream.indirect_vreg.gather [hbm4b:s4+s3], $0x80, v3, vm0, $0xb8;
	[tilespmem:$0x10080] =	vst v63  }
0x83: {  	v3 =	vld [tilespmem:$0x70];
	_ =	sdelay $0x4  }
0x84: {  	v55 =	vshll.u32 v3, $0x2  }
0x85: {  	v3 =	vand.u32 $0x7, v3;
	v4 =	vand.u32 $0xFFFFFFE0, v55  }
0x86: {  	v3 =	vor.u32 v3, v4  }
0x87: {  	v4 =	vperm.xlane v3, v0;
	_ =	sdelay $0x1  }
0x88: {  	v4 =	vadd.s32 v1, v4;
	_ =	sdelay $0x1  }
0x89: {  	v3 =	vperm.xlane v3, v2;
	_ =	sdelay $0x1  }
0x8a: {  	s15 =	simm.s32 $0xE080;
	v3 =	vadd.s32 v1, v3  }
0x8b: {  	[tilespmem:s15], [sflag:$0x1] =	stream.indirect_vreg.gather [hbm4b:s1+s3], $0x80, v4, vm0, $0xb8;
	[tilespmem:$0x10080] =	vst v63  }
0x8c: {  	s15 =	simm.s32 $0xE880  }
0x8d: {  	[tilespmem:s15], [sflag:$0x1] =	stream.indirect_vreg.gather [hbm4b:s4+s3], $0x80, v4, vm0, $0xb8;
	[tilespmem:$0x10080] =	vst v63  }
0x8e: {  	s15 =	simm.s32 $0xF080  }
0x8f: {  	[tilespmem:s15], [sflag:$0x1] =	stream.indirect_vreg.gather [hbm4b:s1+s3], $0x80, v3, vm0, $0xb8;
	[tilespmem:$0x10080] =	vst v63  }
0x90: {  	s15 =	simm.s32 $0xF880  }
0x91: {  	[tilespmem:s15], [sflag:$0x1] =	stream.indirect_vreg.gather [hbm4b:s4+s3], $0x80, v3, vm0, $0xb8;
	[tilespmem:$0x10080] =	vst v63  }
0x92: {  	_ =	swait.ge [sflag:s14], $0x10000  }
0x93: {  	[sflag:s14] =	ssyncset.done $0x0  }
0x94: {  	s0 =	simm.s32 $0x80;
	s15 =	rddreg [dreg:$0x5];
	[sflag:s14] =	ssyncadd.s32 $0xFFFF0000  }
0x95: {  	[hbm4b:s15+s3] =	stream.linear.scatter [tilespmem:s0], [sflag:$0x2], $0x10000, $0x38;
	[tilespmem:$0x10080] =	vst v63  }
0x96: {  	_ =	swait.ge [sflag:s6], $0x10000  }
0x97: {  	[sflag:s6] =	ssyncset.done $0x0  }
0x98: {  	s15 =	rddreg [dreg:$0x6];
	[sflag:s6] =	ssyncadd.s32 $0xFFFF0000  }
0x99: {  	[tilespmem:s3], [sflag:$0x2] =	stream.linear.gather [hbm4b:s15+s3], $0x80, $0x38;
	[tilespmem:$0x10080] =	vst v63  }
0x9a: {  	_ =	swait.ge [sflag:s6], $0x80  }
0x9b: {  	[sflag:s6] =	ssyncset.done $0x0  }
0x9c: {  	[sflag:s6] =	ssyncadd.s32 $0xFFFFFF80  }
0x9d: {  	v3 =	vld [tilespmem:$0x0];
	_ =	sdelay $0x4  }
0x9e: {  	v56 =	vshll.u32 v3, $0x2  }
0x9f: {  	v3 =	vand.u32 $0x7, v3;
	v4 =	vand.u32 $0xFFFFFFE0, v56  }
0xa0: {  	v3 =	vor.u32 v3, v4  }
0xa1: {  	v4 =	vperm.xlane v3, v0;
	_ =	sdelay $0x1  }
0xa2: {  	v4 =	vadd.s32 v1, v4;
	_ =	sdelay $0x1  }
0xa3: {  	v3 =	vperm.xlane v3, v2;
	_ =	sdelay $0x1  }
0xa4: {  	v3 =	vadd.s32 v1, v3  }
0xa5: {  	[tilespmem:s0], [sflag:$0x1] =	stream.indirect_vreg.gather [hbm4b:s1+s3], $0x80, v4, vm0, $0xb8;
	[tilespmem:$0x10080] =	vst v63  }
0xa6: {  	_ = 	snop  }
0xa7: {  	[tilespmem:s16], [sflag:$0x1] =	stream.indirect_vreg.gather [hbm4b:s4+s3], $0x80, v4, vm0, $0xb8;
	[tilespmem:$0x10080] =	vst v63  }
0xa8: {  	_ = 	snop  }
0xa9: {  	[tilespmem:s17], [sflag:$0x1] =	stream.indirect_vreg.gather [hbm4b:s1+s3], $0x80, v3, vm0, $0xb8;
	[tilespmem:$0x10080] =	vst v63  }
0xaa: {  	_ = 	snop  }
0xab: {  	[tilespmem:s18], [sflag:$0x1] =	stream.indirect_vreg.gather [hbm4b:s4+s3], $0x80, v3, vm0, $0xb8;
	[tilespmem:$0x10080] =	vst v63  }
0xac: {  	v3 =	vld [tilespmem:$0x10];
	_ =	sdelay $0x4  }
0xad: {  	v57 =	vshll.u32 v3, $0x2  }
0xae: {  	v3 =	vand.u32 $0x7, v3;
	v4 =	vand.u32 $0xFFFFFFE0, v57  }
0xaf: {  	v3 =	vor.u32 v3, v4  }
0xb0: {  	v4 =	vperm.xlane v3, v0;
	_ =	sdelay $0x1  }
0xb1: {  	v4 =	vadd.s32 v1, v4;
	_ =	sdelay $0x1  }
0xb2: {  	v3 =	vperm.xlane v3, v2;
	_ =	sdelay $0x1  }
0xb3: {  	v3 =	vadd.s32 v1, v3  }
0xb4: {  	[tilespmem:s19], [sflag:$0x1] =	stream.indirect_vreg.gather [hbm4b:s1+s3], $0x80, v4, vm0, $0xb8;
	[tilespmem:$0x10080] =	vst v63  }
0xb5: {  	_ = 	snop  }
0xb6: {  	[tilespmem:s20], [sflag:$0x1] =	stream.indirect_vreg.gather [hbm4b:s4+s3], $0x80, v4, vm0, $0xb8;
	[tilespmem:$0x10080] =	vst v63  }
0xb7: {  	_ = 	snop  }
0xb8: {  	[tilespmem:s21], [sflag:$0x1] =	stream.indirect_vreg.gather [hbm4b:s1+s3], $0x80, v3, vm0, $0xb8;
	[tilespmem:$0x10080] =	vst v63  }
0xb9: {  	_ = 	snop  }
0xba: {  	[tilespmem:s22], [sflag:$0x1] =	stream.indirect_vreg.gather [hbm4b:s4+s3], $0x80, v3, vm0, $0xb8;
	[tilespmem:$0x10080] =	vst v63  }
0xbb: {  	v3 =	vld [tilespmem:$0x20];
	_ =	sdelay $0x4  }
0xbc: {  	v58 =	vshll.u32 v3, $0x2  }
0xbd: {  	v3 =	vand.u32 $0x7, v3;
	v4 =	vand.u32 $0xFFFFFFE0, v58  }
0xbe: {  	v3 =	vor.u32 v3, v4  }
0xbf: {  	v4 =	vperm.xlane v3, v0;
	_ =	sdelay $0x1  }
0xc0: {  	v4 =	vadd.s32 v1, v4;
	_ =	sdelay $0x1  }
0xc1: {  	v3 =	vperm.xlane v3, v2;
	_ =	sdelay $0x1  }
0xc2: {  	v3 =	vadd.s32 v1, v3  }
0xc3: {  	[tilespmem:s23], [sflag:$0x1] =	stream.indirect_vreg.gather [hbm4b:s1+s3], $0x80, v4, vm0, $0xb8;
	[tilespmem:$0x10080] =	vst v63  }
0xc4: {  	_ = 	snop  }
0xc5: {  	[tilespmem:s24], [sflag:$0x1] =	stream.indirect_vreg.gather [hbm4b:s4+s3], $0x80, v4, vm0, $0xb8;
	[tilespmem:$0x10080] =	vst v63  }
0xc6: {  	_ = 	snop  }
0xc7: {  	[tilespmem:s25], [sflag:$0x1] =	stream.indirect_vreg.gather [hbm4b:s1+s3], $0x80, v3, vm0, $0xb8;
	[tilespmem:$0x10080] =	vst v63  }
0xc8: {  	_ = 	snop  }
0xc9: {  	[tilespmem:s26], [sflag:$0x1] =	stream.indirect_vreg.gather [hbm4b:s4+s3], $0x80, v3, vm0, $0xb8;
	[tilespmem:$0x10080] =	vst v63  }
0xca: {  	v3 =	vld [tilespmem:$0x30];
	_ =	sdelay $0x4  }
0xcb: {  	v59 =	vshll.u32 v3, $0x2  }
0xcc: {  	v3 =	vand.u32 $0x7, v3;
	v4 =	vand.u32 $0xFFFFFFE0, v59  }
0xcd: {  	v3 =	vor.u32 v3, v4  }
0xce: {  	v4 =	vperm.xlane v3, v0;
	_ =	sdelay $0x1  }
0xcf: {  	v4 =	vadd.s32 v1, v4;
	_ =	sdelay $0x1  }
0xd0: {  	v3 =	vperm.xlane v3, v2;
	_ =	sdelay $0x1  }
0xd1: {  	v3 =	vadd.s32 v1, v3  }
0xd2: {  	[tilespmem:s28], [sflag:$0x1] =	stream.indirect_vreg.gather [hbm4b:s1+s3], $0x80, v4, vm0, $0xb8;
	[tilespmem:$0x10080] =	vst v63  }
0xd3: {  	_ = 	snop  }
0xd4: {  	[tilespmem:s29], [sflag:$0x1] =	stream.indirect_vreg.gather [hbm4b:s4+s3], $0x80, v4, vm0, $0xb8;
	[tilespmem:$0x10080] =	vst v63  }
0xd5: {  	_ = 	snop  }
0xd6: {  	[tilespmem:s30], [sflag:$0x1] =	stream.indirect_vreg.gather [hbm4b:s1+s3], $0x80, v3, vm0, $0xb8;
	[tilespmem:$0x10080] =	vst v63  }
0xd7: {  	_ = 	snop  }
0xd8: {  	[tilespmem:s31], [sflag:$0x1] =	stream.indirect_vreg.gather [hbm4b:s4+s3], $0x80, v3, vm0, $0xb8;
	[tilespmem:$0x10080] =	vst v63  }
0xd9: {  	v3 =	vld [tilespmem:$0x40];
	_ =	sdelay $0x4  }
0xda: {  	v60 =	vshll.u32 v3, $0x2  }
0xdb: {  	v3 =	vand.u32 $0x7, v3;
	v4 =	vand.u32 $0xFFFFFFE0, v60  }
0xdc: {  	v3 =	vor.u32 v3, v4  }
0xdd: {  	v4 =	vperm.xlane v3, v0;
	_ =	sdelay $0x1  }
0xde: {  	v4 =	vadd.s32 v1, v4;
	_ =	sdelay $0x1  }
0xdf: {  	v3 =	vperm.xlane v3, v2;
	_ =	sdelay $0x1  }
0xe0: {  	s15 =	simm.s32 $0x8080;
	v3 =	vadd.s32 v1, v3  }
0xe1: {  	[tilespmem:s15], [sflag:$0x1] =	stream.indirect_vreg.gather [hbm4b:s1+s3], $0x80, v4, vm0, $0xb8;
	[tilespmem:$0x10080] =	vst v63  }
0xe2: {  	_ = 	snop  }
0xe3: {  	[tilespmem:s2], [sflag:$0x1] =	stream.indirect_vreg.gather [hbm4b:s4+s3], $0x80, v4, vm0, $0xb8;
	[tilespmem:$0x10080] =	vst v63  }
0xe4: {  	_ = 	snop  }
0xe5: {  	[tilespmem:s8], [sflag:$0x1] =	stream.indirect_vreg.gather [hbm4b:s1+s3], $0x80, v3, vm0, $0xb8;
	[tilespmem:$0x10080] =	vst v63  }
0xe6: {  	_ = 	snop  }
0xe7: {  	[tilespmem:s9], [sflag:$0x1] =	stream.indirect_vreg.gather [hbm4b:s4+s3], $0x80, v3, vm0, $0xb8;
	[tilespmem:$0x10080] =	vst v63  }
0xe8: {  	v3 =	vld [tilespmem:$0x50];
	_ =	sdelay $0x4  }
0xe9: {  	v61 =	vshll.u32 v3, $0x2  }
0xea: {  	v3 =	vand.u32 $0x7, v3;
	v4 =	vand.u32 $0xFFFFFFE0, v61  }
0xeb: {  	v3 =	vor.u32 v3, v4  }
0xec: {  	v4 =	vperm.xlane v3, v0;
	_ =	sdelay $0x1  }
0xed: {  	v4 =	vadd.s32 v1, v4;
	_ =	sdelay $0x1  }
0xee: {  	v3 =	vperm.xlane v3, v2;
	_ =	sdelay $0x1  }
0xef: {  	v3 =	vadd.s32 v1, v3  }
0xf0: {  	[tilespmem:s10], [sflag:$0x1] =	stream.indirect_vreg.gather [hbm4b:s1+s3], $0x80, v4, vm0, $0xb8;
	[tilespmem:$0x10080] =	vst v63  }
0xf1: {  	_ = 	snop  }
0xf2: {  	[tilespmem:s11], [sflag:$0x1] =	stream.indirect_vreg.gather [hbm4b:s4+s3], $0x80, v4, vm0, $0xb8;
	[tilespmem:$0x10080] =	vst v63  }
0xf3: {  	_ = 	snop  }
0xf4: {  	[tilespmem:s12], [sflag:$0x1] =	stream.indirect_vreg.gather [hbm4b:s1+s3], $0x80, v3, vm0, $0xb8;
	[tilespmem:$0x10080] =	vst v63  }
0xf5: {  	_ = 	snop  }
0xf6: {  	[tilespmem:s13], [sflag:$0x1] =	stream.indirect_vreg.gather [hbm4b:s4+s3], $0x80, v3, vm0, $0xb8;
	[tilespmem:$0x10080] =	vst v63  }
0xf7: {  	v3 =	vld [tilespmem:$0x60];
	_ =	sdelay $0x4  }
0xf8: {  	v62 =	vshll.u32 v3, $0x2  }
0xf9: {  	v3 =	vand.u32 $0x7, v3;
	v4 =	vand.u32 $0xFFFFFFE0, v62  }
0xfa: {  	v3 =	vor.u32 v3, v4  }
0xfb: {  	v4 =	vperm.xlane v3, v0;
	_ =	sdelay $0x1  }
0xfc: {  	v4 =	vadd.s32 v1, v4;
	_ =	sdelay $0x1  }
0xfd: {  	v3 =	vperm.xlane v3, v2;
	_ =	sdelay $0x1  }
0xfe: {  	v3 =	vadd.s32 v1, v3  }
0xff: {  	[tilespmem:s7], [sflag:$0x1] =	stream.indirect_vreg.gather [hbm4b:s1+s3], $0x80, v4, vm0, $0xb8;
	[tilespmem:$0x10080] =	vst v63  }
0x100: {  	s15 =	simm.s32 $0xC880  }
0x101: {  	[tilespmem:s15], [sflag:$0x1] =	stream.indirect_vreg.gather [hbm4b:s4+s3], $0x80, v4, vm0, $0xb8;
	[tilespmem:$0x10080] =	vst v63  }
0x102: {  	s15 =	simm.s32 $0xD080  }
0x103: {  	[tilespmem:s15], [sflag:$0x1] =	stream.indirect_vreg.gather [hbm4b:s1+s3], $0x80, v3, vm0, $0xb8;
	[tilespmem:$0x10080] =	vst v63  }
0x104: {  	s15 =	simm.s32 $0xD880  }
0x105: {  	[tilespmem:s15], [sflag:$0x1] =	stream.indirect_vreg.gather [hbm4b:s4+s3], $0x80, v3, vm0, $0xb8;
	[tilespmem:$0x10080] =	vst v63  }
0x106: {  	v3 =	vld [tilespmem:$0x70];
	_ =	sdelay $0x4  }
0x107: {  	v63 =	vshll.u32 v3, $0x2  }
0x108: {  	v3 =	vand.u32 $0x7, v3;
	v4 =	vand.u32 $0xFFFFFFE0, v63  }
0x109: {  	v3 =	vor.u32 v3, v4  }
0x10a: {  	v4 =	vperm.xlane v3, v0;
	_ =	sdelay $0x1  }
0x10b: {  	v4 =	vadd.s32 v1, v4;
	_ =	sdelay $0x1  }
0x10c: {  	v3 =	vperm.xlane v3, v2;
	_ =	sdelay $0x1  }
0x10d: {  	s15 =	simm.s32 $0xE080;
	v3 =	vadd.s32 v1, v3  }
0x10e: {  	[tilespmem:s15], [sflag:$0x1] =	stream.indirect_vreg.gather [hbm4b:s1+s3], $0x80, v4, vm0, $0xb8;
	[tilespmem:$0x10080] =	vst v63  }
0x10f: {  	s15 =	simm.s32 $0xE880  }
0x110: {  	[tilespmem:s15], [sflag:$0x1] =	stream.indirect_vreg.gather [hbm4b:s4+s3], $0x80, v4, vm0, $0xb8;
	[tilespmem:$0x10080] =	vst v63  }
0x111: {  	s15 =	simm.s32 $0xF080  }
0x112: {  	[tilespmem:s15], [sflag:$0x1] =	stream.indirect_vreg.gather [hbm4b:s1+s3], $0x80, v3, vm0, $0xb8;
	[tilespmem:$0x10080] =	vst v63  }
0x113: {  	s15 =	simm.s32 $0xF880  }
0x114: {  	[tilespmem:s15], [sflag:$0x1] =	stream.indirect_vreg.gather [hbm4b:s4+s3], $0x80, v3, vm0, $0xb8;
	[tilespmem:$0x10080] =	vst v63  }
0x115: {  	_ =	swait.ge [sflag:s14], $0x10000  }
0x116: {  	p0 =	sne.s32 s5, $0x1;
	s0 =	simm.s32 $0x80;
	[sflag:s14] =	ssyncset.done $0x0  }
.Ltmp0:
0x117: {  	s15 =	rddreg [dreg:$0x7];
	[sflag:s14] =	ssyncadd.s32 $0xFFFF0000;
	(pc) =	sbr.rel @p0 .LBB2_1-.Ltmp0, $4  }
0x118: {  	[hbm4b:s15+s3] =	stream.linear.scatter [tilespmem:s0], [sflag:$0x2], $0x10000, $0x38;
	[tilespmem:$0x10080] =	vst v63  }
0x119: {  	_ =	swait.ge [sflag:s6], $0x10000  }
0x11a: {  	[sflag:s6] =	ssyncset.done $0x0  }
0x11b: {  	s5 =	sadd.s32 $0xFFFFFFFF, s5;
	[sflag:s6] =	ssyncadd.s32 $0xFFFF0000  }
0x11c: {  	_ =	sfence.sel $0x180000  }
0x11d: {  	[bflag:$0x0] =	sbarrier.arrive $0xFFFF  }
0x11e: {  	_ =	strace $0x90000047  }
0x11f: {  	s0 =	stileid.u32;
	[bflag:$0x2] =	sbarrier.arrive $0xFFFF  }
0x120: {  	p0 =	sne.s32 s0, $0x0;
	s0 =	rddreg [dreg:$0x3]  }
0x121: {  	s0 =	sadd.s32 @!p0 $0x100000, s0  }
0x122: {  	[sflag:s0] =	ssyncadd.tile.s32 @!p0 $0x1;
	_ =	shalt  }
.Lfunc_end2:
_tile_overlayer_lowered:
.L_overlay_start_2:
0x123: {  	(tag) =	ssettag $0x2  }
0x124: {  	s0 =	rddreg [dreg:$0x0];
	s2 =	stileid.u32  }
0x125: {  	s1 =	rddreg [dreg:$0x1];
	p0 =	sne.s32 s2, $0x0  }
0x126: {  	s3 =	rddreg [dreg:$0x2];
	[bflag:$0x3] =	sbarrier.arrive $0xFFFF;
	s2 =	simm.s32 @!p0 $0x1C02  }
0x127: {  	[timem:s3], [sflag:s2] =	dma.local @!p0 [hbm:s0], s1  }
0x128: {  	s0 =	simm.s32 @!p0 $0x2  }
0x129: {  	_ =	swait.ge @!p0 [sflag:s0], s1  }
0x12a: {  	s1 =	ssub.s32 @!p0 $0x0, s1;
	[sflag:s0] =	ssyncset.done @!p0 $0x0  }
0x12b: {  	[sflag:s0] =	ssyncadd.s32 @!p0 s1  }
0x12c: {  	[bflag:$0x3] =	sbarrier.arrive $0xFFFF  }
0x12d: {  	_ =	shalt  }

</sc_bundles>
